<compile_context>
chip_gen: v7x
topology: tpu7x:2x2x1
jax: 0.10.2.dev20260603
libtpu: 0.0.44.dev20260713+nightly
codegen_flags: <defaults>
</compile_context>

<pallas_src>
import functools
import math

import jax
import jax.numpy as jnp
from jax import lax
from jax.experimental import pallas as pl
from jax.experimental.pallas import tpu as pltpu
from jax.experimental.pallas import tpu_sc as plsc

_NH = 8
_FK = 4
_SB = 100
_C = 400
_NSB = _C // _SB
_NW = 32
_INV = 1.0 / math.sqrt(32.0)


def _splat(v):
    return jnp.full((16,), v, jnp.int32)


def _sc_pass1(k0, k1, qcat, ei3, zeros):
    E = k0.shape[0]
    N = qcat.shape[0]
    PW = E // _NW
    NCH = PW // _C
    G = _C // 16
    N16 = N // 16
    mesh = plsc.VectorSubcoreMesh(core_axis_name="c", subcore_axis_name="s")

    @functools.partial(
        pl.kernel,
        out_type=(jax.ShapeDtypeStruct((E, _NH), jnp.float32),
                  jax.ShapeDtypeStruct((2, N, _NH), jnp.float32)),
        mesh=mesh,
        compiler_params=pltpu.CompilerParams(use_tc_tiling_on_sc=False,
                                             needs_layout_passes=False),
        scratch_types=[
            pltpu.VMEM((_C, 8), jnp.float32),
            pltpu.VMEM((_C, 24), jnp.float32),
            pltpu.VMEM((_C, 32), jnp.float32),
            pltpu.VMEM((_C, 8), jnp.float32),
            pltpu.VMEM((2, _NSB, _SB), jnp.int32),
            pltpu.VMEM_SHARED((N, _NH), jnp.float32),
        ],
    )
    def kern(k0_h, k1_h, q_h, ei_h, z_h, e_h, sp_h,
             k0b, k1b, qgb, ecb, idxb, s_sh):
        core = lax.axis_index("c")
        sub = lax.axis_index("s")
        wid = core * 16 + sub
        pltpu.sync_copy(z_h.at[pl.ds(sub * N16, N16), pl.ds(0, _NH)],
                        s_sh.at[pl.ds(sub * N16, N16)])
        plsc.subcore_barrier()
        iota = lax.iota(jnp.int32, 16)

        @pl.loop(0, NCH)
        def _chunk(i):
            eb = wid * PW + i * _C
            rb = wid * (PW // _SB) + i * _NSB
            pltpu.sync_copy(k0_h.at[pl.ds(eb, _C)], k0b)
            pltpu.sync_copy(k1_h.at[pl.ds(eb, _C)], k1b)
            pltpu.sync_copy(ei_h.at[:, pl.ds(rb, _NSB)], idxb)
            for j in range(_NSB):
                pltpu.sync_copy(q_h.at[idxb.at[1, j]],
                                qgb.at[pl.ds(j * _SB, _SB)])

            @pl.loop(0, G)
            def _group(g):
                cv = iota + g * 16
                for h in range(_NH):
                    acc = (plsc.load_gather(k0b, [cv, _splat(h)]) *
                           plsc.load_gather(qgb, [cv, _splat(4 * h)]))
                    for d in range(3):
                        acc = acc + (
                            plsc.load_gather(k1b, [cv, _splat(3 * h + d)]) *
                            plsc.load_gather(qgb, [cv, _splat(4 * h + 1 + d)]))
                    plsc.store_scatter(ecb, [cv, _splat(h)],
                                       jnp.exp(acc * _INV))

            pltpu.sync_copy(ecb, e_h.at[pl.ds(eb, _C)])
            for j in range(_NSB):
                pltpu.sync_copy(ecb.at[pl.ds(j * _SB, _SB)],
                                s_sh.at[idxb.at[0, j]], add=True)

        plsc.subcore_barrier()
        pltpu.sync_copy(s_sh.at[pl.ds(sub * N16, N16)],
                        sp_h.at[core, pl.ds(sub * N16, N16)])

    return kern(k0, k1, qcat, ei3, zeros)


def _sc_pass2(ev, sv, v0, v1, ei3, zeros):
    E = v0.shape[0]
    N = sv.shape[0]
    PW = E // _NW
    NCH = PW // _C
    G = _C // 16
    N16 = N // 16
    mesh = plsc.VectorSubcoreMesh(core_axis_name="c", subcore_axis_name="s")

    @functools.partial(
        pl.kernel,
        out_type=(jax.ShapeDtypeStruct((2, N, 8), jnp.float32),
                  jax.ShapeDtypeStruct((2, N, 24), jnp.float32)),
        mesh=mesh,
        compiler_params=pltpu.CompilerParams(use_tc_tiling_on_sc=False,
                                             needs_layout_passes=False),
        scratch_types=[
            pltpu.VMEM((_C, 8), jnp.float32),
            pltpu.VMEM((_C, 8), jnp.float32),
            pltpu.VMEM((_C, 24), jnp.float32),
            pltpu.VMEM((_C, 8), jnp.float32),
            pltpu.VMEM((2, _NSB, _SB), jnp.int32),
            pltpu.VMEM_SHARED((N, 8), jnp.float32),
            pltpu.VMEM_SHARED((N, 24), jnp.float32),
        ],
    )
    def kern(e_h, s_h, v0_h, v1_h, ei_h, z_h, op0_h, op1_h,
             ecb, v0b, v1b, sgb, idxb, o0_sh, o1_sh):
        core = lax.axis_index("c")
        sub = lax.axis_index("s")
        wid = core * 16 + sub
        pltpu.sync_copy(z_h.at[pl.ds(sub * N16, N16), pl.ds(0, 8)],
                        o0_sh.at[pl.ds(sub * N16, N16)])
        pltpu.sync_copy(z_h.at[pl.ds(sub * N16, N16), pl.ds(0, 24)],
                        o1_sh.at[pl.ds(sub * N16, N16)])
        plsc.subcore_barrier()
        iota = lax.iota(jnp.int32, 16)

        @pl.loop(0, NCH)
        def _chunk(i):
            eb = wid * PW + i * _C
            rb = wid * (PW // _SB) + i * _NSB
            pltpu.sync_copy(e_h.at[pl.ds(eb, _C)], ecb)
            pltpu.sync_copy(v0_h.at[pl.ds(eb, _C)], v0b)
            pltpu.sync_copy(v1_h.at[pl.ds(eb, _C)], v1b)
            pltpu.sync_copy(ei_h.at[:, pl.ds(rb, _NSB)], idxb)
            for j in range(_NSB):
                pltpu.sync_copy(s_h.at[idxb.at[0, j]],
                                sgb.at[pl.ds(j * _SB, _SB)])

            @pl.loop(0, G)
            def _group(g):
                cv = iota + g * 16
                for h in range(_NH):
                    av = (plsc.load_gather(ecb, [cv, _splat(h)]) /
                          plsc.load_gather(sgb, [cv, _splat(h)]))
                    plsc.store_scatter(
                        v0b, [cv, _splat(h)],
                        av * plsc.load_gather(v0b, [cv, _splat(h)]))
                    for d in range(3):
                        plsc.store_scatter(
                            v1b, [cv, _splat(3 * h + d)],
                            av * plsc.load_gather(v1b, [cv, _splat(3 * h + d)]))

            for j in range(_NSB):
                pltpu.sync_copy(v0b.at[pl.ds(j * _SB, _SB)],
                                o0_sh.at[idxb.at[1, j]], add=True)
                pltpu.sync_copy(v1b.at[pl.ds(j * _SB, _SB)],
                                o1_sh.at[idxb.at[1, j]], add=True)

        plsc.subcore_barrier()
        pltpu.sync_copy(o0_sh.at[pl.ds(sub * N16, N16)],
                        op0_h.at[core, pl.ds(sub * N16, N16)])
        pltpu.sync_copy(o1_sh.at[pl.ds(sub * N16, N16)],
                        op1_h.at[core, pl.ds(sub * N16, N16)])

    return kern(ev, sv, v0, v1, ei3, zeros)


def _combine_s(sp):
    N = sp.shape[1]
    blk = 2000

    def body(x_ref, o_ref):
        o_ref[...] = x_ref[0] + x_ref[1]

    return pl.pallas_call(
        body,
        grid=(N // blk,),
        in_specs=[pl.BlockSpec((2, blk, 8), lambda i: (0, i, 0))],
        out_specs=pl.BlockSpec((blk, 8), lambda i: (i, 0)),
        out_shape=jax.ShapeDtypeStruct((N, 8), jnp.float32),
    )(sp)


def _combine_out(op0, op1):
    N = op0.shape[1]
    blk = 2000

    def body(x0_ref, x1_ref, o0_ref, o1_ref):
        o0_ref[...] = x0_ref[0] + x0_ref[1]
        o1_ref[...] = x1_ref[0] + x1_ref[1]

    return pl.pallas_call(
        body,
        grid=(N // blk,),
        in_specs=[pl.BlockSpec((2, blk, 8), lambda i: (0, i, 0)),
                  pl.BlockSpec((2, blk, 24), lambda i: (0, i, 0))],
        out_specs=[pl.BlockSpec((blk, 8), lambda i: (i, 0)),
                   pl.BlockSpec((blk, 24), lambda i: (i, 0))],
        out_shape=(jax.ShapeDtypeStruct((N, 8), jnp.float32),
                   jax.ShapeDtypeStruct((N, 24), jnp.float32)),
    )(op0, op1)


def kernel(v_0, v_1, k_0, k_1, q_0, q_1, edge_index):
    E = v_0.shape[0]
    N = q_0.shape[0]
    k0 = k_0.reshape(E, 8)
    k1 = k_1.reshape(E, 24)
    v0 = v_0.reshape(E, 8)
    v1 = v_1.reshape(E, 24)
    qcat = jnp.concatenate([q_0, q_1], axis=-1).reshape(N, 32)
    ei3 = edge_index.reshape(2, E // _SB, _SB)
    zeros = jnp.zeros((N, 32), jnp.float32)

    ev, sp = _sc_pass1(k0, k1, qcat, ei3, zeros)
    s = _combine_s(sp)
    op0, op1 = _sc_pass2(ev, s, v0, v1, ei3, zeros)
    o0, o1 = _combine_out(op0, op1)
    return (o0.reshape(N, 8, 1), o1.reshape(N, 8, 3))

# --- scband reference (transcript-rebuilt; emitter-appended) ---
"""Pipeline reference for scband-gmabse3-48902497632450 (READ-ONLY COPY).

The authoritative reference and input builder live on the scoring server;
editing this copy changes nothing except your own understanding.
"""

import jax, jax.numpy as jnp
import numpy as np

N_NODES = 50000
N_EDGES = 1600000
N_HEADS = 8
M0 = 8  # multiplicity of degree-0 fiber
M1 = 8  # multiplicity of degree-1 fiber
F_KEY_NFEAT = M0 * 1 + M1 * 3  # 32


def setup_inputs(seed: int = 0) -> dict:
    key = jax.random.key(seed)
    ks = jax.random.split(key, 7)
    v_0 = jax.random.normal(ks[0], (N_EDGES, M0, 1), dtype=jnp.float32)
    v_1 = jax.random.normal(ks[1], (N_EDGES, M1, 3), dtype=jnp.float32)
    k_0 = jax.random.normal(ks[2], (N_EDGES, M0, 1), dtype=jnp.float32)
    k_1 = jax.random.normal(ks[3], (N_EDGES, M1, 3), dtype=jnp.float32)
    q_0 = jax.random.normal(ks[4], (N_NODES, M0, 1), dtype=jnp.float32)
    q_1 = jax.random.normal(ks[5], (N_NODES, M1, 3), dtype=jnp.float32)
    edge_index = jax.random.randint(ks[6], (2, N_EDGES), 0, N_NODES, dtype=jnp.int32)
    return {"v_0": v_0, "v_1": v_1, "k_0": k_0, "k_1": k_1, "q_0": q_0, "q_1": q_1, "edge_index": edge_index}


def _fiber2head(f0, f1):
    # view each degree's [*, m, 2d+1] as [*, h, (m//h)*(2d+1)] and concat on last dim (squeeze=True)
    a = f0.reshape(f0.shape[0], N_HEADS, -1)
    b = f1.reshape(f1.shape[0], N_HEADS, -1)
    return jnp.concatenate([a, b], axis=-1)


def reference(v_0, v_1, k_0, k_1, q_0, q_1, edge_index):
    N = q_0.shape[0]
    # value fibers reshaped per-head: [E, h, m//h, 2d+1]
    Gv0 = v_0.reshape(-1, N_HEADS, M0 // N_HEADS, 1)
    Gv1 = v_1.reshape(-1, N_HEADS, M1 // N_HEADS, 3)
    Gk = _fiber2head(k_0, k_1)  # [E, h, f_key//h]
    Gq = _fiber2head(q_0, q_1)  # [N, h, f_key//h]
    row = edge_index[0]
    col = edge_index[1]
    # attention logits per edge/head
    e = (Gk * Gq[col]).sum(2)  # [E, h]
    e = e / np.sqrt(F_KEY_NFEAT)
    e = jnp.exp(e)
    s = jax.ops.segment_sum(e, row, num_segments=N)  # [N, h]
    a = e / s[row]  # [E, h] normalized attention
    attn = a[:, :, None, None]  # [E, h, 1, 1]
    out0 = jax.ops.segment_sum(attn * Gv0, col, num_segments=N)  # [N, h, m//h, 1]
    out1 = jax.ops.segment_sum(attn * Gv1, col, num_segments=N)  # [N, h, m//h, 3]
    res0 = out0.reshape(-1, M0, 1)
    res1 = out1.reshape(-1, M1, 3)
    return (res0, res1)

if __name__ == "__main__":
    import jax
    _d = setup_inputs()
    print(jax.jit(kernel)(*tuple(_d.values())))

</pallas_src>

<mosaic_0001>
#map = affine_map<(d0, d1) -> (0, 0)>
#map1 = affine_map<(d0, d1) -> (0, 0, 0)>
module attributes {stable_mosaic.version = 14 : i64} {
  func.func @kern(%arg0: i32, %arg1: i32, %arg2: memref<1600000x8xf32, #tpu.memory_space<hbm>>, %arg3: memref<50000x8xf32, #tpu.memory_space<hbm>>, %arg4: memref<1600000x8xf32, #tpu.memory_space<hbm>>, %arg5: memref<1600000x24xf32, #tpu.memory_space<hbm>>, %arg6: memref<2x16000x100xi32, #tpu.memory_space<hbm>>, %arg7: memref<50000x32xf32, #tpu.memory_space<hbm>>, %arg8: memref<2x50000x8xf32, #tpu.memory_space<hbm>>, %arg9: memref<2x50000x24xf32, #tpu.memory_space<hbm>>, %arg10: memref<400x8xf32, #tpu.memory_space<vmem>>, %arg11: memref<400x8xf32, #tpu.memory_space<vmem>>, %arg12: memref<400x24xf32, #tpu.memory_space<vmem>>, %arg13: memref<400x8xf32, #tpu.memory_space<vmem>>, %arg14: memref<2x4x100xi32, #tpu.memory_space<vmem>>, %arg15: memref<50000x8xf32, #tpu.memory_space<vmem_shared>>, %arg16: memref<50000x24xf32, #tpu.memory_space<vmem_shared>>) attributes {dimension_semantics = [#tpu.dimension_semantics<core_parallel>, #tpu.dimension_semantics<subcore_parallel>], iteration_bounds = array<i64: 2, 16>, scalar_prefetch = 0 : i64, scratch_operands = 7 : i64, tpu.core_type = #tpu.core_type<sc_vector_subcore>, window_params = [{transform_indices = #map}, {transform_indices = #map}, {transform_indices = #map}, {transform_indices = #map}, {transform_indices = #map1}, {transform_indices = #map}, {transform_indices = #map1}, {transform_indices = #map1}]} {
    %mul3A = arith.constant 16 : i32
    %mul3A_0 = arith.muli %arg0, %mul3A : i32
    %add3A = arith.addi %mul3A_0, %arg1 : i32
    %mul3A_1 = arith.constant 3125 : i32
    %mul3A_2 = arith.muli %arg1, %mul3A_1 : i32
    %mul3A_3 = arith.constant 3125 : i32
    %mul3A_4 = arith.muli %arg1, %mul3A_3 : i32
    "tpu.region"() ({
      %run_scoped3A = tpu.sem_alloc : memref<!tpu.dma_semaphore, #tpu.memory_space<semaphore_mem>>
      %dma_start3A = arith.constant 0 : i32
      %dma_start3A_22 = tpu.memref_slice %arg15[%mul3A_4, %dma_start3A] : memref<50000x8xf32, #tpu.memory_space<vmem_shared>> -> memref<3125x8xf32, #tpu.memory_space<vmem_shared>>
      %dma_start3A_23 = arith.constant 0 : i32
      %dma_start3A_24 = tpu.memref_slice %arg7[%mul3A_2, %dma_start3A_23] : memref<50000x32xf32, #tpu.memory_space<hbm>> -> memref<3125x8xf32, #tpu.memory_space<hbm>>
      tpu.enqueue_dma source(%dma_start3A_24 : memref<3125x8xf32, #tpu.memory_space<hbm>>) target(%dma_start3A_22 : memref<3125x8xf32, #tpu.memory_space<vmem_shared>>) target_semaphore(%run_scoped3A : memref<!tpu.dma_semaphore, #tpu.memory_space<semaphore_mem>>)
      %dma_wait3A = arith.constant 0 : i32
      %dma_wait3A_25 = tpu.memref_slice %arg15[%mul3A_4, %dma_wait3A] : memref<50000x8xf32, #tpu.memory_space<vmem_shared>> -> memref<3125x8xf32, #tpu.memory_space<vmem_shared>>
      %dma_wait3A_26 = arith.constant 0 : i32
      %dma_wait3A_27 = tpu.memref_slice %arg7[%mul3A_2, %dma_wait3A_26] : memref<50000x32xf32, #tpu.memory_space<hbm>> -> memref<3125x8xf32, #tpu.memory_space<hbm>>
      tpu.wait_dma2 semaphore(%run_scoped3A : memref<!tpu.dma_semaphore, #tpu.memory_space<semaphore_mem>>) src(%dma_wait3A_27 : memref<3125x8xf32, #tpu.memory_space<hbm>>) dst(%dma_wait3A_25 : memref<3125x8xf32, #tpu.memory_space<vmem_shared>>)
      tpu.yield
    }) : () -> ()
    %mul3A_5 = arith.constant 3125 : i32
    %mul3A_6 = arith.muli %arg1, %mul3A_5 : i32
    %mul3A_7 = arith.constant 3125 : i32
    %mul3A_8 = arith.muli %arg1, %mul3A_7 : i32
    "tpu.region"() ({
      %run_scoped3A = tpu.sem_alloc : memref<!tpu.dma_semaphore, #tpu.memory_space<semaphore_mem>>
      %dma_start3A = arith.constant 0 : i32
      %dma_start3A_22 = tpu.memref_slice %arg16[%mul3A_8, %dma_start3A] : memref<50000x24xf32, #tpu.memory_space<vmem_shared>> -> memref<3125x24xf32, #tpu.memory_space<vmem_shared>>
      %dma_start3A_23 = arith.constant 0 : i32
      %dma_start3A_24 = tpu.memref_slice %arg7[%mul3A_6, %dma_start3A_23] : memref<50000x32xf32, #tpu.memory_space<hbm>> -> memref<3125x24xf32, #tpu.memory_space<hbm>>
      tpu.enqueue_dma source(%dma_start3A_24 : memref<3125x24xf32, #tpu.memory_space<hbm>>) target(%dma_start3A_22 : memref<3125x24xf32, #tpu.memory_space<vmem_shared>>) target_semaphore(%run_scoped3A : memref<!tpu.dma_semaphore, #tpu.memory_space<semaphore_mem>>)
      %dma_wait3A = arith.constant 0 : i32
      %dma_wait3A_25 = tpu.memref_slice %arg16[%mul3A_8, %dma_wait3A] : memref<50000x24xf32, #tpu.memory_space<vmem_shared>> -> memref<3125x24xf32, #tpu.memory_space<vmem_shared>>
      %dma_wait3A_26 = arith.constant 0 : i32
      %dma_wait3A_27 = tpu.memref_slice %arg7[%mul3A_6, %dma_wait3A_26] : memref<50000x32xf32, #tpu.memory_space<hbm>> -> memref<3125x24xf32, #tpu.memory_space<hbm>>
      tpu.wait_dma2 semaphore(%run_scoped3A : memref<!tpu.dma_semaphore, #tpu.memory_space<semaphore_mem>>) src(%dma_wait3A_27 : memref<3125x24xf32, #tpu.memory_space<hbm>>) dst(%dma_wait3A_25 : memref<3125x24xf32, #tpu.memory_space<vmem_shared>>)
      tpu.yield
    }) : () -> ()
    %barrier3A = arith.constant 0 : index
    tpu.barrier barrier_id(%barrier3A)
    %iota3A = tpu.iota {dimensions = array<i32: 0>} : vector<16xi32>
    %scan3A = arith.constant 0 : i32
    %scan3A_9 = arith.constant 125 : i32
    %scan3A_10 = arith.addi %scan3A, %scan3A_9 : i32
    %scan3A_11 = arith.constant 1 : i32
    scf.for %scan3A_22 = %scan3A to %scan3A_10 step %scan3A_11  : i32 {
      %mul3A_23 = arith.constant 1 : i32
      %mul3A_24 = arith.muli %scan3A_22, %mul3A_23 : i32
      %add3A_25 = arith.constant 0 : i32
      %add3A_26 = arith.addi %add3A_25, %mul3A_24 : i32
      %mul3A_27 = arith.constant 50000 : i32
      %mul3A_28 = arith.muli %add3A, %mul3A_27 : i32
      %mul3A_29 = arith.constant 400 : i32
      %mul3A_30 = arith.muli %add3A_26, %mul3A_29 : i32
      %add3A_31 = arith.addi %mul3A_28, %mul3A_30 : i32
      %mul3A_32 = arith.constant 500 : i32
      %mul3A_33 = arith.muli %add3A, %mul3A_32 : i32
      %mul3A_34 = arith.constant 4 : i32
      %mul3A_35 = arith.muli %add3A_26, %mul3A_34 : i32
      %add3A_36 = arith.addi %mul3A_33, %mul3A_35 : i32
      "tpu.region"() ({
        %run_scoped3A_65 = tpu.sem_alloc : memref<!tpu.dma_semaphore, #tpu.memory_space<semaphore_mem>>
        %dma_start3A = arith.constant 0 : i32
        %dma_start3A_66 = tpu.memref_slice %arg2[%add3A_31, %dma_start3A] : memref<1600000x8xf32, #tpu.memory_space<hbm>> -> memref<400x8xf32, #tpu.memory_space<hbm>>
        %dma_start3A_67 = arith.constant 0 : i32
        %dma_start3A_68 = tpu.memref_slice %arg2[%add3A_31, %dma_start3A_67] : memref<1600000x8xf32, #tpu.memory_space<hbm>> -> memref<400x8xf32, #tpu.memory_space<hbm>>
        tpu.enqueue_dma source(%dma_start3A_68 : memref<400x8xf32, #tpu.memory_space<hbm>>) target(%arg10 : memref<400x8xf32, #tpu.memory_space<vmem>>) target_semaphore(%run_scoped3A_65 : memref<!tpu.dma_semaphore, #tpu.memory_space<semaphore_mem>>)
        %dma_wait3A = arith.constant 0 : i32
        %dma_wait3A_69 = tpu.memref_slice %arg2[%add3A_31, %dma_wait3A] : memref<1600000x8xf32, #tpu.memory_space<hbm>> -> memref<400x8xf32, #tpu.memory_space<hbm>>
        %dma_wait3A_70 = arith.constant 0 : i32
        %dma_wait3A_71 = tpu.memref_slice %arg2[%add3A_31, %dma_wait3A_70] : memref<1600000x8xf32, #tpu.memory_space<hbm>> -> memref<400x8xf32, #tpu.memory_space<hbm>>
        tpu.wait_dma2 semaphore(%run_scoped3A_65 : memref<!tpu.dma_semaphore, #tpu.memory_space<semaphore_mem>>) src(%dma_wait3A_71 : memref<400x8xf32, #tpu.memory_space<hbm>>) dst(%arg10 : memref<400x8xf32, #tpu.memory_space<vmem>>)
        tpu.yield
      }) : () -> ()
      "tpu.region"() ({
        %run_scoped3A_65 = tpu.sem_alloc : memref<!tpu.dma_semaphore, #tpu.memory_space<semaphore_mem>>
        %dma_start3A = arith.constant 0 : i32
        %dma_start3A_66 = tpu.memref_slice %arg4[%add3A_31, %dma_start3A] : memref<1600000x8xf32, #tpu.memory_space<hbm>> -> memref<400x8xf32, #tpu.memory_space<hbm>>
        %dma_start3A_67 = arith.constant 0 : i32
        %dma_start3A_68 = tpu.memref_slice %arg4[%add3A_31, %dma_start3A_67] : memref<1600000x8xf32, #tpu.memory_space<hbm>> -> memref<400x8xf32, #tpu.memory_space<hbm>>
        tpu.enqueue_dma source(%dma_start3A_68 : memref<400x8xf32, #tpu.memory_space<hbm>>) target(%arg11 : memref<400x8xf32, #tpu.memory_space<vmem>>) target_semaphore(%run_scoped3A_65 : memref<!tpu.dma_semaphore, #tpu.memory_space<semaphore_mem>>)
        %dma_wait3A = arith.constant 0 : i32
        %dma_wait3A_69 = tpu.memref_slice %arg4[%add3A_31, %dma_wait3A] : memref<1600000x8xf32, #tpu.memory_space<hbm>> -> memref<400x8xf32, #tpu.memory_space<hbm>>
        %dma_wait3A_70 = arith.constant 0 : i32
        %dma_wait3A_71 = tpu.memref_slice %arg4[%add3A_31, %dma_wait3A_70] : memref<1600000x8xf32, #tpu.memory_space<hbm>> -> memref<400x8xf32, #tpu.memory_space<hbm>>
        tpu.wait_dma2 semaphore(%run_scoped3A_65 : memref<!tpu.dma_semaphore, #tpu.memory_space<semaphore_mem>>) src(%dma_wait3A_71 : memref<400x8xf32, #tpu.memory_space<hbm>>) dst(%arg11 : memref<400x8xf32, #tpu.memory_space<vmem>>)
        tpu.yield
      }) : () -> ()
      "tpu.region"() ({
        %run_scoped3A_65 = tpu.sem_alloc : memref<!tpu.dma_semaphore, #tpu.memory_space<semaphore_mem>>
        %dma_start3A = arith.constant 0 : i32
        %dma_start3A_66 = tpu.memref_slice %arg5[%add3A_31, %dma_start3A] : memref<1600000x24xf32, #tpu.memory_space<hbm>> -> memref<400x24xf32, #tpu.memory_space<hbm>>
        %dma_start3A_67 = arith.constant 0 : i32
        %dma_start3A_68 = tpu.memref_slice %arg5[%add3A_31, %dma_start3A_67] : memref<1600000x24xf32, #tpu.memory_space<hbm>> -> memref<400x24xf32, #tpu.memory_space<hbm>>
        tpu.enqueue_dma source(%dma_start3A_68 : memref<400x24xf32, #tpu.memory_space<hbm>>) target(%arg12 : memref<400x24xf32, #tpu.memory_space<vmem>>) target_semaphore(%run_scoped3A_65 : memref<!tpu.dma_semaphore, #tpu.memory_space<semaphore_mem>>)
        %dma_wait3A = arith.constant 0 : i32
        %dma_wait3A_69 = tpu.memref_slice %arg5[%add3A_31, %dma_wait3A] : memref<1600000x24xf32, #tpu.memory_space<hbm>> -> memref<400x24xf32, #tpu.memory_space<hbm>>
        %dma_wait3A_70 = arith.constant 0 : i32
        %dma_wait3A_71 = tpu.memref_slice %arg5[%add3A_31, %dma_wait3A_70] : memref<1600000x24xf32, #tpu.memory_space<hbm>> -> memref<400x24xf32, #tpu.memory_space<hbm>>
        tpu.wait_dma2 semaphore(%run_scoped3A_65 : memref<!tpu.dma_semaphore, #tpu.memory_space<semaphore_mem>>) src(%dma_wait3A_71 : memref<400x24xf32, #tpu.memory_space<hbm>>) dst(%arg12 : memref<400x24xf32, #tpu.memory_space<vmem>>)
        tpu.yield
      }) : () -> ()
      "tpu.region"() ({
        %run_scoped3A_65 = tpu.sem_alloc : memref<!tpu.dma_semaphore, #tpu.memory_space<semaphore_mem>>
        %dma_start3A = arith.constant 0 : i32
        %dma_start3A_66 = arith.constant 0 : i32
        %dma_start3A_67 = tpu.memref_slice %arg6[%dma_start3A, %add3A_36, %dma_start3A_66] : memref<2x16000x100xi32, #tpu.memory_space<hbm>> -> memref<2x4x100xi32, #tpu.memory_space<hbm>>
        %dma_start3A_68 = arith.constant 0 : i32
        %dma_start3A_69 = arith.constant 0 : i32
        %dma_start3A_70 = tpu.memref_slice %arg6[%dma_start3A_68, %add3A_36, %dma_start3A_69] : memref<2x16000x100xi32, #tpu.memory_space<hbm>> -> memref<2x4x100xi32, #tpu.memory_space<hbm>>
        tpu.enqueue_dma source(%dma_start3A_70 : memref<2x4x100xi32, #tpu.memory_space<hbm>>) target(%arg14 : memref<2x4x100xi32, #tpu.memory_space<vmem>>) target_semaphore(%run_scoped3A_65 : memref<!tpu.dma_semaphore, #tpu.memory_space<semaphore_mem>>)
        %dma_wait3A = arith.constant 0 : i32
        %dma_wait3A_71 = arith.constant 0 : i32
        %dma_wait3A_72 = tpu.memref_slice %arg6[%dma_wait3A, %add3A_36, %dma_wait3A_71] : memref<2x16000x100xi32, #tpu.memory_space<hbm>> -> memref<2x4x100xi32, #tpu.memory_space<hbm>>
        %dma_wait3A_73 = arith.constant 0 : i32
        %dma_wait3A_74 = arith.constant 0 : i32
        %dma_wait3A_75 = tpu.memref_slice %arg6[%dma_wait3A_73, %add3A_36, %dma_wait3A_74] : memref<2x16000x100xi32, #tpu.memory_space<hbm>> -> memref<2x4x100xi32, #tpu.memory_space<hbm>>
        tpu.wait_dma2 semaphore(%run_scoped3A_65 : memref<!tpu.dma_semaphore, #tpu.memory_space<semaphore_mem>>) src(%dma_wait3A_75 : memref<2x4x100xi32, #tpu.memory_space<hbm>>) dst(%arg14 : memref<2x4x100xi32, #tpu.memory_space<vmem>>)
        tpu.yield
      }) : () -> ()
      %run_scoped3A = arith.constant 0 : i32
      %run_scoped3A_37 = arith.constant 0 : i32
      "tpu.region"() ({
        %run_scoped3A_65 = tpu.sem_alloc : memref<!tpu.dma_semaphore, #tpu.memory_space<semaphore_mem>>
        %dma_start3A = arith.constant 0 : i32
        %dma_start3A_66 = arith.constant 0 : i32
        %dma_start3A_67 = tpu.memref_slice %arg13[%dma_start3A, %dma_start3A_66] : memref<400x8xf32, #tpu.memory_space<vmem>> -> memref<100x8xf32, #tpu.memory_space<vmem>>
        %dma_start3A_68 = arith.constant 0 : i32
        %dma_start3A_69 = tpu.memref_slice %arg14[%run_scoped3A, %run_scoped3A_37, %dma_start3A_68] : memref<2x4x100xi32, #tpu.memory_space<vmem>> -> memref<1x1x100xi32, #tpu.memory_space<vmem>>
        %dma_start3A_70 = tpu.memref_squeeze %dma_start3A_69 : memref<1x1x100xi32, #tpu.memory_space<vmem>> -> memref<100xi32, #tpu.memory_space<vmem>>
        %dma_start3A_71 = arith.constant 0 : i32
        %dma_start3A_72 = arith.constant 0 : i32
        %dma_start3A_73 = tpu.memref_slice %arg3[%dma_start3A_71, %dma_start3A_72] : memref<50000x8xf32, #tpu.memory_space<hbm>> -> memref<50000x8xf32, #tpu.memory_space<hbm>>
        tpu.enqueue_indirect_dma source(%dma_start3A_73 : memref<50000x8xf32, #tpu.memory_space<hbm>>) target(%dma_start3A_67 : memref<100x8xf32, #tpu.memory_space<vmem>>) offsets(%dma_start3A_70 : memref<100xi32, #tpu.memory_space<vmem>>) semaphore(%run_scoped3A_65 : memref<!tpu.dma_semaphore, #tpu.memory_space<semaphore_mem>>)
        %dma_wait3A = arith.constant 0 : i32
        %dma_wait3A_74 = arith.constant 0 : i32
        %dma_wait3A_75 = tpu.memref_slice %arg13[%dma_wait3A, %dma_wait3A_74] : memref<400x8xf32, #tpu.memory_space<vmem>> -> memref<100x8xf32, #tpu.memory_space<vmem>>
        %dma_wait3A_76 = arith.constant 0 : i32
        %dma_wait3A_77 = tpu.memref_slice %arg14[%run_scoped3A, %run_scoped3A_37, %dma_wait3A_76] : memref<2x4x100xi32, #tpu.memory_space<vmem>> -> memref<1x1x100xi32, #tpu.memory_space<vmem>>
        %dma_wait3A_78 = tpu.memref_squeeze %dma_wait3A_77 : memref<1x1x100xi32, #tpu.memory_space<vmem>> -> memref<100xi32, #tpu.memory_space<vmem>>
        %dma_wait3A_79 = arith.constant 0 : i32
        %dma_wait3A_80 = arith.constant 0 : i32
        %dma_wait3A_81 = tpu.memref_slice %arg3[%dma_wait3A_79, %dma_wait3A_80] : memref<50000x8xf32, #tpu.memory_space<hbm>> -> memref<50000x8xf32, #tpu.memory_space<hbm>>
        tpu.wait_indirect_dma semaphore(%run_scoped3A_65 : memref<!tpu.dma_semaphore, #tpu.memory_space<semaphore_mem>>) src(%dma_wait3A_81 : memref<50000x8xf32, #tpu.memory_space<hbm>>) dst(%dma_wait3A_75 : memref<100x8xf32, #tpu.memory_space<vmem>>)
        tpu.yield
      }) : () -> ()
      %run_scoped3A_38 = arith.constant 0 : i32
      %run_scoped3A_39 = arith.constant 1 : i32
      "tpu.region"() ({
        %run_scoped3A_65 = tpu.sem_alloc : memref<!tpu.dma_semaphore, #tpu.memory_space<semaphore_mem>>
        %dma_start3A = arith.constant 100 : i32
        %dma_start3A_66 = arith.constant 0 : i32
        %dma_start3A_67 = tpu.memref_slice %arg13[%dma_start3A, %dma_start3A_66] : memref<400x8xf32, #tpu.memory_space<vmem>> -> memref<100x8xf32, #tpu.memory_space<vmem>>
        %dma_start3A_68 = arith.constant 0 : i32
        %dma_start3A_69 = tpu.memref_slice %arg14[%run_scoped3A_38, %run_scoped3A_39, %dma_start3A_68] : memref<2x4x100xi32, #tpu.memory_space<vmem>> -> memref<1x1x100xi32, #tpu.memory_space<vmem>>
        %dma_start3A_70 = tpu.memref_squeeze %dma_start3A_69 : memref<1x1x100xi32, #tpu.memory_space<vmem>> -> memref<100xi32, #tpu.memory_space<vmem>>
        %dma_start3A_71 = arith.constant 0 : i32
        %dma_start3A_72 = arith.constant 0 : i32
        %dma_start3A_73 = tpu.memref_slice %arg3[%dma_start3A_71, %dma_start3A_72] : memref<50000x8xf32, #tpu.memory_space<hbm>> -> memref<50000x8xf32, #tpu.memory_space<hbm>>
        tpu.enqueue_indirect_dma source(%dma_start3A_73 : memref<50000x8xf32, #tpu.memory_space<hbm>>) target(%dma_start3A_67 : memref<100x8xf32, #tpu.memory_space<vmem>>) offsets(%dma_start3A_70 : memref<100xi32, #tpu.memory_space<vmem>>) semaphore(%run_scoped3A_65 : memref<!tpu.dma_semaphore, #tpu.memory_space<semaphore_mem>>)
        %dma_wait3A = arith.constant 100 : i32
        %dma_wait3A_74 = arith.constant 0 : i32
        %dma_wait3A_75 = tpu.memref_slice %arg13[%dma_wait3A, %dma_wait3A_74] : memref<400x8xf32, #tpu.memory_space<vmem>> -> memref<100x8xf32, #tpu.memory_space<vmem>>
        %dma_wait3A_76 = arith.constant 0 : i32
        %dma_wait3A_77 = tpu.memref_slice %arg14[%run_scoped3A_38, %run_scoped3A_39, %dma_wait3A_76] : memref<2x4x100xi32, #tpu.memory_space<vmem>> -> memref<1x1x100xi32, #tpu.memory_space<vmem>>
        %dma_wait3A_78 = tpu.memref_squeeze %dma_wait3A_77 : memref<1x1x100xi32, #tpu.memory_space<vmem>> -> memref<100xi32, #tpu.memory_space<vmem>>
        %dma_wait3A_79 = arith.constant 0 : i32
        %dma_wait3A_80 = arith.constant 0 : i32
        %dma_wait3A_81 = tpu.memref_slice %arg3[%dma_wait3A_79, %dma_wait3A_80] : memref<50000x8xf32, #tpu.memory_space<hbm>> -> memref<50000x8xf32, #tpu.memory_space<hbm>>
        tpu.wait_indirect_dma semaphore(%run_scoped3A_65 : memref<!tpu.dma_semaphore, #tpu.memory_space<semaphore_mem>>) src(%dma_wait3A_81 : memref<50000x8xf32, #tpu.memory_space<hbm>>) dst(%dma_wait3A_75 : memref<100x8xf32, #tpu.memory_space<vmem>>)
        tpu.yield
      }) : () -> ()
      %run_scoped3A_40 = arith.constant 0 : i32
      %run_scoped3A_41 = arith.constant 2 : i32
      "tpu.region"() ({
        %run_scoped3A_65 = tpu.sem_alloc : memref<!tpu.dma_semaphore, #tpu.memory_space<semaphore_mem>>
        %dma_start3A = arith.constant 200 : i32
        %dma_start3A_66 = arith.constant 0 : i32
        %dma_start3A_67 = tpu.memref_slice %arg13[%dma_start3A, %dma_start3A_66] : memref<400x8xf32, #tpu.memory_space<vmem>> -> memref<100x8xf32, #tpu.memory_space<vmem>>
        %dma_start3A_68 = arith.constant 0 : i32
        %dma_start3A_69 = tpu.memref_slice %arg14[%run_scoped3A_40, %run_scoped3A_41, %dma_start3A_68] : memref<2x4x100xi32, #tpu.memory_space<vmem>> -> memref<1x1x100xi32, #tpu.memory_space<vmem>>
        %dma_start3A_70 = tpu.memref_squeeze %dma_start3A_69 : memref<1x1x100xi32, #tpu.memory_space<vmem>> -> memref<100xi32, #tpu.memory_space<vmem>>
        %dma_start3A_71 = arith.constant 0 : i32
        %dma_start3A_72 = arith.constant 0 : i32
        %dma_start3A_73 = tpu.memref_slice %arg3[%dma_start3A_71, %dma_start3A_72] : memref<50000x8xf32, #tpu.memory_space<hbm>> -> memref<50000x8xf32, #tpu.memory_space<hbm>>
        tpu.enqueue_indirect_dma source(%dma_start3A_73 : memref<50000x8xf32, #tpu.memory_space<hbm>>) target(%dma_start3A_67 : memref<100x8xf32, #tpu.memory_space<vmem>>) offsets(%dma_start3A_70 : memref<100xi32, #tpu.memory_space<vmem>>) semaphore(%run_scoped3A_65 : memref<!tpu.dma_semaphore, #tpu.memory_space<semaphore_mem>>)
        %dma_wait3A = arith.constant 200 : i32
        %dma_wait3A_74 = arith.constant 0 : i32
        %dma_wait3A_75 = tpu.memref_slice %arg13[%dma_wait3A, %dma_wait3A_74] : memref<400x8xf32, #tpu.memory_space<vmem>> -> memref<100x8xf32, #tpu.memory_space<vmem>>
        %dma_wait3A_76 = arith.constant 0 : i32
        %dma_wait3A_77 = tpu.memref_slice %arg14[%run_scoped3A_40, %run_scoped3A_41, %dma_wait3A_76] : memref<2x4x100xi32, #tpu.memory_space<vmem>> -> memref<1x1x100xi32, #tpu.memory_space<vmem>>
        %dma_wait3A_78 = tpu.memref_squeeze %dma_wait3A_77 : memref<1x1x100xi32, #tpu.memory_space<vmem>> -> memref<100xi32, #tpu.memory_space<vmem>>
        %dma_wait3A_79 = arith.constant 0 : i32
        %dma_wait3A_80 = arith.constant 0 : i32
        %dma_wait3A_81 = tpu.memref_slice %arg3[%dma_wait3A_79, %dma_wait3A_80] : memref<50000x8xf32, #tpu.memory_space<hbm>> -> memref<50000x8xf32, #tpu.memory_space<hbm>>
        tpu.wait_indirect_dma semaphore(%run_scoped3A_65 : memref<!tpu.dma_semaphore, #tpu.memory_space<semaphore_mem>>) src(%dma_wait3A_81 : memref<50000x8xf32, #tpu.memory_space<hbm>>) dst(%dma_wait3A_75 : memref<100x8xf32, #tpu.memory_space<vmem>>)
        tpu.yield
      }) : () -> ()
      %run_scoped3A_42 = arith.constant 0 : i32
      %run_scoped3A_43 = arith.constant 3 : i32
      "tpu.region"() ({
        %run_scoped3A_65 = tpu.sem_alloc : memref<!tpu.dma_semaphore, #tpu.memory_space<semaphore_mem>>
        %dma_start3A = arith.constant 300 : i32
        %dma_start3A_66 = arith.constant 0 : i32
        %dma_start3A_67 = tpu.memref_slice %arg13[%dma_start3A, %dma_start3A_66] : memref<400x8xf32, #tpu.memory_space<vmem>> -> memref<100x8xf32, #tpu.memory_space<vmem>>
        %dma_start3A_68 = arith.constant 0 : i32
        %dma_start3A_69 = tpu.memref_slice %arg14[%run_scoped3A_42, %run_scoped3A_43, %dma_start3A_68] : memref<2x4x100xi32, #tpu.memory_space<vmem>> -> memref<1x1x100xi32, #tpu.memory_space<vmem>>
        %dma_start3A_70 = tpu.memref_squeeze %dma_start3A_69 : memref<1x1x100xi32, #tpu.memory_space<vmem>> -> memref<100xi32, #tpu.memory_space<vmem>>
        %dma_start3A_71 = arith.constant 0 : i32
        %dma_start3A_72 = arith.constant 0 : i32
        %dma_start3A_73 = tpu.memref_slice %arg3[%dma_start3A_71, %dma_start3A_72] : memref<50000x8xf32, #tpu.memory_space<hbm>> -> memref<50000x8xf32, #tpu.memory_space<hbm>>
        tpu.enqueue_indirect_dma source(%dma_start3A_73 : memref<50000x8xf32, #tpu.memory_space<hbm>>) target(%dma_start3A_67 : memref<100x8xf32, #tpu.memory_space<vmem>>) offsets(%dma_start3A_70 : memref<100xi32, #tpu.memory_space<vmem>>) semaphore(%run_scoped3A_65 : memref<!tpu.dma_semaphore, #tpu.memory_space<semaphore_mem>>)
        %dma_wait3A = arith.constant 300 : i32
        %dma_wait3A_74 = arith.constant 0 : i32
        %dma_wait3A_75 = tpu.memref_slice %arg13[%dma_wait3A, %dma_wait3A_74] : memref<400x8xf32, #tpu.memory_space<vmem>> -> memref<100x8xf32, #tpu.memory_space<vmem>>
        %dma_wait3A_76 = arith.constant 0 : i32
        %dma_wait3A_77 = tpu.memref_slice %arg14[%run_scoped3A_42, %run_scoped3A_43, %dma_wait3A_76] : memref<2x4x100xi32, #tpu.memory_space<vmem>> -> memref<1x1x100xi32, #tpu.memory_space<vmem>>
        %dma_wait3A_78 = tpu.memref_squeeze %dma_wait3A_77 : memref<1x1x100xi32, #tpu.memory_space<vmem>> -> memref<100xi32, #tpu.memory_space<vmem>>
        %dma_wait3A_79 = arith.constant 0 : i32
        %dma_wait3A_80 = arith.constant 0 : i32
        %dma_wait3A_81 = tpu.memref_slice %arg3[%dma_wait3A_79, %dma_wait3A_80] : memref<50000x8xf32, #tpu.memory_space<hbm>> -> memref<50000x8xf32, #tpu.memory_space<hbm>>
        tpu.wait_indirect_dma semaphore(%run_scoped3A_65 : memref<!tpu.dma_semaphore, #tpu.memory_space<semaphore_mem>>) src(%dma_wait3A_81 : memref<50000x8xf32, #tpu.memory_space<hbm>>) dst(%dma_wait3A_75 : memref<100x8xf32, #tpu.memory_space<vmem>>)
        tpu.yield
      }) : () -> ()
      %scan3A_44 = arith.constant 0 : i32
      %scan3A_45 = arith.constant 25 : i32
      %scan3A_46 = arith.addi %scan3A_44, %scan3A_45 : i32
      %scan3A_47 = arith.constant 1 : i32
      scf.for %scan3A_65 = %scan3A_44 to %scan3A_46 step %scan3A_47  : i32 {
        %mul3A_66 = arith.constant 1 : i32
        %mul3A_67 = arith.muli %scan3A_65, %mul3A_66 : i32
        %add3A_68 = arith.constant 0 : i32
        %add3A_69 = arith.addi %add3A_68, %mul3A_67 : i32
        %mul3A_70 = arith.constant 16 : i32
        %mul3A_71 = arith.muli %add3A_69, %mul3A_70 : i32
        %add3A_72 = vector.broadcast %mul3A_71 : i32 to vector<16xi32>
        %add3A_73 = arith.addi %iota3A, %add3A_72 : vector<16xi32>
        %broadcast_in_dim3A = arith.constant 0 : i32
        %broadcast_in_dim3A_74 = vector.broadcast %broadcast_in_dim3A : i32 to vector<16xi32>
        %gather3A = tpu.vector_load_idx %arg10[%add3A_73, %broadcast_in_dim3A_74] : memref<400x8xf32, #tpu.memory_space<vmem>>[vector<16xi32>, vector<16xi32>], vector<16xf32>,
        %broadcast_in_dim3A_75 = arith.constant 0 : i32
        %broadcast_in_dim3A_76 = vector.broadcast %broadcast_in_dim3A_75 : i32 to vector<16xi32>
        %gather3A_77 = tpu.vector_load_idx %arg13[%add3A_73, %broadcast_in_dim3A_76] : memref<400x8xf32, #tpu.memory_space<vmem>>[vector<16xi32>, vector<16xi32>], vector<16xf32>,
        %div3A = arith.divf %gather3A, %gather3A_77 : vector<16xf32>
        %broadcast_in_dim3A_78 = arith.constant 0 : i32
        %broadcast_in_dim3A_79 = vector.broadcast %broadcast_in_dim3A_78 : i32 to vector<16xi32>
        %broadcast_in_dim3A_80 = arith.constant 0 : i32
        %broadcast_in_dim3A_81 = vector.broadcast %broadcast_in_dim3A_80 : i32 to vector<16xi32>
        %gather3A_82 = tpu.vector_load_idx %arg11[%add3A_73, %broadcast_in_dim3A_81] : memref<400x8xf32, #tpu.memory_space<vmem>>[vector<16xi32>, vector<16xi32>], vector<16xf32>,
        %mul3A_83 = arith.mulf %div3A, %gather3A_82 : vector<16xf32>
        tpu.vector_store_idx %arg11[%add3A_73, %broadcast_in_dim3A_79], %mul3A_83 : memref<400x8xf32, #tpu.memory_space<vmem>>[vector<16xi32>, vector<16xi32>], vector<16xf32>,
        %broadcast_in_dim3A_84 = arith.constant 0 : i32
        %broadcast_in_dim3A_85 = vector.broadcast %broadcast_in_dim3A_84 : i32 to vector<16xi32>
        %broadcast_in_dim3A_86 = arith.constant 0 : i32
        %broadcast_in_dim3A_87 = vector.broadcast %broadcast_in_dim3A_86 : i32 to vector<16xi32>
        %gather3A_88 = tpu.vector_load_idx %arg12[%add3A_73, %broadcast_in_dim3A_87] : memref<400x24xf32, #tpu.memory_space<vmem>>[vector<16xi32>, vector<16xi32>], vector<16xf32>,
        %mul3A_89 = arith.mulf %div3A, %gather3A_88 : vector<16xf32>
        tpu.vector_store_idx %arg12[%add3A_73, %broadcast_in_dim3A_85], %mul3A_89 : memref<400x24xf32, #tpu.memory_space<vmem>>[vector<16xi32>, vector<16xi32>], vector<16xf32>,
        %broadcast_in_dim3A_90 = arith.constant 1 : i32
        %broadcast_in_dim3A_91 = vector.broadcast %broadcast_in_dim3A_90 : i32 to vector<16xi32>
        %broadcast_in_dim3A_92 = arith.constant 1 : i32
        %broadcast_in_dim3A_93 = vector.broadcast %broadcast_in_dim3A_92 : i32 to vector<16xi32>
        %gather3A_94 = tpu.vector_load_idx %arg12[%add3A_73, %broadcast_in_dim3A_93] : memref<400x24xf32, #tpu.memory_space<vmem>>[vector<16xi32>, vector<16xi32>], vector<16xf32>,
        %mul3A_95 = arith.mulf %div3A, %gather3A_94 : vector<16xf32>
        tpu.vector_store_idx %arg12[%add3A_73, %broadcast_in_dim3A_91], %mul3A_95 : memref<400x24xf32, #tpu.memory_space<vmem>>[vector<16xi32>, vector<16xi32>], vector<16xf32>,
        %broadcast_in_dim3A_96 = arith.constant 2 : i32
        %broadcast_in_dim3A_97 = vector.broadcast %broadcast_in_dim3A_96 : i32 to vector<16xi32>
        %broadcast_in_dim3A_98 = arith.constant 2 : i32
        %broadcast_in_dim3A_99 = vector.broadcast %broadcast_in_dim3A_98 : i32 to vector<16xi32>
        %gather3A_100 = tpu.vector_load_idx %arg12[%add3A_73, %broadcast_in_dim3A_99] : memref<400x24xf32, #tpu.memory_space<vmem>>[vector<16xi32>, vector<16xi32>], vector<16xf32>,
        %mul3A_101 = arith.mulf %div3A, %gather3A_100 : vector<16xf32>
        tpu.vector_store_idx %arg12[%add3A_73, %broadcast_in_dim3A_97], %mul3A_101 : memref<400x24xf32, #tpu.memory_space<vmem>>[vector<16xi32>, vector<16xi32>], vector<16xf32>,
        %broadcast_in_dim3A_102 = arith.constant 1 : i32
        %broadcast_in_dim3A_103 = vector.broadcast %broadcast_in_dim3A_102 : i32 to vector<16xi32>
        %gather3A_104 = tpu.vector_load_idx %arg10[%add3A_73, %broadcast_in_dim3A_103] : memref<400x8xf32, #tpu.memory_space<vmem>>[vector<16xi32>, vector<16xi32>], vector<16xf32>,
        %broadcast_in_dim3A_105 = arith.constant 1 : i32
        %broadcast_in_dim3A_106 = vector.broadcast %broadcast_in_dim3A_105 : i32 to vector<16xi32>
        %gather3A_107 = tpu.vector_load_idx %arg13[%add3A_73, %broadcast_in_dim3A_106] : memref<400x8xf32, #tpu.memory_space<vmem>>[vector<16xi32>, vector<16xi32>], vector<16xf32>,
        %div3A_108 = arith.divf %gather3A_104, %gather3A_107 : vector<16xf32>
        %broadcast_in_dim3A_109 = arith.constant 1 : i32
        %broadcast_in_dim3A_110 = vector.broadcast %broadcast_in_dim3A_109 : i32 to vector<16xi32>
        %broadcast_in_dim3A_111 = arith.constant 1 : i32
        %broadcast_in_dim3A_112 = vector.broadcast %broadcast_in_dim3A_111 : i32 to vector<16xi32>
        %gather3A_113 = tpu.vector_load_idx %arg11[%add3A_73, %broadcast_in_dim3A_112] : memref<400x8xf32, #tpu.memory_space<vmem>>[vector<16xi32>, vector<16xi32>], vector<16xf32>,
        %mul3A_114 = arith.mulf %div3A_108, %gather3A_113 : vector<16xf32>
        tpu.vector_store_idx %arg11[%add3A_73, %broadcast_in_dim3A_110], %mul3A_114 : memref<400x8xf32, #tpu.memory_space<vmem>>[vector<16xi32>, vector<16xi32>], vector<16xf32>,
        %broadcast_in_dim3A_115 = arith.constant 3 : i32
        %broadcast_in_dim3A_116 = vector.broadcast %broadcast_in_dim3A_115 : i32 to vector<16xi32>
        %broadcast_in_dim3A_117 = arith.constant 3 : i32
        %broadcast_in_dim3A_118 = vector.broadcast %broadcast_in_dim3A_117 : i32 to vector<16xi32>
        %gather3A_119 = tpu.vector_load_idx %arg12[%add3A_73, %broadcast_in_dim3A_118] : memref<400x24xf32, #tpu.memory_space<vmem>>[vector<16xi32>, vector<16xi32>], vector<16xf32>,
        %mul3A_120 = arith.mulf %div3A_108, %gather3A_119 : vector<16xf32>
        tpu.vector_store_idx %arg12[%add3A_73, %broadcast_in_dim3A_116], %mul3A_120 : memref<400x24xf32, #tpu.memory_space<vmem>>[vector<16xi32>, vector<16xi32>], vector<16xf32>,
        %broadcast_in_dim3A_121 = arith.constant 4 : i32
        %broadcast_in_dim3A_122 = vector.broadcast %broadcast_in_dim3A_121 : i32 to vector<16xi32>
        %broadcast_in_dim3A_123 = arith.constant 4 : i32
        %broadcast_in_dim3A_124 = vector.broadcast %broadcast_in_dim3A_123 : i32 to vector<16xi32>
        %gather3A_125 = tpu.vector_load_idx %arg12[%add3A_73, %broadcast_in_dim3A_124] : memref<400x24xf32, #tpu.memory_space<vmem>>[vector<16xi32>, vector<16xi32>], vector<16xf32>,
        %mul3A_126 = arith.mulf %div3A_108, %gather3A_125 : vector<16xf32>
        tpu.vector_store_idx %arg12[%add3A_73, %broadcast_in_dim3A_122], %mul3A_126 : memref<400x24xf32, #tpu.memory_space<vmem>>[vector<16xi32>, vector<16xi32>], vector<16xf32>,
        %broadcast_in_dim3A_127 = arith.constant 5 : i32
        %broadcast_in_dim3A_128 = vector.broadcast %broadcast_in_dim3A_127 : i32 to vector<16xi32>
        %broadcast_in_dim3A_129 = arith.constant 5 : i32
        %broadcast_in_dim3A_130 = vector.broadcast %broadcast_in_dim3A_129 : i32 to vector<16xi32>
        %gather3A_131 = tpu.vector_load_idx %arg12[%add3A_73, %broadcast_in_dim3A_130] : memref<400x24xf32, #tpu.memory_space<vmem>>[vector<16xi32>, vector<16xi32>], vector<16xf32>,
        %mul3A_132 = arith.mulf %div3A_108, %gather3A_131 : vector<16xf32>
        tpu.vector_store_idx %arg12[%add3A_73, %broadcast_in_dim3A_128], %mul3A_132 : memref<400x24xf32, #tpu.memory_space<vmem>>[vector<16xi32>, vector<16xi32>], vector<16xf32>,
        %broadcast_in_dim3A_133 = arith.constant 2 : i32
        %broadcast_in_dim3A_134 = vector.broadcast %broadcast_in_dim3A_133 : i32 to vector<16xi32>
        %gather3A_135 = tpu.vector_load_idx %arg10[%add3A_73, %broadcast_in_dim3A_134] : memref<400x8xf32, #tpu.memory_space<vmem>>[vector<16xi32>, vector<16xi32>], vector<16xf32>,
        %broadcast_in_dim3A_136 = arith.constant 2 : i32
        %broadcast_in_dim3A_137 = vector.broadcast %broadcast_in_dim3A_136 : i32 to vector<16xi32>
        %gather3A_138 = tpu.vector_load_idx %arg13[%add3A_73, %broadcast_in_dim3A_137] : memref<400x8xf32, #tpu.memory_space<vmem>>[vector<16xi32>, vector<16xi32>], vector<16xf32>,
        %div3A_139 = arith.divf %gather3A_135, %gather3A_138 : vector<16xf32>
        %broadcast_in_dim3A_140 = arith.constant 2 : i32
        %broadcast_in_dim3A_141 = vector.broadcast %broadcast_in_dim3A_140 : i32 to vector<16xi32>
        %broadcast_in_dim3A_142 = arith.constant 2 : i32
        %broadcast_in_dim3A_143 = vector.broadcast %broadcast_in_dim3A_142 : i32 to vector<16xi32>
        %gather3A_144 = tpu.vector_load_idx %arg11[%add3A_73, %broadcast_in_dim3A_143] : memref<400x8xf32, #tpu.memory_space<vmem>>[vector<16xi32>, vector<16xi32>], vector<16xf32>,
        %mul3A_145 = arith.mulf %div3A_139, %gather3A_144 : vector<16xf32>
        tpu.vector_store_idx %arg11[%add3A_73, %broadcast_in_dim3A_141], %mul3A_145 : memref<400x8xf32, #tpu.memory_space<vmem>>[vector<16xi32>, vector<16xi32>], vector<16xf32>,
        %broadcast_in_dim3A_146 = arith.constant 6 : i32
        %broadcast_in_dim3A_147 = vector.broadcast %broadcast_in_dim3A_146 : i32 to vector<16xi32>
        %broadcast_in_dim3A_148 = arith.constant 6 : i32
        %broadcast_in_dim3A_149 = vector.broadcast %broadcast_in_dim3A_148 : i32 to vector<16xi32>
        %gather3A_150 = tpu.vector_load_idx %arg12[%add3A_73, %broadcast_in_dim3A_149] : memref<400x24xf32, #tpu.memory_space<vmem>>[vector<16xi32>, vector<16xi32>], vector<16xf32>,
        %mul3A_151 = arith.mulf %div3A_139, %gather3A_150 : vector<16xf32>
        tpu.vector_store_idx %arg12[%add3A_73, %broadcast_in_dim3A_147], %mul3A_151 : memref<400x24xf32, #tpu.memory_space<vmem>>[vector<16xi32>, vector<16xi32>], vector<16xf32>,
        %broadcast_in_dim3A_152 = arith.constant 7 : i32
        %broadcast_in_dim3A_153 = vector.broadcast %broadcast_in_dim3A_152 : i32 to vector<16xi32>
        %broadcast_in_dim3A_154 = arith.constant 7 : i32
        %broadcast_in_dim3A_155 = vector.broadcast %broadcast_in_dim3A_154 : i32 to vector<16xi32>
        %gather3A_156 = tpu.vector_load_idx %arg12[%add3A_73, %broadcast_in_dim3A_155] : memref<400x24xf32, #tpu.memory_space<vmem>>[vector<16xi32>, vector<16xi32>], vector<16xf32>,
        %mul3A_157 = arith.mulf %div3A_139, %gather3A_156 : vector<16xf32>
        tpu.vector_store_idx %arg12[%add3A_73, %broadcast_in_dim3A_153], %mul3A_157 : memref<400x24xf32, #tpu.memory_space<vmem>>[vector<16xi32>, vector<16xi32>], vector<16xf32>,
        %broadcast_in_dim3A_158 = arith.constant 8 : i32
        %broadcast_in_dim3A_159 = vector.broadcast %broadcast_in_dim3A_158 : i32 to vector<16xi32>
        %broadcast_in_dim3A_160 = arith.constant 8 : i32
        %broadcast_in_dim3A_161 = vector.broadcast %broadcast_in_dim3A_160 : i32 to vector<16xi32>
        %gather3A_162 = tpu.vector_load_idx %arg12[%add3A_73, %broadcast_in_dim3A_161] : memref<400x24xf32, #tpu.memory_space<vmem>>[vector<16xi32>, vector<16xi32>], vector<16xf32>,
        %mul3A_163 = arith.mulf %div3A_139, %gather3A_162 : vector<16xf32>
        tpu.vector_store_idx %arg12[%add3A_73, %broadcast_in_dim3A_159], %mul3A_163 : memref<400x24xf32, #tpu.memory_space<vmem>>[vector<16xi32>, vector<16xi32>], vector<16xf32>,
        %broadcast_in_dim3A_164 = arith.constant 3 : i32
        %broadcast_in_dim3A_165 = vector.broadcast %broadcast_in_dim3A_164 : i32 to vector<16xi32>
        %gather3A_166 = tpu.vector_load_idx %arg10[%add3A_73, %broadcast_in_dim3A_165] : memref<400x8xf32, #tpu.memory_space<vmem>>[vector<16xi32>, vector<16xi32>], vector<16xf32>,
        %broadcast_in_dim3A_167 = arith.constant 3 : i32
        %broadcast_in_dim3A_168 = vector.broadcast %broadcast_in_dim3A_167 : i32 to vector<16xi32>
        %gather3A_169 = tpu.vector_load_idx %arg13[%add3A_73, %broadcast_in_dim3A_168] : memref<400x8xf32, #tpu.memory_space<vmem>>[vector<16xi32>, vector<16xi32>], vector<16xf32>,
        %div3A_170 = arith.divf %gather3A_166, %gather3A_169 : vector<16xf32>
        %broadcast_in_dim3A_171 = arith.constant 3 : i32
        %broadcast_in_dim3A_172 = vector.broadcast %broadcast_in_dim3A_171 : i32 to vector<16xi32>
        %broadcast_in_dim3A_173 = arith.constant 3 : i32
        %broadcast_in_dim3A_174 = vector.broadcast %broadcast_in_dim3A_173 : i32 to vector<16xi32>
        %gather3A_175 = tpu.vector_load_idx %arg11[%add3A_73, %broadcast_in_dim3A_174] : memref<400x8xf32, #tpu.memory_space<vmem>>[vector<16xi32>, vector<16xi32>], vector<16xf32>,
        %mul3A_176 = arith.mulf %div3A_170, %gather3A_175 : vector<16xf32>
        tpu.vector_store_idx %arg11[%add3A_73, %broadcast_in_dim3A_172], %mul3A_176 : memref<400x8xf32, #tpu.memory_space<vmem>>[vector<16xi32>, vector<16xi32>], vector<16xf32>,
        %broadcast_in_dim3A_177 = arith.constant 9 : i32
        %broadcast_in_dim3A_178 = vector.broadcast %broadcast_in_dim3A_177 : i32 to vector<16xi32>
        %broadcast_in_dim3A_179 = arith.constant 9 : i32
        %broadcast_in_dim3A_180 = vector.broadcast %broadcast_in_dim3A_179 : i32 to vector<16xi32>
        %gather3A_181 = tpu.vector_load_idx %arg12[%add3A_73, %broadcast_in_dim3A_180] : memref<400x24xf32, #tpu.memory_space<vmem>>[vector<16xi32>, vector<16xi32>], vector<16xf32>,
        %mul3A_182 = arith.mulf %div3A_170, %gather3A_181 : vector<16xf32>
        tpu.vector_store_idx %arg12[%add3A_73, %broadcast_in_dim3A_178], %mul3A_182 : memref<400x24xf32, #tpu.memory_space<vmem>>[vector<16xi32>, vector<16xi32>], vector<16xf32>,
        %broadcast_in_dim3A_183 = arith.constant 10 : i32
        %broadcast_in_dim3A_184 = vector.broadcast %broadcast_in_dim3A_183 : i32 to vector<16xi32>
        %broadcast_in_dim3A_185 = arith.constant 10 : i32
        %broadcast_in_dim3A_186 = vector.broadcast %broadcast_in_dim3A_185 : i32 to vector<16xi32>
        %gather3A_187 = tpu.vector_load_idx %arg12[%add3A_73, %broadcast_in_dim3A_186] : memref<400x24xf32, #tpu.memory_space<vmem>>[vector<16xi32>, vector<16xi32>], vector<16xf32>,
        %mul3A_188 = arith.mulf %div3A_170, %gather3A_187 : vector<16xf32>
        tpu.vector_store_idx %arg12[%add3A_73, %broadcast_in_dim3A_184], %mul3A_188 : memref<400x24xf32, #tpu.memory_space<vmem>>[vector<16xi32>, vector<16xi32>], vector<16xf32>,
        %broadcast_in_dim3A_189 = arith.constant 11 : i32
        %broadcast_in_dim3A_190 = vector.broadcast %broadcast_in_dim3A_189 : i32 to vector<16xi32>
        %broadcast_in_dim3A_191 = arith.constant 11 : i32
        %broadcast_in_dim3A_192 = vector.broadcast %broadcast_in_dim3A_191 : i32 to vector<16xi32>
        %gather3A_193 = tpu.vector_load_idx %arg12[%add3A_73, %broadcast_in_dim3A_192] : memref<400x24xf32, #tpu.memory_space<vmem>>[vector<16xi32>, vector<16xi32>], vector<16xf32>,
        %mul3A_194 = arith.mulf %div3A_170, %gather3A_193 : vector<16xf32>
        tpu.vector_store_idx %arg12[%add3A_73, %broadcast_in_dim3A_190], %mul3A_194 : memref<400x24xf32, #tpu.memory_space<vmem>>[vector<16xi32>, vector<16xi32>], vector<16xf32>,
        %broadcast_in_dim3A_195 = arith.constant 4 : i32
        %broadcast_in_dim3A_196 = vector.broadcast %broadcast_in_dim3A_195 : i32 to vector<16xi32>
        %gather3A_197 = tpu.vector_load_idx %arg10[%add3A_73, %broadcast_in_dim3A_196] : memref<400x8xf32, #tpu.memory_space<vmem>>[vector<16xi32>, vector<16xi32>], vector<16xf32>,
        %broadcast_in_dim3A_198 = arith.constant 4 : i32
        %broadcast_in_dim3A_199 = vector.broadcast %broadcast_in_dim3A_198 : i32 to vector<16xi32>
        %gather3A_200 = tpu.vector_load_idx %arg13[%add3A_73, %broadcast_in_dim3A_199] : memref<400x8xf32, #tpu.memory_space<vmem>>[vector<16xi32>, vector<16xi32>], vector<16xf32>,
        %div3A_201 = arith.divf %gather3A_197, %gather3A_200 : vector<16xf32>
        %broadcast_in_dim3A_202 = arith.constant 4 : i32
        %broadcast_in_dim3A_203 = vector.broadcast %broadcast_in_dim3A_202 : i32 to vector<16xi32>
        %broadcast_in_dim3A_204 = arith.constant 4 : i32
        %broadcast_in_dim3A_205 = vector.broadcast %broadcast_in_dim3A_204 : i32 to vector<16xi32>
        %gather3A_206 = tpu.vector_load_idx %arg11[%add3A_73, %broadcast_in_dim3A_205] : memref<400x8xf32, #tpu.memory_space<vmem>>[vector<16xi32>, vector<16xi32>], vector<16xf32>,
        %mul3A_207 = arith.mulf %div3A_201, %gather3A_206 : vector<16xf32>
        tpu.vector_store_idx %arg11[%add3A_73, %broadcast_in_dim3A_203], %mul3A_207 : memref<400x8xf32, #tpu.memory_space<vmem>>[vector<16xi32>, vector<16xi32>], vector<16xf32>,
        %broadcast_in_dim3A_208 = arith.constant 12 : i32
        %broadcast_in_dim3A_209 = vector.broadcast %broadcast_in_dim3A_208 : i32 to vector<16xi32>
        %broadcast_in_dim3A_210 = arith.constant 12 : i32
        %broadcast_in_dim3A_211 = vector.broadcast %broadcast_in_dim3A_210 : i32 to vector<16xi32>
        %gather3A_212 = tpu.vector_load_idx %arg12[%add3A_73, %broadcast_in_dim3A_211] : memref<400x24xf32, #tpu.memory_space<vmem>>[vector<16xi32>, vector<16xi32>], vector<16xf32>,
        %mul3A_213 = arith.mulf %div3A_201, %gather3A_212 : vector<16xf32>
        tpu.vector_store_idx %arg12[%add3A_73, %broadcast_in_dim3A_209], %mul3A_213 : memref<400x24xf32, #tpu.memory_space<vmem>>[vector<16xi32>, vector<16xi32>], vector<16xf32>,
        %broadcast_in_dim3A_214 = arith.constant 13 : i32
        %broadcast_in_dim3A_215 = vector.broadcast %broadcast_in_dim3A_214 : i32 to vector<16xi32>
        %broadcast_in_dim3A_216 = arith.constant 13 : i32
        %broadcast_in_dim3A_217 = vector.broadcast %broadcast_in_dim3A_216 : i32 to vector<16xi32>
        %gather3A_218 = tpu.vector_load_idx %arg12[%add3A_73, %broadcast_in_dim3A_217] : memref<400x24xf32, #tpu.memory_space<vmem>>[vector<16xi32>, vector<16xi32>], vector<16xf32>,
        %mul3A_219 = arith.mulf %div3A_201, %gather3A_218 : vector<16xf32>
        tpu.vector_store_idx %arg12[%add3A_73, %broadcast_in_dim3A_215], %mul3A_219 : memref<400x24xf32, #tpu.memory_space<vmem>>[vector<16xi32>, vector<16xi32>], vector<16xf32>,
        %broadcast_in_dim3A_220 = arith.constant 14 : i32
        %broadcast_in_dim3A_221 = vector.broadcast %broadcast_in_dim3A_220 : i32 to vector<16xi32>
        %broadcast_in_dim3A_222 = arith.constant 14 : i32
        %broadcast_in_dim3A_223 = vector.broadcast %broadcast_in_dim3A_222 : i32 to vector<16xi32>
        %gather3A_224 = tpu.vector_load_idx %arg12[%add3A_73, %broadcast_in_dim3A_223] : memref<400x24xf32, #tpu.memory_space<vmem>>[vector<16xi32>, vector<16xi32>], vector<16xf32>,
        %mul3A_225 = arith.mulf %div3A_201, %gather3A_224 : vector<16xf32>
        tpu.vector_store_idx %arg12[%add3A_73, %broadcast_in_dim3A_221], %mul3A_225 : memref<400x24xf32, #tpu.memory_space<vmem>>[vector<16xi32>, vector<16xi32>], vector<16xf32>,
        %broadcast_in_dim3A_226 = arith.constant 5 : i32
        %broadcast_in_dim3A_227 = vector.broadcast %broadcast_in_dim3A_226 : i32 to vector<16xi32>
        %gather3A_228 = tpu.vector_load_idx %arg10[%add3A_73, %broadcast_in_dim3A_227] : memref<400x8xf32, #tpu.memory_space<vmem>>[vector<16xi32>, vector<16xi32>], vector<16xf32>,
        %broadcast_in_dim3A_229 = arith.constant 5 : i32
        %broadcast_in_dim3A_230 = vector.broadcast %broadcast_in_dim3A_229 : i32 to vector<16xi32>
        %gather3A_231 = tpu.vector_load_idx %arg13[%add3A_73, %broadcast_in_dim3A_230] : memref<400x8xf32, #tpu.memory_space<vmem>>[vector<16xi32>, vector<16xi32>], vector<16xf32>,
        %div3A_232 = arith.divf %gather3A_228, %gather3A_231 : vector<16xf32>
        %broadcast_in_dim3A_233 = arith.constant 5 : i32
        %broadcast_in_dim3A_234 = vector.broadcast %broadcast_in_dim3A_233 : i32 to vector<16xi32>
        %broadcast_in_dim3A_235 = arith.constant 5 : i32
        %broadcast_in_dim3A_236 = vector.broadcast %broadcast_in_dim3A_235 : i32 to vector<16xi32>
        %gather3A_237 = tpu.vector_load_idx %arg11[%add3A_73, %broadcast_in_dim3A_236] : memref<400x8xf32, #tpu.memory_space<vmem>>[vector<16xi32>, vector<16xi32>], vector<16xf32>,
        %mul3A_238 = arith.mulf %div3A_232, %gather3A_237 : vector<16xf32>
        tpu.vector_store_idx %arg11[%add3A_73, %broadcast_in_dim3A_234], %mul3A_238 : memref<400x8xf32, #tpu.memory_space<vmem>>[vector<16xi32>, vector<16xi32>], vector<16xf32>,
        %broadcast_in_dim3A_239 = arith.constant 15 : i32
        %broadcast_in_dim3A_240 = vector.broadcast %broadcast_in_dim3A_239 : i32 to vector<16xi32>
        %broadcast_in_dim3A_241 = arith.constant 15 : i32
        %broadcast_in_dim3A_242 = vector.broadcast %broadcast_in_dim3A_241 : i32 to vector<16xi32>
        %gather3A_243 = tpu.vector_load_idx %arg12[%add3A_73, %broadcast_in_dim3A_242] : memref<400x24xf32, #tpu.memory_space<vmem>>[vector<16xi32>, vector<16xi32>], vector<16xf32>,
        %mul3A_244 = arith.mulf %div3A_232, %gather3A_243 : vector<16xf32>
        tpu.vector_store_idx %arg12[%add3A_73, %broadcast_in_dim3A_240], %mul3A_244 : memref<400x24xf32, #tpu.memory_space<vmem>>[vector<16xi32>, vector<16xi32>], vector<16xf32>,
        %broadcast_in_dim3A_245 = arith.constant 16 : i32
        %broadcast_in_dim3A_246 = vector.broadcast %broadcast_in_dim3A_245 : i32 to vector<16xi32>
        %broadcast_in_dim3A_247 = arith.constant 16 : i32
        %broadcast_in_dim3A_248 = vector.broadcast %broadcast_in_dim3A_247 : i32 to vector<16xi32>
        %gather3A_249 = tpu.vector_load_idx %arg12[%add3A_73, %broadcast_in_dim3A_248] : memref<400x24xf32, #tpu.memory_space<vmem>>[vector<16xi32>, vector<16xi32>], vector<16xf32>,
        %mul3A_250 = arith.mulf %div3A_232, %gather3A_249 : vector<16xf32>
        tpu.vector_store_idx %arg12[%add3A_73, %broadcast_in_dim3A_246], %mul3A_250 : memref<400x24xf32, #tpu.memory_space<vmem>>[vector<16xi32>, vector<16xi32>], vector<16xf32>,
        %broadcast_in_dim3A_251 = arith.constant 17 : i32
        %broadcast_in_dim3A_252 = vector.broadcast %broadcast_in_dim3A_251 : i32 to vector<16xi32>
        %broadcast_in_dim3A_253 = arith.constant 17 : i32
        %broadcast_in_dim3A_254 = vector.broadcast %broadcast_in_dim3A_253 : i32 to vector<16xi32>
        %gather3A_255 = tpu.vector_load_idx %arg12[%add3A_73, %broadcast_in_dim3A_254] : memref<400x24xf32, #tpu.memory_space<vmem>>[vector<16xi32>, vector<16xi32>], vector<16xf32>,
        %mul3A_256 = arith.mulf %div3A_232, %gather3A_255 : vector<16xf32>
        tpu.vector_store_idx %arg12[%add3A_73, %broadcast_in_dim3A_252], %mul3A_256 : memref<400x24xf32, #tpu.memory_space<vmem>>[vector<16xi32>, vector<16xi32>], vector<16xf32>,
        %broadcast_in_dim3A_257 = arith.constant 6 : i32
        %broadcast_in_dim3A_258 = vector.broadcast %broadcast_in_dim3A_257 : i32 to vector<16xi32>
        %gather3A_259 = tpu.vector_load_idx %arg10[%add3A_73, %broadcast_in_dim3A_258] : memref<400x8xf32, #tpu.memory_space<vmem>>[vector<16xi32>, vector<16xi32>], vector<16xf32>,
        %broadcast_in_dim3A_260 = arith.constant 6 : i32
        %broadcast_in_dim3A_261 = vector.broadcast %broadcast_in_dim3A_260 : i32 to vector<16xi32>
        %gather3A_262 = tpu.vector_load_idx %arg13[%add3A_73, %broadcast_in_dim3A_261] : memref<400x8xf32, #tpu.memory_space<vmem>>[vector<16xi32>, vector<16xi32>], vector<16xf32>,
        %div3A_263 = arith.divf %gather3A_259, %gather3A_262 : vector<16xf32>
        %broadcast_in_dim3A_264 = arith.constant 6 : i32
        %broadcast_in_dim3A_265 = vector.broadcast %broadcast_in_dim3A_264 : i32 to vector<16xi32>
        %broadcast_in_dim3A_266 = arith.constant 6 : i32
        %broadcast_in_dim3A_267 = vector.broadcast %broadcast_in_dim3A_266 : i32 to vector<16xi32>
        %gather3A_268 = tpu.vector_load_idx %arg11[%add3A_73, %broadcast_in_dim3A_267] : memref<400x8xf32, #tpu.memory_space<vmem>>[vector<16xi32>, vector<16xi32>], vector<16xf32>,
        %mul3A_269 = arith.mulf %div3A_263, %gather3A_268 : vector<16xf32>
        tpu.vector_store_idx %arg11[%add3A_73, %broadcast_in_dim3A_265], %mul3A_269 : memref<400x8xf32, #tpu.memory_space<vmem>>[vector<16xi32>, vector<16xi32>], vector<16xf32>,
        %broadcast_in_dim3A_270 = arith.constant 18 : i32
        %broadcast_in_dim3A_271 = vector.broadcast %broadcast_in_dim3A_270 : i32 to vector<16xi32>
        %broadcast_in_dim3A_272 = arith.constant 18 : i32
        %broadcast_in_dim3A_273 = vector.broadcast %broadcast_in_dim3A_272 : i32 to vector<16xi32>
        %gather3A_274 = tpu.vector_load_idx %arg12[%add3A_73, %broadcast_in_dim3A_273] : memref<400x24xf32, #tpu.memory_space<vmem>>[vector<16xi32>, vector<16xi32>], vector<16xf32>,
        %mul3A_275 = arith.mulf %div3A_263, %gather3A_274 : vector<16xf32>
        tpu.vector_store_idx %arg12[%add3A_73, %broadcast_in_dim3A_271], %mul3A_275 : memref<400x24xf32, #tpu.memory_space<vmem>>[vector<16xi32>, vector<16xi32>], vector<16xf32>,
        %broadcast_in_dim3A_276 = arith.constant 19 : i32
        %broadcast_in_dim3A_277 = vector.broadcast %broadcast_in_dim3A_276 : i32 to vector<16xi32>
        %broadcast_in_dim3A_278 = arith.constant 19 : i32
        %broadcast_in_dim3A_279 = vector.broadcast %broadcast_in_dim3A_278 : i32 to vector<16xi32>
        %gather3A_280 = tpu.vector_load_idx %arg12[%add3A_73, %broadcast_in_dim3A_279] : memref<400x24xf32, #tpu.memory_space<vmem>>[vector<16xi32>, vector<16xi32>], vector<16xf32>,
        %mul3A_281 = arith.mulf %div3A_263, %gather3A_280 : vector<16xf32>
        tpu.vector_store_idx %arg12[%add3A_73, %broadcast_in_dim3A_277], %mul3A_281 : memref<400x24xf32, #tpu.memory_space<vmem>>[vector<16xi32>, vector<16xi32>], vector<16xf32>,
        %broadcast_in_dim3A_282 = arith.constant 20 : i32
        %broadcast_in_dim3A_283 = vector.broadcast %broadcast_in_dim3A_282 : i32 to vector<16xi32>
        %broadcast_in_dim3A_284 = arith.constant 20 : i32
        %broadcast_in_dim3A_285 = vector.broadcast %broadcast_in_dim3A_284 : i32 to vector<16xi32>
        %gather3A_286 = tpu.vector_load_idx %arg12[%add3A_73, %broadcast_in_dim3A_285] : memref<400x24xf32, #tpu.memory_space<vmem>>[vector<16xi32>, vector<16xi32>], vector<16xf32>,
        %mul3A_287 = arith.mulf %div3A_263, %gather3A_286 : vector<16xf32>
        tpu.vector_store_idx %arg12[%add3A_73, %broadcast_in_dim3A_283], %mul3A_287 : memref<400x24xf32, #tpu.memory_space<vmem>>[vector<16xi32>, vector<16xi32>], vector<16xf32>,
        %broadcast_in_dim3A_288 = arith.constant 7 : i32
        %broadcast_in_dim3A_289 = vector.broadcast %broadcast_in_dim3A_288 : i32 to vector<16xi32>
        %gather3A_290 = tpu.vector_load_idx %arg10[%add3A_73, %broadcast_in_dim3A_289] : memref<400x8xf32, #tpu.memory_space<vmem>>[vector<16xi32>, vector<16xi32>], vector<16xf32>,
        %broadcast_in_dim3A_291 = arith.constant 7 : i32
        %broadcast_in_dim3A_292 = vector.broadcast %broadcast_in_dim3A_291 : i32 to vector<16xi32>
        %gather3A_293 = tpu.vector_load_idx %arg13[%add3A_73, %broadcast_in_dim3A_292] : memref<400x8xf32, #tpu.memory_space<vmem>>[vector<16xi32>, vector<16xi32>], vector<16xf32>,
        %div3A_294 = arith.divf %gather3A_290, %gather3A_293 : vector<16xf32>
        %broadcast_in_dim3A_295 = arith.constant 7 : i32
        %broadcast_in_dim3A_296 = vector.broadcast %broadcast_in_dim3A_295 : i32 to vector<16xi32>
        %broadcast_in_dim3A_297 = arith.constant 7 : i32
        %broadcast_in_dim3A_298 = vector.broadcast %broadcast_in_dim3A_297 : i32 to vector<16xi32>
        %gather3A_299 = tpu.vector_load_idx %arg11[%add3A_73, %broadcast_in_dim3A_298] : memref<400x8xf32, #tpu.memory_space<vmem>>[vector<16xi32>, vector<16xi32>], vector<16xf32>,
        %mul3A_300 = arith.mulf %div3A_294, %gather3A_299 : vector<16xf32>
        tpu.vector_store_idx %arg11[%add3A_73, %broadcast_in_dim3A_296], %mul3A_300 : memref<400x8xf32, #tpu.memory_space<vmem>>[vector<16xi32>, vector<16xi32>], vector<16xf32>,
        %broadcast_in_dim3A_301 = arith.constant 21 : i32
        %broadcast_in_dim3A_302 = vector.broadcast %broadcast_in_dim3A_301 : i32 to vector<16xi32>
        %broadcast_in_dim3A_303 = arith.constant 21 : i32
        %broadcast_in_dim3A_304 = vector.broadcast %broadcast_in_dim3A_303 : i32 to vector<16xi32>
        %gather3A_305 = tpu.vector_load_idx %arg12[%add3A_73, %broadcast_in_dim3A_304] : memref<400x24xf32, #tpu.memory_space<vmem>>[vector<16xi32>, vector<16xi32>], vector<16xf32>,
        %mul3A_306 = arith.mulf %div3A_294, %gather3A_305 : vector<16xf32>
        tpu.vector_store_idx %arg12[%add3A_73, %broadcast_in_dim3A_302], %mul3A_306 : memref<400x24xf32, #tpu.memory_space<vmem>>[vector<16xi32>, vector<16xi32>], vector<16xf32>,
        %broadcast_in_dim3A_307 = arith.constant 22 : i32
        %broadcast_in_dim3A_308 = vector.broadcast %broadcast_in_dim3A_307 : i32 to vector<16xi32>
        %broadcast_in_dim3A_309 = arith.constant 22 : i32
        %broadcast_in_dim3A_310 = vector.broadcast %broadcast_in_dim3A_309 : i32 to vector<16xi32>
        %gather3A_311 = tpu.vector_load_idx %arg12[%add3A_73, %broadcast_in_dim3A_310] : memref<400x24xf32, #tpu.memory_space<vmem>>[vector<16xi32>, vector<16xi32>], vector<16xf32>,
        %mul3A_312 = arith.mulf %div3A_294, %gather3A_311 : vector<16xf32>
        tpu.vector_store_idx %arg12[%add3A_73, %broadcast_in_dim3A_308], %mul3A_312 : memref<400x24xf32, #tpu.memory_space<vmem>>[vector<16xi32>, vector<16xi32>], vector<16xf32>,
        %broadcast_in_dim3A_313 = arith.constant 23 : i32
        %broadcast_in_dim3A_314 = vector.broadcast %broadcast_in_dim3A_313 : i32 to vector<16xi32>
        %broadcast_in_dim3A_315 = arith.constant 23 : i32
        %broadcast_in_dim3A_316 = vector.broadcast %broadcast_in_dim3A_315 : i32 to vector<16xi32>
        %gather3A_317 = tpu.vector_load_idx %arg12[%add3A_73, %broadcast_in_dim3A_316] : memref<400x24xf32, #tpu.memory_space<vmem>>[vector<16xi32>, vector<16xi32>], vector<16xf32>,
        %mul3A_318 = arith.mulf %div3A_294, %gather3A_317 : vector<16xf32>
        tpu.vector_store_idx %arg12[%add3A_73, %broadcast_in_dim3A_314], %mul3A_318 : memref<400x24xf32, #tpu.memory_space<vmem>>[vector<16xi32>, vector<16xi32>], vector<16xf32>,
      }
      %scan3A_48 = arith.constant 25 : i32
      %run_scoped3A_49 = arith.constant 1 : i32
      %run_scoped3A_50 = arith.constant 0 : i32
      "tpu.region"() ({
        %run_scoped3A_65 = tpu.sem_alloc : memref<!tpu.dma_semaphore, #tpu.memory_space<semaphore_mem>>
        %dma_start3A = arith.constant 0 : i32
        %dma_start3A_66 = arith.constant 0 : i32
        %dma_start3A_67 = tpu.memref_slice %arg11[%dma_start3A, %dma_start3A_66] : memref<400x8xf32, #tpu.memory_space<vmem>> -> memref<100x8xf32, #tpu.memory_space<vmem>>
        %dma_start3A_68 = arith.constant 0 : i32
        %dma_start3A_69 = tpu.memref_slice %arg14[%run_scoped3A_49, %run_scoped3A_50, %dma_start3A_68] : memref<2x4x100xi32, #tpu.memory_space<vmem>> -> memref<1x1x100xi32, #tpu.memory_space<vmem>>
        %dma_start3A_70 = tpu.memref_squeeze %dma_start3A_69 : memref<1x1x100xi32, #tpu.memory_space<vmem>> -> memref<100xi32, #tpu.memory_space<vmem>>
        %dma_start3A_71 = arith.constant 0 : i32
        %dma_start3A_72 = arith.constant 0 : i32
        %dma_start3A_73 = tpu.memref_slice %arg15[%dma_start3A_71, %dma_start3A_72] : memref<50000x8xf32, #tpu.memory_space<vmem_shared>> -> memref<50000x8xf32, #tpu.memory_space<vmem_shared>>
        tpu.enqueue_indirect_dma source(%dma_start3A_67 : memref<100x8xf32, #tpu.memory_space<vmem>>) target(%dma_start3A_73 : memref<50000x8xf32, #tpu.memory_space<vmem_shared>>) offsets(%dma_start3A_70 : memref<100xi32, #tpu.memory_space<vmem>>) semaphore(%run_scoped3A_65 : memref<!tpu.dma_semaphore, #tpu.memory_space<semaphore_mem>>) {add = true}
        %dma_wait3A = arith.constant 0 : i32
        %dma_wait3A_74 = arith.constant 0 : i32
        %dma_wait3A_75 = tpu.memref_slice %arg11[%dma_wait3A, %dma_wait3A_74] : memref<400x8xf32, #tpu.memory_space<vmem>> -> memref<100x8xf32, #tpu.memory_space<vmem>>
        %dma_wait3A_76 = arith.constant 0 : i32
        %dma_wait3A_77 = tpu.memref_slice %arg14[%run_scoped3A_49, %run_scoped3A_50, %dma_wait3A_76] : memref<2x4x100xi32, #tpu.memory_space<vmem>> -> memref<1x1x100xi32, #tpu.memory_space<vmem>>
        %dma_wait3A_78 = tpu.memref_squeeze %dma_wait3A_77 : memref<1x1x100xi32, #tpu.memory_space<vmem>> -> memref<100xi32, #tpu.memory_space<vmem>>
        %dma_wait3A_79 = arith.constant 0 : i32
        %dma_wait3A_80 = arith.constant 0 : i32
        %dma_wait3A_81 = tpu.memref_slice %arg15[%dma_wait3A_79, %dma_wait3A_80] : memref<50000x8xf32, #tpu.memory_space<vmem_shared>> -> memref<50000x8xf32, #tpu.memory_space<vmem_shared>>
        tpu.wait_indirect_dma semaphore(%run_scoped3A_65 : memref<!tpu.dma_semaphore, #tpu.memory_space<semaphore_mem>>) src(%dma_wait3A_75 : memref<100x8xf32, #tpu.memory_space<vmem>>) dst(%dma_wait3A_81 : memref<50000x8xf32, #tpu.memory_space<vmem_shared>>)
        tpu.yield
      }) : () -> ()
      %run_scoped3A_51 = arith.constant 1 : i32
      %run_scoped3A_52 = arith.constant 0 : i32
      "tpu.region"() ({
        %run_scoped3A_65 = tpu.sem_alloc : memref<!tpu.dma_semaphore, #tpu.memory_space<semaphore_mem>>
        %dma_start3A = arith.constant 0 : i32
        %dma_start3A_66 = arith.constant 0 : i32
        %dma_start3A_67 = tpu.memref_slice %arg12[%dma_start3A, %dma_start3A_66] : memref<400x24xf32, #tpu.memory_space<vmem>> -> memref<100x24xf32, #tpu.memory_space<vmem>>
        %dma_start3A_68 = arith.constant 0 : i32
        %dma_start3A_69 = tpu.memref_slice %arg14[%run_scoped3A_51, %run_scoped3A_52, %dma_start3A_68] : memref<2x4x100xi32, #tpu.memory_space<vmem>> -> memref<1x1x100xi32, #tpu.memory_space<vmem>>
        %dma_start3A_70 = tpu.memref_squeeze %dma_start3A_69 : memref<1x1x100xi32, #tpu.memory_space<vmem>> -> memref<100xi32, #tpu.memory_space<vmem>>
        %dma_start3A_71 = arith.constant 0 : i32
        %dma_start3A_72 = arith.constant 0 : i32
        %dma_start3A_73 = tpu.memref_slice %arg16[%dma_start3A_71, %dma_start3A_72] : memref<50000x24xf32, #tpu.memory_space<vmem_shared>> -> memref<50000x24xf32, #tpu.memory_space<vmem_shared>>
        tpu.enqueue_indirect_dma source(%dma_start3A_67 : memref<100x24xf32, #tpu.memory_space<vmem>>) target(%dma_start3A_73 : memref<50000x24xf32, #tpu.memory_space<vmem_shared>>) offsets(%dma_start3A_70 : memref<100xi32, #tpu.memory_space<vmem>>) semaphore(%run_scoped3A_65 : memref<!tpu.dma_semaphore, #tpu.memory_space<semaphore_mem>>) {add = true}
        %dma_wait3A = arith.constant 0 : i32
        %dma_wait3A_74 = arith.constant 0 : i32
        %dma_wait3A_75 = tpu.memref_slice %arg12[%dma_wait3A, %dma_wait3A_74] : memref<400x24xf32, #tpu.memory_space<vmem>> -> memref<100x24xf32, #tpu.memory_space<vmem>>
        %dma_wait3A_76 = arith.constant 0 : i32
        %dma_wait3A_77 = tpu.memref_slice %arg14[%run_scoped3A_51, %run_scoped3A_52, %dma_wait3A_76] : memref<2x4x100xi32, #tpu.memory_space<vmem>> -> memref<1x1x100xi32, #tpu.memory_space<vmem>>
        %dma_wait3A_78 = tpu.memref_squeeze %dma_wait3A_77 : memref<1x1x100xi32, #tpu.memory_space<vmem>> -> memref<100xi32, #tpu.memory_space<vmem>>
        %dma_wait3A_79 = arith.constant 0 : i32
        %dma_wait3A_80 = arith.constant 0 : i32
        %dma_wait3A_81 = tpu.memref_slice %arg16[%dma_wait3A_79, %dma_wait3A_80] : memref<50000x24xf32, #tpu.memory_space<vmem_shared>> -> memref<50000x24xf32, #tpu.memory_space<vmem_shared>>
        tpu.wait_indirect_dma semaphore(%run_scoped3A_65 : memref<!tpu.dma_semaphore, #tpu.memory_space<semaphore_mem>>) src(%dma_wait3A_75 : memref<100x24xf32, #tpu.memory_space<vmem>>) dst(%dma_wait3A_81 : memref<50000x24xf32, #tpu.memory_space<vmem_shared>>)
        tpu.yield
      }) : () -> ()
      %run_scoped3A_53 = arith.constant 1 : i32
      %run_scoped3A_54 = arith.constant 1 : i32
      "tpu.region"() ({
        %run_scoped3A_65 = tpu.sem_alloc : memref<!tpu.dma_semaphore, #tpu.memory_space<semaphore_mem>>
        %dma_start3A = arith.constant 100 : i32
        %dma_start3A_66 = arith.constant 0 : i32
        %dma_start3A_67 = tpu.memref_slice %arg11[%dma_start3A, %dma_start3A_66] : memref<400x8xf32, #tpu.memory_space<vmem>> -> memref<100x8xf32, #tpu.memory_space<vmem>>
        %dma_start3A_68 = arith.constant 0 : i32
        %dma_start3A_69 = tpu.memref_slice %arg14[%run_scoped3A_53, %run_scoped3A_54, %dma_start3A_68] : memref<2x4x100xi32, #tpu.memory_space<vmem>> -> memref<1x1x100xi32, #tpu.memory_space<vmem>>
        %dma_start3A_70 = tpu.memref_squeeze %dma_start3A_69 : memref<1x1x100xi32, #tpu.memory_space<vmem>> -> memref<100xi32, #tpu.memory_space<vmem>>
        %dma_start3A_71 = arith.constant 0 : i32
        %dma_start3A_72 = arith.constant 0 : i32
        %dma_start3A_73 = tpu.memref_slice %arg15[%dma_start3A_71, %dma_start3A_72] : memref<50000x8xf32, #tpu.memory_space<vmem_shared>> -> memref<50000x8xf32, #tpu.memory_space<vmem_shared>>
        tpu.enqueue_indirect_dma source(%dma_start3A_67 : memref<100x8xf32, #tpu.memory_space<vmem>>) target(%dma_start3A_73 : memref<50000x8xf32, #tpu.memory_space<vmem_shared>>) offsets(%dma_start3A_70 : memref<100xi32, #tpu.memory_space<vmem>>) semaphore(%run_scoped3A_65 : memref<!tpu.dma_semaphore, #tpu.memory_space<semaphore_mem>>) {add = true}
        %dma_wait3A = arith.constant 100 : i32
        %dma_wait3A_74 = arith.constant 0 : i32
        %dma_wait3A_75 = tpu.memref_slice %arg11[%dma_wait3A, %dma_wait3A_74] : memref<400x8xf32, #tpu.memory_space<vmem>> -> memref<100x8xf32, #tpu.memory_space<vmem>>
        %dma_wait3A_76 = arith.constant 0 : i32
        %dma_wait3A_77 = tpu.memref_slice %arg14[%run_scoped3A_53, %run_scoped3A_54, %dma_wait3A_76] : memref<2x4x100xi32, #tpu.memory_space<vmem>> -> memref<1x1x100xi32, #tpu.memory_space<vmem>>
        %dma_wait3A_78 = tpu.memref_squeeze %dma_wait3A_77 : memref<1x1x100xi32, #tpu.memory_space<vmem>> -> memref<100xi32, #tpu.memory_space<vmem>>
        %dma_wait3A_79 = arith.constant 0 : i32
        %dma_wait3A_80 = arith.constant 0 : i32
        %dma_wait3A_81 = tpu.memref_slice %arg15[%dma_wait3A_79, %dma_wait3A_80] : memref<50000x8xf32, #tpu.memory_space<vmem_shared>> -> memref<50000x8xf32, #tpu.memory_space<vmem_shared>>
        tpu.wait_indirect_dma semaphore(%run_scoped3A_65 : memref<!tpu.dma_semaphore, #tpu.memory_space<semaphore_mem>>) src(%dma_wait3A_75 : memref<100x8xf32, #tpu.memory_space<vmem>>) dst(%dma_wait3A_81 : memref<50000x8xf32, #tpu.memory_space<vmem_shared>>)
        tpu.yield
      }) : () -> ()
      %run_scoped3A_55 = arith.constant 1 : i32
      %run_scoped3A_56 = arith.constant 1 : i32
      "tpu.region"() ({
        %run_scoped3A_65 = tpu.sem_alloc : memref<!tpu.dma_semaphore, #tpu.memory_space<semaphore_mem>>
        %dma_start3A = arith.constant 100 : i32
        %dma_start3A_66 = arith.constant 0 : i32
        %dma_start3A_67 = tpu.memref_slice %arg12[%dma_start3A, %dma_start3A_66] : memref<400x24xf32, #tpu.memory_space<vmem>> -> memref<100x24xf32, #tpu.memory_space<vmem>>
        %dma_start3A_68 = arith.constant 0 : i32
        %dma_start3A_69 = tpu.memref_slice %arg14[%run_scoped3A_55, %run_scoped3A_56, %dma_start3A_68] : memref<2x4x100xi32, #tpu.memory_space<vmem>> -> memref<1x1x100xi32, #tpu.memory_space<vmem>>
        %dma_start3A_70 = tpu.memref_squeeze %dma_start3A_69 : memref<1x1x100xi32, #tpu.memory_space<vmem>> -> memref<100xi32, #tpu.memory_space<vmem>>
        %dma_start3A_71 = arith.constant 0 : i32
        %dma_start3A_72 = arith.constant 0 : i32
        %dma_start3A_73 = tpu.memref_slice %arg16[%dma_start3A_71, %dma_start3A_72] : memref<50000x24xf32, #tpu.memory_space<vmem_shared>> -> memref<50000x24xf32, #tpu.memory_space<vmem_shared>>
        tpu.enqueue_indirect_dma source(%dma_start3A_67 : memref<100x24xf32, #tpu.memory_space<vmem>>) target(%dma_start3A_73 : memref<50000x24xf32, #tpu.memory_space<vmem_shared>>) offsets(%dma_start3A_70 : memref<100xi32, #tpu.memory_space<vmem>>) semaphore(%run_scoped3A_65 : memref<!tpu.dma_semaphore, #tpu.memory_space<semaphore_mem>>) {add = true}
        %dma_wait3A = arith.constant 100 : i32
        %dma_wait3A_74 = arith.constant 0 : i32
        %dma_wait3A_75 = tpu.memref_slice %arg12[%dma_wait3A, %dma_wait3A_74] : memref<400x24xf32, #tpu.memory_space<vmem>> -> memref<100x24xf32, #tpu.memory_space<vmem>>
        %dma_wait3A_76 = arith.constant 0 : i32
        %dma_wait3A_77 = tpu.memref_slice %arg14[%run_scoped3A_55, %run_scoped3A_56, %dma_wait3A_76] : memref<2x4x100xi32, #tpu.memory_space<vmem>> -> memref<1x1x100xi32, #tpu.memory_space<vmem>>
        %dma_wait3A_78 = tpu.memref_squeeze %dma_wait3A_77 : memref<1x1x100xi32, #tpu.memory_space<vmem>> -> memref<100xi32, #tpu.memory_space<vmem>>
        %dma_wait3A_79 = arith.constant 0 : i32
        %dma_wait3A_80 = arith.constant 0 : i32
        %dma_wait3A_81 = tpu.memref_slice %arg16[%dma_wait3A_79, %dma_wait3A_80] : memref<50000x24xf32, #tpu.memory_space<vmem_shared>> -> memref<50000x24xf32, #tpu.memory_space<vmem_shared>>
        tpu.wait_indirect_dma semaphore(%run_scoped3A_65 : memref<!tpu.dma_semaphore, #tpu.memory_space<semaphore_mem>>) src(%dma_wait3A_75 : memref<100x24xf32, #tpu.memory_space<vmem>>) dst(%dma_wait3A_81 : memref<50000x24xf32, #tpu.memory_space<vmem_shared>>)
        tpu.yield
      }) : () -> ()
      %run_scoped3A_57 = arith.constant 1 : i32
      %run_scoped3A_58 = arith.constant 2 : i32
      "tpu.region"() ({
        %run_scoped3A_65 = tpu.sem_alloc : memref<!tpu.dma_semaphore, #tpu.memory_space<semaphore_mem>>
        %dma_start3A = arith.constant 200 : i32
        %dma_start3A_66 = arith.constant 0 : i32
        %dma_start3A_67 = tpu.memref_slice %arg11[%dma_start3A, %dma_start3A_66] : memref<400x8xf32, #tpu.memory_space<vmem>> -> memref<100x8xf32, #tpu.memory_space<vmem>>
        %dma_start3A_68 = arith.constant 0 : i32
        %dma_start3A_69 = tpu.memref_slice %arg14[%run_scoped3A_57, %run_scoped3A_58, %dma_start3A_68] : memref<2x4x100xi32, #tpu.memory_space<vmem>> -> memref<1x1x100xi32, #tpu.memory_space<vmem>>
        %dma_start3A_70 = tpu.memref_squeeze %dma_start3A_69 : memref<1x1x100xi32, #tpu.memory_space<vmem>> -> memref<100xi32, #tpu.memory_space<vmem>>
        %dma_start3A_71 = arith.constant 0 : i32
        %dma_start3A_72 = arith.constant 0 : i32
        %dma_start3A_73 = tpu.memref_slice %arg15[%dma_start3A_71, %dma_start3A_72] : memref<50000x8xf32, #tpu.memory_space<vmem_shared>> -> memref<50000x8xf32, #tpu.memory_space<vmem_shared>>
        tpu.enqueue_indirect_dma source(%dma_start3A_67 : memref<100x8xf32, #tpu.memory_space<vmem>>) target(%dma_start3A_73 : memref<50000x8xf32, #tpu.memory_space<vmem_shared>>) offsets(%dma_start3A_70 : memref<100xi32, #tpu.memory_space<vmem>>) semaphore(%run_scoped3A_65 : memref<!tpu.dma_semaphore, #tpu.memory_space<semaphore_mem>>) {add = true}
        %dma_wait3A = arith.constant 200 : i32
        %dma_wait3A_74 = arith.constant 0 : i32
        %dma_wait3A_75 = tpu.memref_slice %arg11[%dma_wait3A, %dma_wait3A_74] : memref<400x8xf32, #tpu.memory_space<vmem>> -> memref<100x8xf32, #tpu.memory_space<vmem>>
        %dma_wait3A_76 = arith.constant 0 : i32
        %dma_wait3A_77 = tpu.memref_slice %arg14[%run_scoped3A_57, %run_scoped3A_58, %dma_wait3A_76] : memref<2x4x100xi32, #tpu.memory_space<vmem>> -> memref<1x1x100xi32, #tpu.memory_space<vmem>>
        %dma_wait3A_78 = tpu.memref_squeeze %dma_wait3A_77 : memref<1x1x100xi32, #tpu.memory_space<vmem>> -> memref<100xi32, #tpu.memory_space<vmem>>
        %dma_wait3A_79 = arith.constant 0 : i32
        %dma_wait3A_80 = arith.constant 0 : i32
        %dma_wait3A_81 = tpu.memref_slice %arg15[%dma_wait3A_79, %dma_wait3A_80] : memref<50000x8xf32, #tpu.memory_space<vmem_shared>> -> memref<50000x8xf32, #tpu.memory_space<vmem_shared>>
        tpu.wait_indirect_dma semaphore(%run_scoped3A_65 : memref<!tpu.dma_semaphore, #tpu.memory_space<semaphore_mem>>) src(%dma_wait3A_75 : memref<100x8xf32, #tpu.memory_space<vmem>>) dst(%dma_wait3A_81 : memref<50000x8xf32, #tpu.memory_space<vmem_shared>>)
        tpu.yield
      }) : () -> ()
      %run_scoped3A_59 = arith.constant 1 : i32
      %run_scoped3A_60 = arith.constant 2 : i32
      "tpu.region"() ({
        %run_scoped3A_65 = tpu.sem_alloc : memref<!tpu.dma_semaphore, #tpu.memory_space<semaphore_mem>>
        %dma_start3A = arith.constant 200 : i32
        %dma_start3A_66 = arith.constant 0 : i32
        %dma_start3A_67 = tpu.memref_slice %arg12[%dma_start3A, %dma_start3A_66] : memref<400x24xf32, #tpu.memory_space<vmem>> -> memref<100x24xf32, #tpu.memory_space<vmem>>
        %dma_start3A_68 = arith.constant 0 : i32
        %dma_start3A_69 = tpu.memref_slice %arg14[%run_scoped3A_59, %run_scoped3A_60, %dma_start3A_68] : memref<2x4x100xi32, #tpu.memory_space<vmem>> -> memref<1x1x100xi32, #tpu.memory_space<vmem>>
        %dma_start3A_70 = tpu.memref_squeeze %dma_start3A_69 : memref<1x1x100xi32, #tpu.memory_space<vmem>> -> memref<100xi32, #tpu.memory_space<vmem>>
        %dma_start3A_71 = arith.constant 0 : i32
        %dma_start3A_72 = arith.constant 0 : i32
        %dma_start3A_73 = tpu.memref_slice %arg16[%dma_start3A_71, %dma_start3A_72] : memref<50000x24xf32, #tpu.memory_space<vmem_shared>> -> memref<50000x24xf32, #tpu.memory_space<vmem_shared>>
        tpu.enqueue_indirect_dma source(%dma_start3A_67 : memref<100x24xf32, #tpu.memory_space<vmem>>) target(%dma_start3A_73 : memref<50000x24xf32, #tpu.memory_space<vmem_shared>>) offsets(%dma_start3A_70 : memref<100xi32, #tpu.memory_space<vmem>>) semaphore(%run_scoped3A_65 : memref<!tpu.dma_semaphore, #tpu.memory_space<semaphore_mem>>) {add = true}
        %dma_wait3A = arith.constant 200 : i32
        %dma_wait3A_74 = arith.constant 0 : i32
        %dma_wait3A_75 = tpu.memref_slice %arg12[%dma_wait3A, %dma_wait3A_74] : memref<400x24xf32, #tpu.memory_space<vmem>> -> memref<100x24xf32, #tpu.memory_space<vmem>>
        %dma_wait3A_76 = arith.constant 0 : i32
        %dma_wait3A_77 = tpu.memref_slice %arg14[%run_scoped3A_59, %run_scoped3A_60, %dma_wait3A_76] : memref<2x4x100xi32, #tpu.memory_space<vmem>> -> memref<1x1x100xi32, #tpu.memory_space<vmem>>
        %dma_wait3A_78 = tpu.memref_squeeze %dma_wait3A_77 : memref<1x1x100xi32, #tpu.memory_space<vmem>> -> memref<100xi32, #tpu.memory_space<vmem>>
        %dma_wait3A_79 = arith.constant 0 : i32
        %dma_wait3A_80 = arith.constant 0 : i32
        %dma_wait3A_81 = tpu.memref_slice %arg16[%dma_wait3A_79, %dma_wait3A_80] : memref<50000x24xf32, #tpu.memory_space<vmem_shared>> -> memref<50000x24xf32, #tpu.memory_space<vmem_shared>>
        tpu.wait_indirect_dma semaphore(%run_scoped3A_65 : memref<!tpu.dma_semaphore, #tpu.memory_space<semaphore_mem>>) src(%dma_wait3A_75 : memref<100x24xf32, #tpu.memory_space<vmem>>) dst(%dma_wait3A_81 : memref<50000x24xf32, #tpu.memory_space<vmem_shared>>)
        tpu.yield
      }) : () -> ()
      %run_scoped3A_61 = arith.constant 1 : i32
      %run_scoped3A_62 = arith.constant 3 : i32
      "tpu.region"() ({
        %run_scoped3A_65 = tpu.sem_alloc : memref<!tpu.dma_semaphore, #tpu.memory_space<semaphore_mem>>
        %dma_start3A = arith.constant 300 : i32
        %dma_start3A_66 = arith.constant 0 : i32
        %dma_start3A_67 = tpu.memref_slice %arg11[%dma_start3A, %dma_start3A_66] : memref<400x8xf32, #tpu.memory_space<vmem>> -> memref<100x8xf32, #tpu.memory_space<vmem>>
        %dma_start3A_68 = arith.constant 0 : i32
        %dma_start3A_69 = tpu.memref_slice %arg14[%run_scoped3A_61, %run_scoped3A_62, %dma_start3A_68] : memref<2x4x100xi32, #tpu.memory_space<vmem>> -> memref<1x1x100xi32, #tpu.memory_space<vmem>>
        %dma_start3A_70 = tpu.memref_squeeze %dma_start3A_69 : memref<1x1x100xi32, #tpu.memory_space<vmem>> -> memref<100xi32, #tpu.memory_space<vmem>>
        %dma_start3A_71 = arith.constant 0 : i32
        %dma_start3A_72 = arith.constant 0 : i32
        %dma_start3A_73 = tpu.memref_slice %arg15[%dma_start3A_71, %dma_start3A_72] : memref<50000x8xf32, #tpu.memory_space<vmem_shared>> -> memref<50000x8xf32, #tpu.memory_space<vmem_shared>>
        tpu.enqueue_indirect_dma source(%dma_start3A_67 : memref<100x8xf32, #tpu.memory_space<vmem>>) target(%dma_start3A_73 : memref<50000x8xf32, #tpu.memory_space<vmem_shared>>) offsets(%dma_start3A_70 : memref<100xi32, #tpu.memory_space<vmem>>) semaphore(%run_scoped3A_65 : memref<!tpu.dma_semaphore, #tpu.memory_space<semaphore_mem>>) {add = true}
        %dma_wait3A = arith.constant 300 : i32
        %dma_wait3A_74 = arith.constant 0 : i32
        %dma_wait3A_75 = tpu.memref_slice %arg11[%dma_wait3A, %dma_wait3A_74] : memref<400x8xf32, #tpu.memory_space<vmem>> -> memref<100x8xf32, #tpu.memory_space<vmem>>
        %dma_wait3A_76 = arith.constant 0 : i32
        %dma_wait3A_77 = tpu.memref_slice %arg14[%run_scoped3A_61, %run_scoped3A_62, %dma_wait3A_76] : memref<2x4x100xi32, #tpu.memory_space<vmem>> -> memref<1x1x100xi32, #tpu.memory_space<vmem>>
        %dma_wait3A_78 = tpu.memref_squeeze %dma_wait3A_77 : memref<1x1x100xi32, #tpu.memory_space<vmem>> -> memref<100xi32, #tpu.memory_space<vmem>>
        %dma_wait3A_79 = arith.constant 0 : i32
        %dma_wait3A_80 = arith.constant 0 : i32
        %dma_wait3A_81 = tpu.memref_slice %arg15[%dma_wait3A_79, %dma_wait3A_80] : memref<50000x8xf32, #tpu.memory_space<vmem_shared>> -> memref<50000x8xf32, #tpu.memory_space<vmem_shared>>
        tpu.wait_indirect_dma semaphore(%run_scoped3A_65 : memref<!tpu.dma_semaphore, #tpu.memory_space<semaphore_mem>>) src(%dma_wait3A_75 : memref<100x8xf32, #tpu.memory_space<vmem>>) dst(%dma_wait3A_81 : memref<50000x8xf32, #tpu.memory_space<vmem_shared>>)
        tpu.yield
      }) : () -> ()
      %run_scoped3A_63 = arith.constant 1 : i32
      %run_scoped3A_64 = arith.constant 3 : i32
      "tpu.region"() ({
        %run_scoped3A_65 = tpu.sem_alloc : memref<!tpu.dma_semaphore, #tpu.memory_space<semaphore_mem>>
        %dma_start3A = arith.constant 300 : i32
        %dma_start3A_66 = arith.constant 0 : i32
        %dma_start3A_67 = tpu.memref_slice %arg12[%dma_start3A, %dma_start3A_66] : memref<400x24xf32, #tpu.memory_space<vmem>> -> memref<100x24xf32, #tpu.memory_space<vmem>>
        %dma_start3A_68 = arith.constant 0 : i32
        %dma_start3A_69 = tpu.memref_slice %arg14[%run_scoped3A_63, %run_scoped3A_64, %dma_start3A_68] : memref<2x4x100xi32, #tpu.memory_space<vmem>> -> memref<1x1x100xi32, #tpu.memory_space<vmem>>
        %dma_start3A_70 = tpu.memref_squeeze %dma_start3A_69 : memref<1x1x100xi32, #tpu.memory_space<vmem>> -> memref<100xi32, #tpu.memory_space<vmem>>
        %dma_start3A_71 = arith.constant 0 : i32
        %dma_start3A_72 = arith.constant 0 : i32
        %dma_start3A_73 = tpu.memref_slice %arg16[%dma_start3A_71, %dma_start3A_72] : memref<50000x24xf32, #tpu.memory_space<vmem_shared>> -> memref<50000x24xf32, #tpu.memory_space<vmem_shared>>
        tpu.enqueue_indirect_dma source(%dma_start3A_67 : memref<100x24xf32, #tpu.memory_space<vmem>>) target(%dma_start3A_73 : memref<50000x24xf32, #tpu.memory_space<vmem_shared>>) offsets(%dma_start3A_70 : memref<100xi32, #tpu.memory_space<vmem>>) semaphore(%run_scoped3A_65 : memref<!tpu.dma_semaphore, #tpu.memory_space<semaphore_mem>>) {add = true}
        %dma_wait3A = arith.constant 300 : i32
        %dma_wait3A_74 = arith.constant 0 : i32
        %dma_wait3A_75 = tpu.memref_slice %arg12[%dma_wait3A, %dma_wait3A_74] : memref<400x24xf32, #tpu.memory_space<vmem>> -> memref<100x24xf32, #tpu.memory_space<vmem>>
        %dma_wait3A_76 = arith.constant 0 : i32
        %dma_wait3A_77 = tpu.memref_slice %arg14[%run_scoped3A_63, %run_scoped3A_64, %dma_wait3A_76] : memref<2x4x100xi32, #tpu.memory_space<vmem>> -> memref<1x1x100xi32, #tpu.memory_space<vmem>>
        %dma_wait3A_78 = tpu.memref_squeeze %dma_wait3A_77 : memref<1x1x100xi32, #tpu.memory_space<vmem>> -> memref<100xi32, #tpu.memory_space<vmem>>
        %dma_wait3A_79 = arith.constant 0 : i32
        %dma_wait3A_80 = arith.constant 0 : i32
        %dma_wait3A_81 = tpu.memref_slice %arg16[%dma_wait3A_79, %dma_wait3A_80] : memref<50000x24xf32, #tpu.memory_space<vmem_shared>> -> memref<50000x24xf32, #tpu.memory_space<vmem_shared>>
        tpu.wait_indirect_dma semaphore(%run_scoped3A_65 : memref<!tpu.dma_semaphore, #tpu.memory_space<semaphore_mem>>) src(%dma_wait3A_75 : memref<100x24xf32, #tpu.memory_space<vmem>>) dst(%dma_wait3A_81 : memref<50000x24xf32, #tpu.memory_space<vmem_shared>>)
        tpu.yield
      }) : () -> ()
    }
    %scan3A_12 = arith.constant 125 : i32
    %barrier3A_13 = arith.constant 0 : index
    tpu.barrier barrier_id(%barrier3A_13)
    %mul3A_14 = arith.constant 3125 : i32
    %mul3A_15 = arith.muli %arg1, %mul3A_14 : i32
    %mul3A_16 = arith.constant 3125 : i32
    %mul3A_17 = arith.muli %arg1, %mul3A_16 : i32
    "tpu.region"() ({
      %run_scoped3A = tpu.sem_alloc : memref<!tpu.dma_semaphore, #tpu.memory_space<semaphore_mem>>
      %dma_start3A = arith.constant 0 : i32
      %dma_start3A_22 = tpu.memref_slice %arg8[%arg0, %mul3A_17, %dma_start3A] : memref<2x50000x8xf32, #tpu.memory_space<hbm>> -> memref<1x3125x8xf32, #tpu.memory_space<hbm>>
      %dma_start3A_23 = tpu.memref_squeeze %dma_start3A_22 : memref<1x3125x8xf32, #tpu.memory_space<hbm>> -> memref<3125x8xf32, #tpu.memory_space<hbm>>
      %dma_start3A_24 = arith.constant 0 : i32
      %dma_start3A_25 = tpu.memref_slice %arg15[%mul3A_15, %dma_start3A_24] : memref<50000x8xf32, #tpu.memory_space<vmem_shared>> -> memref<3125x8xf32, #tpu.memory_space<vmem_shared>>
      tpu.enqueue_dma source(%dma_start3A_25 : memref<3125x8xf32, #tpu.memory_space<vmem_shared>>) target(%dma_start3A_23 : memref<3125x8xf32, #tpu.memory_space<hbm>>) target_semaphore(%run_scoped3A : memref<!tpu.dma_semaphore, #tpu.memory_space<semaphore_mem>>)
      %dma_wait3A = arith.constant 0 : i32
      %dma_wait3A_26 = tpu.memref_slice %arg8[%arg0, %mul3A_17, %dma_wait3A] : memref<2x50000x8xf32, #tpu.memory_space<hbm>> -> memref<1x3125x8xf32, #tpu.memory_space<hbm>>
      %dma_wait3A_27 = tpu.memref_squeeze %dma_wait3A_26 : memref<1x3125x8xf32, #tpu.memory_space<hbm>> -> memref<3125x8xf32, #tpu.memory_space<hbm>>
      %dma_wait3A_28 = arith.constant 0 : i32
      %dma_wait3A_29 = tpu.memref_slice %arg15[%mul3A_15, %dma_wait3A_28] : memref<50000x8xf32, #tpu.memory_space<vmem_shared>> -> memref<3125x8xf32, #tpu.memory_space<vmem_shared>>
      tpu.wait_dma2 semaphore(%run_scoped3A : memref<!tpu.dma_semaphore, #tpu.memory_space<semaphore_mem>>) src(%dma_wait3A_29 : memref<3125x8xf32, #tpu.memory_space<vmem_shared>>) dst(%dma_wait3A_27 : memref<3125x8xf32, #tpu.memory_space<hbm>>)
      tpu.yield
    }) : () -> ()
    %mul3A_18 = arith.constant 3125 : i32
    %mul3A_19 = arith.muli %arg1, %mul3A_18 : i32
    %mul3A_20 = arith.constant 3125 : i32
    %mul3A_21 = arith.muli %arg1, %mul3A_20 : i32
    "tpu.region"() ({
      %run_scoped3A = tpu.sem_alloc : memref<!tpu.dma_semaphore, #tpu.memory_space<semaphore_mem>>
      %dma_start3A = arith.constant 0 : i32
      %dma_start3A_22 = tpu.memref_slice %arg9[%arg0, %mul3A_21, %dma_start3A] : memref<2x50000x24xf32, #tpu.memory_space<hbm>> -> memref<1x3125x24xf32, #tpu.memory_space<hbm>>
      %dma_start3A_23 = tpu.memref_squeeze %dma_start3A_22 : memref<1x3125x24xf32, #tpu.memory_space<hbm>> -> memref<3125x24xf32, #tpu.memory_space<hbm>>
      %dma_start3A_24 = arith.constant 0 : i32
      %dma_start3A_25 = tpu.memref_slice %arg16[%mul3A_19, %dma_start3A_24] : memref<50000x24xf32, #tpu.memory_space<vmem_shared>> -> memref<3125x24xf32, #tpu.memory_space<vmem_shared>>
      tpu.enqueue_dma source(%dma_start3A_25 : memref<3125x24xf32, #tpu.memory_space<vmem_shared>>) target(%dma_start3A_23 : memref<3125x24xf32, #tpu.memory_space<hbm>>) target_semaphore(%run_scoped3A : memref<!tpu.dma_semaphore, #tpu.memory_space<semaphore_mem>>)
      %dma_wait3A = arith.constant 0 : i32
      %dma_wait3A_26 = tpu.memref_slice %arg9[%arg0, %mul3A_21, %dma_wait3A] : memref<2x50000x24xf32, #tpu.memory_space<hbm>> -> memref<1x3125x24xf32, #tpu.memory_space<hbm>>
      %dma_wait3A_27 = tpu.memref_squeeze %dma_wait3A_26 : memref<1x3125x24xf32, #tpu.memory_space<hbm>> -> memref<3125x24xf32, #tpu.memory_space<hbm>>
      %dma_wait3A_28 = arith.constant 0 : i32
      %dma_wait3A_29 = tpu.memref_slice %arg16[%mul3A_19, %dma_wait3A_28] : memref<50000x24xf32, #tpu.memory_space<vmem_shared>> -> memref<3125x24xf32, #tpu.memory_space<vmem_shared>>
      tpu.wait_dma2 semaphore(%run_scoped3A : memref<!tpu.dma_semaphore, #tpu.memory_space<semaphore_mem>>) src(%dma_wait3A_29 : memref<3125x24xf32, #tpu.memory_space<vmem_shared>>) dst(%dma_wait3A_27 : memref<3125x24xf32, #tpu.memory_space<hbm>>)
      tpu.yield
    }) : () -> ()
    return
  }
}

#map = affine_map<(d0, d1) -> (0, 0)>
#map1 = affine_map<(d0, d1) -> (0, 0, 0)>
module attributes {stable_mosaic.version = 14 : i64} {
  func.func @kern(%arg0: i32, %arg1: i32, %arg2: memref<1600000x8xf32, #tpu.memory_space<hbm>>, %arg3: memref<1600000x24xf32, #tpu.memory_space<hbm>>, %arg4: memref<50000x32xf32, #tpu.memory_space<hbm>>, %arg5: memref<2x16000x100xi32, #tpu.memory_space<hbm>>, %arg6: memref<50000x32xf32, #tpu.memory_space<hbm>>, %arg7: memref<1600000x8xf32, #tpu.memory_space<hbm>>, %arg8: memref<2x50000x8xf32, #tpu.memory_space<hbm>>, %arg9: memref<400x8xf32, #tpu.memory_space<vmem>>, %arg10: memref<400x24xf32, #tpu.memory_space<vmem>>, %arg11: memref<400x32xf32, #tpu.memory_space<vmem>>, %arg12: memref<400x8xf32, #tpu.memory_space<vmem>>, %arg13: memref<2x4x100xi32, #tpu.memory_space<vmem>>, %arg14: memref<50000x8xf32, #tpu.memory_space<vmem_shared>>) attributes {dimension_semantics = [#tpu.dimension_semantics<core_parallel>, #tpu.dimension_semantics<subcore_parallel>], iteration_bounds = array<i64: 2, 16>, scalar_prefetch = 0 : i64, scratch_operands = 6 : i64, tpu.core_type = #tpu.core_type<sc_vector_subcore>, window_params = [{transform_indices = #map}, {transform_indices = #map}, {transform_indices = #map}, {transform_indices = #map1}, {transform_indices = #map}, {transform_indices = #map}, {transform_indices = #map1}]} {
    %mul3A = arith.constant 16 : i32
    %mul3A_0 = arith.muli %arg0, %mul3A : i32
    %add3A = arith.addi %mul3A_0, %arg1 : i32
    %mul3A_1 = arith.constant 3125 : i32
    %mul3A_2 = arith.muli %arg1, %mul3A_1 : i32
    %mul3A_3 = arith.constant 3125 : i32
    %mul3A_4 = arith.muli %arg1, %mul3A_3 : i32
    "tpu.region"() ({
      %run_scoped3A = tpu.sem_alloc : memref<!tpu.dma_semaphore, #tpu.memory_space<semaphore_mem>>
      %dma_start3A = arith.constant 0 : i32
      %dma_start3A_14 = tpu.memref_slice %arg14[%mul3A_4, %dma_start3A] : memref<50000x8xf32, #tpu.memory_space<vmem_shared>> -> memref<3125x8xf32, #tpu.memory_space<vmem_shared>>
      %dma_start3A_15 = arith.constant 0 : i32
      %dma_start3A_16 = tpu.memref_slice %arg6[%mul3A_2, %dma_start3A_15] : memref<50000x32xf32, #tpu.memory_space<hbm>> -> memref<3125x8xf32, #tpu.memory_space<hbm>>
      tpu.enqueue_dma source(%dma_start3A_16 : memref<3125x8xf32, #tpu.memory_space<hbm>>) target(%dma_start3A_14 : memref<3125x8xf32, #tpu.memory_space<vmem_shared>>) target_semaphore(%run_scoped3A : memref<!tpu.dma_semaphore, #tpu.memory_space<semaphore_mem>>)
      %dma_wait3A = arith.constant 0 : i32
      %dma_wait3A_17 = tpu.memref_slice %arg14[%mul3A_4, %dma_wait3A] : memref<50000x8xf32, #tpu.memory_space<vmem_shared>> -> memref<3125x8xf32, #tpu.memory_space<vmem_shared>>
      %dma_wait3A_18 = arith.constant 0 : i32
      %dma_wait3A_19 = tpu.memref_slice %arg6[%mul3A_2, %dma_wait3A_18] : memref<50000x32xf32, #tpu.memory_space<hbm>> -> memref<3125x8xf32, #tpu.memory_space<hbm>>
      tpu.wait_dma2 semaphore(%run_scoped3A : memref<!tpu.dma_semaphore, #tpu.memory_space<semaphore_mem>>) src(%dma_wait3A_19 : memref<3125x8xf32, #tpu.memory_space<hbm>>) dst(%dma_wait3A_17 : memref<3125x8xf32, #tpu.memory_space<vmem_shared>>)
      tpu.yield
    }) : () -> ()
    %barrier3A = arith.constant 0 : index
    tpu.barrier barrier_id(%barrier3A)
    %iota3A = tpu.iota {dimensions = array<i32: 0>} : vector<16xi32>
    %scan3A = arith.constant 0 : i32
    %scan3A_5 = arith.constant 125 : i32
    %scan3A_6 = arith.addi %scan3A, %scan3A_5 : i32
    %scan3A_7 = arith.constant 1 : i32
    scf.for %scan3A_14 = %scan3A to %scan3A_6 step %scan3A_7  : i32 {
      %mul3A_15 = arith.constant 1 : i32
      %mul3A_16 = arith.muli %scan3A_14, %mul3A_15 : i32
      %add3A_17 = arith.constant 0 : i32
      %add3A_18 = arith.addi %add3A_17, %mul3A_16 : i32
      %mul3A_19 = arith.constant 50000 : i32
      %mul3A_20 = arith.muli %add3A, %mul3A_19 : i32
      %mul3A_21 = arith.constant 400 : i32
      %mul3A_22 = arith.muli %add3A_18, %mul3A_21 : i32
      %add3A_23 = arith.addi %mul3A_20, %mul3A_22 : i32
      %mul3A_24 = arith.constant 500 : i32
      %mul3A_25 = arith.muli %add3A, %mul3A_24 : i32
      %mul3A_26 = arith.constant 4 : i32
      %mul3A_27 = arith.muli %add3A_18, %mul3A_26 : i32
      %add3A_28 = arith.addi %mul3A_25, %mul3A_27 : i32
      "tpu.region"() ({
        %run_scoped3A_49 = tpu.sem_alloc : memref<!tpu.dma_semaphore, #tpu.memory_space<semaphore_mem>>
        %dma_start3A = arith.constant 0 : i32
        %dma_start3A_50 = tpu.memref_slice %arg2[%add3A_23, %dma_start3A] : memref<1600000x8xf32, #tpu.memory_space<hbm>> -> memref<400x8xf32, #tpu.memory_space<hbm>>
        %dma_start3A_51 = arith.constant 0 : i32
        %dma_start3A_52 = tpu.memref_slice %arg2[%add3A_23, %dma_start3A_51] : memref<1600000x8xf32, #tpu.memory_space<hbm>> -> memref<400x8xf32, #tpu.memory_space<hbm>>
        tpu.enqueue_dma source(%dma_start3A_52 : memref<400x8xf32, #tpu.memory_space<hbm>>) target(%arg9 : memref<400x8xf32, #tpu.memory_space<vmem>>) target_semaphore(%run_scoped3A_49 : memref<!tpu.dma_semaphore, #tpu.memory_space<semaphore_mem>>)
        %dma_wait3A = arith.constant 0 : i32
        %dma_wait3A_53 = tpu.memref_slice %arg2[%add3A_23, %dma_wait3A] : memref<1600000x8xf32, #tpu.memory_space<hbm>> -> memref<400x8xf32, #tpu.memory_space<hbm>>
        %dma_wait3A_54 = arith.constant 0 : i32
        %dma_wait3A_55 = tpu.memref_slice %arg2[%add3A_23, %dma_wait3A_54] : memref<1600000x8xf32, #tpu.memory_space<hbm>> -> memref<400x8xf32, #tpu.memory_space<hbm>>
        tpu.wait_dma2 semaphore(%run_scoped3A_49 : memref<!tpu.dma_semaphore, #tpu.memory_space<semaphore_mem>>) src(%dma_wait3A_55 : memref<400x8xf32, #tpu.memory_space<hbm>>) dst(%arg9 : memref<400x8xf32, #tpu.memory_space<vmem>>)
        tpu.yield
      }) : () -> ()
      "tpu.region"() ({
        %run_scoped3A_49 = tpu.sem_alloc : memref<!tpu.dma_semaphore, #tpu.memory_space<semaphore_mem>>
        %dma_start3A = arith.constant 0 : i32
        %dma_start3A_50 = tpu.memref_slice %arg3[%add3A_23, %dma_start3A] : memref<1600000x24xf32, #tpu.memory_space<hbm>> -> memref<400x24xf32, #tpu.memory_space<hbm>>
        %dma_start3A_51 = arith.constant 0 : i32
        %dma_start3A_52 = tpu.memref_slice %arg3[%add3A_23, %dma_start3A_51] : memref<1600000x24xf32, #tpu.memory_space<hbm>> -> memref<400x24xf32, #tpu.memory_space<hbm>>
        tpu.enqueue_dma source(%dma_start3A_52 : memref<400x24xf32, #tpu.memory_space<hbm>>) target(%arg10 : memref<400x24xf32, #tpu.memory_space<vmem>>) target_semaphore(%run_scoped3A_49 : memref<!tpu.dma_semaphore, #tpu.memory_space<semaphore_mem>>)
        %dma_wait3A = arith.constant 0 : i32
        %dma_wait3A_53 = tpu.memref_slice %arg3[%add3A_23, %dma_wait3A] : memref<1600000x24xf32, #tpu.memory_space<hbm>> -> memref<400x24xf32, #tpu.memory_space<hbm>>
        %dma_wait3A_54 = arith.constant 0 : i32
        %dma_wait3A_55 = tpu.memref_slice %arg3[%add3A_23, %dma_wait3A_54] : memref<1600000x24xf32, #tpu.memory_space<hbm>> -> memref<400x24xf32, #tpu.memory_space<hbm>>
        tpu.wait_dma2 semaphore(%run_scoped3A_49 : memref<!tpu.dma_semaphore, #tpu.memory_space<semaphore_mem>>) src(%dma_wait3A_55 : memref<400x24xf32, #tpu.memory_space<hbm>>) dst(%arg10 : memref<400x24xf32, #tpu.memory_space<vmem>>)
        tpu.yield
      }) : () -> ()
      "tpu.region"() ({
        %run_scoped3A_49 = tpu.sem_alloc : memref<!tpu.dma_semaphore, #tpu.memory_space<semaphore_mem>>
        %dma_start3A = arith.constant 0 : i32
        %dma_start3A_50 = arith.constant 0 : i32
        %dma_start3A_51 = tpu.memref_slice %arg5[%dma_start3A, %add3A_28, %dma_start3A_50] : memref<2x16000x100xi32, #tpu.memory_space<hbm>> -> memref<2x4x100xi32, #tpu.memory_space<hbm>>
        %dma_start3A_52 = arith.constant 0 : i32
        %dma_start3A_53 = arith.constant 0 : i32
        %dma_start3A_54 = tpu.memref_slice %arg5[%dma_start3A_52, %add3A_28, %dma_start3A_53] : memref<2x16000x100xi32, #tpu.memory_space<hbm>> -> memref<2x4x100xi32, #tpu.memory_space<hbm>>
        tpu.enqueue_dma source(%dma_start3A_54 : memref<2x4x100xi32, #tpu.memory_space<hbm>>) target(%arg13 : memref<2x4x100xi32, #tpu.memory_space<vmem>>) target_semaphore(%run_scoped3A_49 : memref<!tpu.dma_semaphore, #tpu.memory_space<semaphore_mem>>)
        %dma_wait3A = arith.constant 0 : i32
        %dma_wait3A_55 = arith.constant 0 : i32
        %dma_wait3A_56 = tpu.memref_slice %arg5[%dma_wait3A, %add3A_28, %dma_wait3A_55] : memref<2x16000x100xi32, #tpu.memory_space<hbm>> -> memref<2x4x100xi32, #tpu.memory_space<hbm>>
        %dma_wait3A_57 = arith.constant 0 : i32
        %dma_wait3A_58 = arith.constant 0 : i32
        %dma_wait3A_59 = tpu.memref_slice %arg5[%dma_wait3A_57, %add3A_28, %dma_wait3A_58] : memref<2x16000x100xi32, #tpu.memory_space<hbm>> -> memref<2x4x100xi32, #tpu.memory_space<hbm>>
        tpu.wait_dma2 semaphore(%run_scoped3A_49 : memref<!tpu.dma_semaphore, #tpu.memory_space<semaphore_mem>>) src(%dma_wait3A_59 : memref<2x4x100xi32, #tpu.memory_space<hbm>>) dst(%arg13 : memref<2x4x100xi32, #tpu.memory_space<vmem>>)
        tpu.yield
      }) : () -> ()
      %run_scoped3A = arith.constant 1 : i32
      %run_scoped3A_29 = arith.constant 0 : i32
      "tpu.region"() ({
        %run_scoped3A_49 = tpu.sem_alloc : memref<!tpu.dma_semaphore, #tpu.memory_space<semaphore_mem>>
        %dma_start3A = arith.constant 0 : i32
        %dma_start3A_50 = arith.constant 0 : i32
        %dma_start3A_51 = tpu.memref_slice %arg11[%dma_start3A, %dma_start3A_50] : memref<400x32xf32, #tpu.memory_space<vmem>> -> memref<100x32xf32, #tpu.memory_space<vmem>>
        %dma_start3A_52 = arith.constant 0 : i32
        %dma_start3A_53 = tpu.memref_slice %arg13[%run_scoped3A, %run_scoped3A_29, %dma_start3A_52] : memref<2x4x100xi32, #tpu.memory_space<vmem>> -> memref<1x1x100xi32, #tpu.memory_space<vmem>>
        %dma_start3A_54 = tpu.memref_squeeze %dma_start3A_53 : memref<1x1x100xi32, #tpu.memory_space<vmem>> -> memref<100xi32, #tpu.memory_space<vmem>>
        %dma_start3A_55 = arith.constant 0 : i32
        %dma_start3A_56 = arith.constant 0 : i32
        %dma_start3A_57 = tpu.memref_slice %arg4[%dma_start3A_55, %dma_start3A_56] : memref<50000x32xf32, #tpu.memory_space<hbm>> -> memref<50000x32xf32, #tpu.memory_space<hbm>>
        tpu.enqueue_indirect_dma source(%dma_start3A_57 : memref<50000x32xf32, #tpu.memory_space<hbm>>) target(%dma_start3A_51 : memref<100x32xf32, #tpu.memory_space<vmem>>) offsets(%dma_start3A_54 : memref<100xi32, #tpu.memory_space<vmem>>) semaphore(%run_scoped3A_49 : memref<!tpu.dma_semaphore, #tpu.memory_space<semaphore_mem>>)
        %dma_wait3A = arith.constant 0 : i32
        %dma_wait3A_58 = arith.constant 0 : i32
        %dma_wait3A_59 = tpu.memref_slice %arg11[%dma_wait3A, %dma_wait3A_58] : memref<400x32xf32, #tpu.memory_space<vmem>> -> memref<100x32xf32, #tpu.memory_space<vmem>>
        %dma_wait3A_60 = arith.constant 0 : i32
        %dma_wait3A_61 = tpu.memref_slice %arg13[%run_scoped3A, %run_scoped3A_29, %dma_wait3A_60] : memref<2x4x100xi32, #tpu.memory_space<vmem>> -> memref<1x1x100xi32, #tpu.memory_space<vmem>>
        %dma_wait3A_62 = tpu.memref_squeeze %dma_wait3A_61 : memref<1x1x100xi32, #tpu.memory_space<vmem>> -> memref<100xi32, #tpu.memory_space<vmem>>
        %dma_wait3A_63 = arith.constant 0 : i32
        %dma_wait3A_64 = arith.constant 0 : i32
        %dma_wait3A_65 = tpu.memref_slice %arg4[%dma_wait3A_63, %dma_wait3A_64] : memref<50000x32xf32, #tpu.memory_space<hbm>> -> memref<50000x32xf32, #tpu.memory_space<hbm>>
        tpu.wait_indirect_dma semaphore(%run_scoped3A_49 : memref<!tpu.dma_semaphore, #tpu.memory_space<semaphore_mem>>) src(%dma_wait3A_65 : memref<50000x32xf32, #tpu.memory_space<hbm>>) dst(%dma_wait3A_59 : memref<100x32xf32, #tpu.memory_space<vmem>>)
        tpu.yield
      }) : () -> ()
      %run_scoped3A_30 = arith.constant 1 : i32
      %run_scoped3A_31 = arith.constant 1 : i32
      "tpu.region"() ({
        %run_scoped3A_49 = tpu.sem_alloc : memref<!tpu.dma_semaphore, #tpu.memory_space<semaphore_mem>>
        %dma_start3A = arith.constant 100 : i32
        %dma_start3A_50 = arith.constant 0 : i32
        %dma_start3A_51 = tpu.memref_slice %arg11[%dma_start3A, %dma_start3A_50] : memref<400x32xf32, #tpu.memory_space<vmem>> -> memref<100x32xf32, #tpu.memory_space<vmem>>
        %dma_start3A_52 = arith.constant 0 : i32
        %dma_start3A_53 = tpu.memref_slice %arg13[%run_scoped3A_30, %run_scoped3A_31, %dma_start3A_52] : memref<2x4x100xi32, #tpu.memory_space<vmem>> -> memref<1x1x100xi32, #tpu.memory_space<vmem>>
        %dma_start3A_54 = tpu.memref_squeeze %dma_start3A_53 : memref<1x1x100xi32, #tpu.memory_space<vmem>> -> memref<100xi32, #tpu.memory_space<vmem>>
        %dma_start3A_55 = arith.constant 0 : i32
        %dma_start3A_56 = arith.constant 0 : i32
        %dma_start3A_57 = tpu.memref_slice %arg4[%dma_start3A_55, %dma_start3A_56] : memref<50000x32xf32, #tpu.memory_space<hbm>> -> memref<50000x32xf32, #tpu.memory_space<hbm>>
        tpu.enqueue_indirect_dma source(%dma_start3A_57 : memref<50000x32xf32, #tpu.memory_space<hbm>>) target(%dma_start3A_51 : memref<100x32xf32, #tpu.memory_space<vmem>>) offsets(%dma_start3A_54 : memref<100xi32, #tpu.memory_space<vmem>>) semaphore(%run_scoped3A_49 : memref<!tpu.dma_semaphore, #tpu.memory_space<semaphore_mem>>)
        %dma_wait3A = arith.constant 100 : i32
        %dma_wait3A_58 = arith.constant 0 : i32
        %dma_wait3A_59 = tpu.memref_slice %arg11[%dma_wait3A, %dma_wait3A_58] : memref<400x32xf32, #tpu.memory_space<vmem>> -> memref<100x32xf32, #tpu.memory_space<vmem>>
        %dma_wait3A_60 = arith.constant 0 : i32
        %dma_wait3A_61 = tpu.memref_slice %arg13[%run_scoped3A_30, %run_scoped3A_31, %dma_wait3A_60] : memref<2x4x100xi32, #tpu.memory_space<vmem>> -> memref<1x1x100xi32, #tpu.memory_space<vmem>>
        %dma_wait3A_62 = tpu.memref_squeeze %dma_wait3A_61 : memref<1x1x100xi32, #tpu.memory_space<vmem>> -> memref<100xi32, #tpu.memory_space<vmem>>
        %dma_wait3A_63 = arith.constant 0 : i32
        %dma_wait3A_64 = arith.constant 0 : i32
        %dma_wait3A_65 = tpu.memref_slice %arg4[%dma_wait3A_63, %dma_wait3A_64] : memref<50000x32xf32, #tpu.memory_space<hbm>> -> memref<50000x32xf32, #tpu.memory_space<hbm>>
        tpu.wait_indirect_dma semaphore(%run_scoped3A_49 : memref<!tpu.dma_semaphore, #tpu.memory_space<semaphore_mem>>) src(%dma_wait3A_65 : memref<50000x32xf32, #tpu.memory_space<hbm>>) dst(%dma_wait3A_59 : memref<100x32xf32, #tpu.memory_space<vmem>>)
        tpu.yield
      }) : () -> ()
      %run_scoped3A_32 = arith.constant 1 : i32
      %run_scoped3A_33 = arith.constant 2 : i32
      "tpu.region"() ({
        %run_scoped3A_49 = tpu.sem_alloc : memref<!tpu.dma_semaphore, #tpu.memory_space<semaphore_mem>>
        %dma_start3A = arith.constant 200 : i32
        %dma_start3A_50 = arith.constant 0 : i32
        %dma_start3A_51 = tpu.memref_slice %arg11[%dma_start3A, %dma_start3A_50] : memref<400x32xf32, #tpu.memory_space<vmem>> -> memref<100x32xf32, #tpu.memory_space<vmem>>
        %dma_start3A_52 = arith.constant 0 : i32
        %dma_start3A_53 = tpu.memref_slice %arg13[%run_scoped3A_32, %run_scoped3A_33, %dma_start3A_52] : memref<2x4x100xi32, #tpu.memory_space<vmem>> -> memref<1x1x100xi32, #tpu.memory_space<vmem>>
        %dma_start3A_54 = tpu.memref_squeeze %dma_start3A_53 : memref<1x1x100xi32, #tpu.memory_space<vmem>> -> memref<100xi32, #tpu.memory_space<vmem>>
        %dma_start3A_55 = arith.constant 0 : i32
        %dma_start3A_56 = arith.constant 0 : i32
        %dma_start3A_57 = tpu.memref_slice %arg4[%dma_start3A_55, %dma_start3A_56] : memref<50000x32xf32, #tpu.memory_space<hbm>> -> memref<50000x32xf32, #tpu.memory_space<hbm>>
        tpu.enqueue_indirect_dma source(%dma_start3A_57 : memref<50000x32xf32, #tpu.memory_space<hbm>>) target(%dma_start3A_51 : memref<100x32xf32, #tpu.memory_space<vmem>>) offsets(%dma_start3A_54 : memref<100xi32, #tpu.memory_space<vmem>>) semaphore(%run_scoped3A_49 : memref<!tpu.dma_semaphore, #tpu.memory_space<semaphore_mem>>)
        %dma_wait3A = arith.constant 200 : i32
        %dma_wait3A_58 = arith.constant 0 : i32
        %dma_wait3A_59 = tpu.memref_slice %arg11[%dma_wait3A, %dma_wait3A_58] : memref<400x32xf32, #tpu.memory_space<vmem>> -> memref<100x32xf32, #tpu.memory_space<vmem>>
        %dma_wait3A_60 = arith.constant 0 : i32
        %dma_wait3A_61 = tpu.memref_slice %arg13[%run_scoped3A_32, %run_scoped3A_33, %dma_wait3A_60] : memref<2x4x100xi32, #tpu.memory_space<vmem>> -> memref<1x1x100xi32, #tpu.memory_space<vmem>>
        %dma_wait3A_62 = tpu.memref_squeeze %dma_wait3A_61 : memref<1x1x100xi32, #tpu.memory_space<vmem>> -> memref<100xi32, #tpu.memory_space<vmem>>
        %dma_wait3A_63 = arith.constant 0 : i32
        %dma_wait3A_64 = arith.constant 0 : i32
        %dma_wait3A_65 = tpu.memref_slice %arg4[%dma_wait3A_63, %dma_wait3A_64] : memref<50000x32xf32, #tpu.memory_space<hbm>> -> memref<50000x32xf32, #tpu.memory_space<hbm>>
        tpu.wait_indirect_dma semaphore(%run_scoped3A_49 : memref<!tpu.dma_semaphore, #tpu.memory_space<semaphore_mem>>) src(%dma_wait3A_65 : memref<50000x32xf32, #tpu.memory_space<hbm>>) dst(%dma_wait3A_59 : memref<100x32xf32, #tpu.memory_space<vmem>>)
        tpu.yield
      }) : () -> ()
      %run_scoped3A_34 = arith.constant 1 : i32
      %run_scoped3A_35 = arith.constant 3 : i32
      "tpu.region"() ({
        %run_scoped3A_49 = tpu.sem_alloc : memref<!tpu.dma_semaphore, #tpu.memory_space<semaphore_mem>>
        %dma_start3A = arith.constant 300 : i32
        %dma_start3A_50 = arith.constant 0 : i32
        %dma_start3A_51 = tpu.memref_slice %arg11[%dma_start3A, %dma_start3A_50] : memref<400x32xf32, #tpu.memory_space<vmem>> -> memref<100x32xf32, #tpu.memory_space<vmem>>
        %dma_start3A_52 = arith.constant 0 : i32
        %dma_start3A_53 = tpu.memref_slice %arg13[%run_scoped3A_34, %run_scoped3A_35, %dma_start3A_52] : memref<2x4x100xi32, #tpu.memory_space<vmem>> -> memref<1x1x100xi32, #tpu.memory_space<vmem>>
        %dma_start3A_54 = tpu.memref_squeeze %dma_start3A_53 : memref<1x1x100xi32, #tpu.memory_space<vmem>> -> memref<100xi32, #tpu.memory_space<vmem>>
        %dma_start3A_55 = arith.constant 0 : i32
        %dma_start3A_56 = arith.constant 0 : i32
        %dma_start3A_57 = tpu.memref_slice %arg4[%dma_start3A_55, %dma_start3A_56] : memref<50000x32xf32, #tpu.memory_space<hbm>> -> memref<50000x32xf32, #tpu.memory_space<hbm>>
        tpu.enqueue_indirect_dma source(%dma_start3A_57 : memref<50000x32xf32, #tpu.memory_space<hbm>>) target(%dma_start3A_51 : memref<100x32xf32, #tpu.memory_space<vmem>>) offsets(%dma_start3A_54 : memref<100xi32, #tpu.memory_space<vmem>>) semaphore(%run_scoped3A_49 : memref<!tpu.dma_semaphore, #tpu.memory_space<semaphore_mem>>)
        %dma_wait3A = arith.constant 300 : i32
        %dma_wait3A_58 = arith.constant 0 : i32
        %dma_wait3A_59 = tpu.memref_slice %arg11[%dma_wait3A, %dma_wait3A_58] : memref<400x32xf32, #tpu.memory_space<vmem>> -> memref<100x32xf32, #tpu.memory_space<vmem>>
        %dma_wait3A_60 = arith.constant 0 : i32
        %dma_wait3A_61 = tpu.memref_slice %arg13[%run_scoped3A_34, %run_scoped3A_35, %dma_wait3A_60] : memref<2x4x100xi32, #tpu.memory_space<vmem>> -> memref<1x1x100xi32, #tpu.memory_space<vmem>>
        %dma_wait3A_62 = tpu.memref_squeeze %dma_wait3A_61 : memref<1x1x100xi32, #tpu.memory_space<vmem>> -> memref<100xi32, #tpu.memory_space<vmem>>
        %dma_wait3A_63 = arith.constant 0 : i32
        %dma_wait3A_64 = arith.constant 0 : i32
        %dma_wait3A_65 = tpu.memref_slice %arg4[%dma_wait3A_63, %dma_wait3A_64] : memref<50000x32xf32, #tpu.memory_space<hbm>> -> memref<50000x32xf32, #tpu.memory_space<hbm>>
        tpu.wait_indirect_dma semaphore(%run_scoped3A_49 : memref<!tpu.dma_semaphore, #tpu.memory_space<semaphore_mem>>) src(%dma_wait3A_65 : memref<50000x32xf32, #tpu.memory_space<hbm>>) dst(%dma_wait3A_59 : memref<100x32xf32, #tpu.memory_space<vmem>>)
        tpu.yield
      }) : () -> ()
      %scan3A_36 = arith.constant 0 : i32
      %scan3A_37 = arith.constant 25 : i32
      %scan3A_38 = arith.addi %scan3A_36, %scan3A_37 : i32
      %scan3A_39 = arith.constant 1 : i32
      scf.for %scan3A_49 = %scan3A_36 to %scan3A_38 step %scan3A_39  : i32 {
        %mul3A_50 = arith.constant 1 : i32
        %mul3A_51 = arith.muli %scan3A_49, %mul3A_50 : i32
        %add3A_52 = arith.constant 0 : i32
        %add3A_53 = arith.addi %add3A_52, %mul3A_51 : i32
        %mul3A_54 = arith.constant 16 : i32
        %mul3A_55 = arith.muli %add3A_53, %mul3A_54 : i32
        %add3A_56 = vector.broadcast %mul3A_55 : i32 to vector<16xi32>
        %add3A_57 = arith.addi %iota3A, %add3A_56 : vector<16xi32>
        %broadcast_in_dim3A = arith.constant 0 : i32
        %broadcast_in_dim3A_58 = vector.broadcast %broadcast_in_dim3A : i32 to vector<16xi32>
        %gather3A = tpu.vector_load_idx %arg9[%add3A_57, %broadcast_in_dim3A_58] : memref<400x8xf32, #tpu.memory_space<vmem>>[vector<16xi32>, vector<16xi32>], vector<16xf32>,
        %broadcast_in_dim3A_59 = arith.constant 0 : i32
        %broadcast_in_dim3A_60 = vector.broadcast %broadcast_in_dim3A_59 : i32 to vector<16xi32>
        %gather3A_61 = tpu.vector_load_idx %arg11[%add3A_57, %broadcast_in_dim3A_60] : memref<400x32xf32, #tpu.memory_space<vmem>>[vector<16xi32>, vector<16xi32>], vector<16xf32>,
        %mul3A_62 = arith.mulf %gather3A, %gather3A_61 : vector<16xf32>
        %broadcast_in_dim3A_63 = arith.constant 0 : i32
        %broadcast_in_dim3A_64 = vector.broadcast %broadcast_in_dim3A_63 : i32 to vector<16xi32>
        %gather3A_65 = tpu.vector_load_idx %arg10[%add3A_57, %broadcast_in_dim3A_64] : memref<400x24xf32, #tpu.memory_space<vmem>>[vector<16xi32>, vector<16xi32>], vector<16xf32>,
        %broadcast_in_dim3A_66 = arith.constant 1 : i32
        %broadcast_in_dim3A_67 = vector.broadcast %broadcast_in_dim3A_66 : i32 to vector<16xi32>
        %gather3A_68 = tpu.vector_load_idx %arg11[%add3A_57, %broadcast_in_dim3A_67] : memref<400x32xf32, #tpu.memory_space<vmem>>[vector<16xi32>, vector<16xi32>], vector<16xf32>,
        %mul3A_69 = arith.mulf %gather3A_65, %gather3A_68 : vector<16xf32>
        %add3A_70 = arith.addf %mul3A_62, %mul3A_69 : vector<16xf32>
        %broadcast_in_dim3A_71 = arith.constant 1 : i32
        %broadcast_in_dim3A_72 = vector.broadcast %broadcast_in_dim3A_71 : i32 to vector<16xi32>
        %gather3A_73 = tpu.vector_load_idx %arg10[%add3A_57, %broadcast_in_dim3A_72] : memref<400x24xf32, #tpu.memory_space<vmem>>[vector<16xi32>, vector<16xi32>], vector<16xf32>,
        %broadcast_in_dim3A_74 = arith.constant 2 : i32
        %broadcast_in_dim3A_75 = vector.broadcast %broadcast_in_dim3A_74 : i32 to vector<16xi32>
        %gather3A_76 = tpu.vector_load_idx %arg11[%add3A_57, %broadcast_in_dim3A_75] : memref<400x32xf32, #tpu.memory_space<vmem>>[vector<16xi32>, vector<16xi32>], vector<16xf32>,
        %mul3A_77 = arith.mulf %gather3A_73, %gather3A_76 : vector<16xf32>
        %add3A_78 = arith.addf %add3A_70, %mul3A_77 : vector<16xf32>
        %broadcast_in_dim3A_79 = arith.constant 2 : i32
        %broadcast_in_dim3A_80 = vector.broadcast %broadcast_in_dim3A_79 : i32 to vector<16xi32>
        %gather3A_81 = tpu.vector_load_idx %arg10[%add3A_57, %broadcast_in_dim3A_80] : memref<400x24xf32, #tpu.memory_space<vmem>>[vector<16xi32>, vector<16xi32>], vector<16xf32>,
        %broadcast_in_dim3A_82 = arith.constant 3 : i32
        %broadcast_in_dim3A_83 = vector.broadcast %broadcast_in_dim3A_82 : i32 to vector<16xi32>
        %gather3A_84 = tpu.vector_load_idx %arg11[%add3A_57, %broadcast_in_dim3A_83] : memref<400x32xf32, #tpu.memory_space<vmem>>[vector<16xi32>, vector<16xi32>], vector<16xf32>,
        %mul3A_85 = arith.mulf %gather3A_81, %gather3A_84 : vector<16xf32>
        %add3A_86 = arith.addf %add3A_78, %mul3A_85 : vector<16xf32>
        %broadcast_in_dim3A_87 = arith.constant 0 : i32
        %broadcast_in_dim3A_88 = vector.broadcast %broadcast_in_dim3A_87 : i32 to vector<16xi32>
        %mul3A_89 = arith.constant 0.176776692 : f32
        %mul3A_90 = vector.broadcast %mul3A_89 : f32 to vector<16xf32>
        %mul3A_91 = arith.mulf %add3A_86, %mul3A_90 : vector<16xf32>
        %exp3A = math.exp %mul3A_91 : vector<16xf32>
        tpu.vector_store_idx %arg12[%add3A_57, %broadcast_in_dim3A_88], %exp3A : memref<400x8xf32, #tpu.memory_space<vmem>>[vector<16xi32>, vector<16xi32>], vector<16xf32>,
        %broadcast_in_dim3A_92 = arith.constant 1 : i32
        %broadcast_in_dim3A_93 = vector.broadcast %broadcast_in_dim3A_92 : i32 to vector<16xi32>
        %gather3A_94 = tpu.vector_load_idx %arg9[%add3A_57, %broadcast_in_dim3A_93] : memref<400x8xf32, #tpu.memory_space<vmem>>[vector<16xi32>, vector<16xi32>], vector<16xf32>,
        %broadcast_in_dim3A_95 = arith.constant 4 : i32
        %broadcast_in_dim3A_96 = vector.broadcast %broadcast_in_dim3A_95 : i32 to vector<16xi32>
        %gather3A_97 = tpu.vector_load_idx %arg11[%add3A_57, %broadcast_in_dim3A_96] : memref<400x32xf32, #tpu.memory_space<vmem>>[vector<16xi32>, vector<16xi32>], vector<16xf32>,
        %mul3A_98 = arith.mulf %gather3A_94, %gather3A_97 : vector<16xf32>
        %broadcast_in_dim3A_99 = arith.constant 3 : i32
        %broadcast_in_dim3A_100 = vector.broadcast %broadcast_in_dim3A_99 : i32 to vector<16xi32>
        %gather3A_101 = tpu.vector_load_idx %arg10[%add3A_57, %broadcast_in_dim3A_100] : memref<400x24xf32, #tpu.memory_space<vmem>>[vector<16xi32>, vector<16xi32>], vector<16xf32>,
        %broadcast_in_dim3A_102 = arith.constant 5 : i32
        %broadcast_in_dim3A_103 = vector.broadcast %broadcast_in_dim3A_102 : i32 to vector<16xi32>
        %gather3A_104 = tpu.vector_load_idx %arg11[%add3A_57, %broadcast_in_dim3A_103] : memref<400x32xf32, #tpu.memory_space<vmem>>[vector<16xi32>, vector<16xi32>], vector<16xf32>,
        %mul3A_105 = arith.mulf %gather3A_101, %gather3A_104 : vector<16xf32>
        %add3A_106 = arith.addf %mul3A_98, %mul3A_105 : vector<16xf32>
        %broadcast_in_dim3A_107 = arith.constant 4 : i32
        %broadcast_in_dim3A_108 = vector.broadcast %broadcast_in_dim3A_107 : i32 to vector<16xi32>
        %gather3A_109 = tpu.vector_load_idx %arg10[%add3A_57, %broadcast_in_dim3A_108] : memref<400x24xf32, #tpu.memory_space<vmem>>[vector<16xi32>, vector<16xi32>], vector<16xf32>,
        %broadcast_in_dim3A_110 = arith.constant 6 : i32
        %broadcast_in_dim3A_111 = vector.broadcast %broadcast_in_dim3A_110 : i32 to vector<16xi32>
        %gather3A_112 = tpu.vector_load_idx %arg11[%add3A_57, %broadcast_in_dim3A_111] : memref<400x32xf32, #tpu.memory_space<vmem>>[vector<16xi32>, vector<16xi32>], vector<16xf32>,
        %mul3A_113 = arith.mulf %gather3A_109, %gather3A_112 : vector<16xf32>
        %add3A_114 = arith.addf %add3A_106, %mul3A_113 : vector<16xf32>
        %broadcast_in_dim3A_115 = arith.constant 5 : i32
        %broadcast_in_dim3A_116 = vector.broadcast %broadcast_in_dim3A_115 : i32 to vector<16xi32>
        %gather3A_117 = tpu.vector_load_idx %arg10[%add3A_57, %broadcast_in_dim3A_116] : memref<400x24xf32, #tpu.memory_space<vmem>>[vector<16xi32>, vector<16xi32>], vector<16xf32>,
        %broadcast_in_dim3A_118 = arith.constant 7 : i32
        %broadcast_in_dim3A_119 = vector.broadcast %broadcast_in_dim3A_118 : i32 to vector<16xi32>
        %gather3A_120 = tpu.vector_load_idx %arg11[%add3A_57, %broadcast_in_dim3A_119] : memref<400x32xf32, #tpu.memory_space<vmem>>[vector<16xi32>, vector<16xi32>], vector<16xf32>,
        %mul3A_121 = arith.mulf %gather3A_117, %gather3A_120 : vector<16xf32>
        %add3A_122 = arith.addf %add3A_114, %mul3A_121 : vector<16xf32>
        %broadcast_in_dim3A_123 = arith.constant 1 : i32
        %broadcast_in_dim3A_124 = vector.broadcast %broadcast_in_dim3A_123 : i32 to vector<16xi32>
        %mul3A_125 = arith.constant 0.176776692 : f32
        %mul3A_126 = vector.broadcast %mul3A_125 : f32 to vector<16xf32>
        %mul3A_127 = arith.mulf %add3A_122, %mul3A_126 : vector<16xf32>
        %exp3A_128 = math.exp %mul3A_127 : vector<16xf32>
        tpu.vector_store_idx %arg12[%add3A_57, %broadcast_in_dim3A_124], %exp3A_128 : memref<400x8xf32, #tpu.memory_space<vmem>>[vector<16xi32>, vector<16xi32>], vector<16xf32>,
        %broadcast_in_dim3A_129 = arith.constant 2 : i32
        %broadcast_in_dim3A_130 = vector.broadcast %broadcast_in_dim3A_129 : i32 to vector<16xi32>
        %gather3A_131 = tpu.vector_load_idx %arg9[%add3A_57, %broadcast_in_dim3A_130] : memref<400x8xf32, #tpu.memory_space<vmem>>[vector<16xi32>, vector<16xi32>], vector<16xf32>,
        %broadcast_in_dim3A_132 = arith.constant 8 : i32
        %broadcast_in_dim3A_133 = vector.broadcast %broadcast_in_dim3A_132 : i32 to vector<16xi32>
        %gather3A_134 = tpu.vector_load_idx %arg11[%add3A_57, %broadcast_in_dim3A_133] : memref<400x32xf32, #tpu.memory_space<vmem>>[vector<16xi32>, vector<16xi32>], vector<16xf32>,
        %mul3A_135 = arith.mulf %gather3A_131, %gather3A_134 : vector<16xf32>
        %broadcast_in_dim3A_136 = arith.constant 6 : i32
        %broadcast_in_dim3A_137 = vector.broadcast %broadcast_in_dim3A_136 : i32 to vector<16xi32>
        %gather3A_138 = tpu.vector_load_idx %arg10[%add3A_57, %broadcast_in_dim3A_137] : memref<400x24xf32, #tpu.memory_space<vmem>>[vector<16xi32>, vector<16xi32>], vector<16xf32>,
        %broadcast_in_dim3A_139 = arith.constant 9 : i32
        %broadcast_in_dim3A_140 = vector.broadcast %broadcast_in_dim3A_139 : i32 to vector<16xi32>
        %gather3A_141 = tpu.vector_load_idx %arg11[%add3A_57, %broadcast_in_dim3A_140] : memref<400x32xf32, #tpu.memory_space<vmem>>[vector<16xi32>, vector<16xi32>], vector<16xf32>,
        %mul3A_142 = arith.mulf %gather3A_138, %gather3A_141 : vector<16xf32>
        %add3A_143 = arith.addf %mul3A_135, %mul3A_142 : vector<16xf32>
        %broadcast_in_dim3A_144 = arith.constant 7 : i32
        %broadcast_in_dim3A_145 = vector.broadcast %broadcast_in_dim3A_144 : i32 to vector<16xi32>
        %gather3A_146 = tpu.vector_load_idx %arg10[%add3A_57, %broadcast_in_dim3A_145] : memref<400x24xf32, #tpu.memory_space<vmem>>[vector<16xi32>, vector<16xi32>], vector<16xf32>,
        %broadcast_in_dim3A_147 = arith.constant 10 : i32
        %broadcast_in_dim3A_148 = vector.broadcast %broadcast_in_dim3A_147 : i32 to vector<16xi32>
        %gather3A_149 = tpu.vector_load_idx %arg11[%add3A_57, %broadcast_in_dim3A_148] : memref<400x32xf32, #tpu.memory_space<vmem>>[vector<16xi32>, vector<16xi32>], vector<16xf32>,
        %mul3A_150 = arith.mulf %gather3A_146, %gather3A_149 : vector<16xf32>
        %add3A_151 = arith.addf %add3A_143, %mul3A_150 : vector<16xf32>
        %broadcast_in_dim3A_152 = arith.constant 8 : i32
        %broadcast_in_dim3A_153 = vector.broadcast %broadcast_in_dim3A_152 : i32 to vector<16xi32>
        %gather3A_154 = tpu.vector_load_idx %arg10[%add3A_57, %broadcast_in_dim3A_153] : memref<400x24xf32, #tpu.memory_space<vmem>>[vector<16xi32>, vector<16xi32>], vector<16xf32>,
        %broadcast_in_dim3A_155 = arith.constant 11 : i32
        %broadcast_in_dim3A_156 = vector.broadcast %broadcast_in_dim3A_155 : i32 to vector<16xi32>
        %gather3A_157 = tpu.vector_load_idx %arg11[%add3A_57, %broadcast_in_dim3A_156] : memref<400x32xf32, #tpu.memory_space<vmem>>[vector<16xi32>, vector<16xi32>], vector<16xf32>,
        %mul3A_158 = arith.mulf %gather3A_154, %gather3A_157 : vector<16xf32>
        %add3A_159 = arith.addf %add3A_151, %mul3A_158 : vector<16xf32>
        %broadcast_in_dim3A_160 = arith.constant 2 : i32
        %broadcast_in_dim3A_161 = vector.broadcast %broadcast_in_dim3A_160 : i32 to vector<16xi32>
        %mul3A_162 = arith.constant 0.176776692 : f32
        %mul3A_163 = vector.broadcast %mul3A_162 : f32 to vector<16xf32>
        %mul3A_164 = arith.mulf %add3A_159, %mul3A_163 : vector<16xf32>
        %exp3A_165 = math.exp %mul3A_164 : vector<16xf32>
        tpu.vector_store_idx %arg12[%add3A_57, %broadcast_in_dim3A_161], %exp3A_165 : memref<400x8xf32, #tpu.memory_space<vmem>>[vector<16xi32>, vector<16xi32>], vector<16xf32>,
        %broadcast_in_dim3A_166 = arith.constant 3 : i32
        %broadcast_in_dim3A_167 = vector.broadcast %broadcast_in_dim3A_166 : i32 to vector<16xi32>
        %gather3A_168 = tpu.vector_load_idx %arg9[%add3A_57, %broadcast_in_dim3A_167] : memref<400x8xf32, #tpu.memory_space<vmem>>[vector<16xi32>, vector<16xi32>], vector<16xf32>,
        %broadcast_in_dim3A_169 = arith.constant 12 : i32
        %broadcast_in_dim3A_170 = vector.broadcast %broadcast_in_dim3A_169 : i32 to vector<16xi32>
        %gather3A_171 = tpu.vector_load_idx %arg11[%add3A_57, %broadcast_in_dim3A_170] : memref<400x32xf32, #tpu.memory_space<vmem>>[vector<16xi32>, vector<16xi32>], vector<16xf32>,
        %mul3A_172 = arith.mulf %gather3A_168, %gather3A_171 : vector<16xf32>
        %broadcast_in_dim3A_173 = arith.constant 9 : i32
        %broadcast_in_dim3A_174 = vector.broadcast %broadcast_in_dim3A_173 : i32 to vector<16xi32>
        %gather3A_175 = tpu.vector_load_idx %arg10[%add3A_57, %broadcast_in_dim3A_174] : memref<400x24xf32, #tpu.memory_space<vmem>>[vector<16xi32>, vector<16xi32>], vector<16xf32>,
        %broadcast_in_dim3A_176 = arith.constant 13 : i32
        %broadcast_in_dim3A_177 = vector.broadcast %broadcast_in_dim3A_176 : i32 to vector<16xi32>
        %gather3A_178 = tpu.vector_load_idx %arg11[%add3A_57, %broadcast_in_dim3A_177] : memref<400x32xf32, #tpu.memory_space<vmem>>[vector<16xi32>, vector<16xi32>], vector<16xf32>,
        %mul3A_179 = arith.mulf %gather3A_175, %gather3A_178 : vector<16xf32>
        %add3A_180 = arith.addf %mul3A_172, %mul3A_179 : vector<16xf32>
        %broadcast_in_dim3A_181 = arith.constant 10 : i32
        %broadcast_in_dim3A_182 = vector.broadcast %broadcast_in_dim3A_181 : i32 to vector<16xi32>
        %gather3A_183 = tpu.vector_load_idx %arg10[%add3A_57, %broadcast_in_dim3A_182] : memref<400x24xf32, #tpu.memory_space<vmem>>[vector<16xi32>, vector<16xi32>], vector<16xf32>,
        %broadcast_in_dim3A_184 = arith.constant 14 : i32
        %broadcast_in_dim3A_185 = vector.broadcast %broadcast_in_dim3A_184 : i32 to vector<16xi32>
        %gather3A_186 = tpu.vector_load_idx %arg11[%add3A_57, %broadcast_in_dim3A_185] : memref<400x32xf32, #tpu.memory_space<vmem>>[vector<16xi32>, vector<16xi32>], vector<16xf32>,
        %mul3A_187 = arith.mulf %gather3A_183, %gather3A_186 : vector<16xf32>
        %add3A_188 = arith.addf %add3A_180, %mul3A_187 : vector<16xf32>
        %broadcast_in_dim3A_189 = arith.constant 11 : i32
        %broadcast_in_dim3A_190 = vector.broadcast %broadcast_in_dim3A_189 : i32 to vector<16xi32>
        %gather3A_191 = tpu.vector_load_idx %arg10[%add3A_57, %broadcast_in_dim3A_190] : memref<400x24xf32, #tpu.memory_space<vmem>>[vector<16xi32>, vector<16xi32>], vector<16xf32>,
        %broadcast_in_dim3A_192 = arith.constant 15 : i32
        %broadcast_in_dim3A_193 = vector.broadcast %broadcast_in_dim3A_192 : i32 to vector<16xi32>
        %gather3A_194 = tpu.vector_load_idx %arg11[%add3A_57, %broadcast_in_dim3A_193] : memref<400x32xf32, #tpu.memory_space<vmem>>[vector<16xi32>, vector<16xi32>], vector<16xf32>,
        %mul3A_195 = arith.mulf %gather3A_191, %gather3A_194 : vector<16xf32>
        %add3A_196 = arith.addf %add3A_188, %mul3A_195 : vector<16xf32>
        %broadcast_in_dim3A_197 = arith.constant 3 : i32
        %broadcast_in_dim3A_198 = vector.broadcast %broadcast_in_dim3A_197 : i32 to vector<16xi32>
        %mul3A_199 = arith.constant 0.176776692 : f32
        %mul3A_200 = vector.broadcast %mul3A_199 : f32 to vector<16xf32>
        %mul3A_201 = arith.mulf %add3A_196, %mul3A_200 : vector<16xf32>
        %exp3A_202 = math.exp %mul3A_201 : vector<16xf32>
        tpu.vector_store_idx %arg12[%add3A_57, %broadcast_in_dim3A_198], %exp3A_202 : memref<400x8xf32, #tpu.memory_space<vmem>>[vector<16xi32>, vector<16xi32>], vector<16xf32>,
        %broadcast_in_dim3A_203 = arith.constant 4 : i32
        %broadcast_in_dim3A_204 = vector.broadcast %broadcast_in_dim3A_203 : i32 to vector<16xi32>
        %gather3A_205 = tpu.vector_load_idx %arg9[%add3A_57, %broadcast_in_dim3A_204] : memref<400x8xf32, #tpu.memory_space<vmem>>[vector<16xi32>, vector<16xi32>], vector<16xf32>,
        %broadcast_in_dim3A_206 = arith.constant 16 : i32
        %broadcast_in_dim3A_207 = vector.broadcast %broadcast_in_dim3A_206 : i32 to vector<16xi32>
        %gather3A_208 = tpu.vector_load_idx %arg11[%add3A_57, %broadcast_in_dim3A_207] : memref<400x32xf32, #tpu.memory_space<vmem>>[vector<16xi32>, vector<16xi32>], vector<16xf32>,
        %mul3A_209 = arith.mulf %gather3A_205, %gather3A_208 : vector<16xf32>
        %broadcast_in_dim3A_210 = arith.constant 12 : i32
        %broadcast_in_dim3A_211 = vector.broadcast %broadcast_in_dim3A_210 : i32 to vector<16xi32>
        %gather3A_212 = tpu.vector_load_idx %arg10[%add3A_57, %broadcast_in_dim3A_211] : memref<400x24xf32, #tpu.memory_space<vmem>>[vector<16xi32>, vector<16xi32>], vector<16xf32>,
        %broadcast_in_dim3A_213 = arith.constant 17 : i32
        %broadcast_in_dim3A_214 = vector.broadcast %broadcast_in_dim3A_213 : i32 to vector<16xi32>
        %gather3A_215 = tpu.vector_load_idx %arg11[%add3A_57, %broadcast_in_dim3A_214] : memref<400x32xf32, #tpu.memory_space<vmem>>[vector<16xi32>, vector<16xi32>], vector<16xf32>,
        %mul3A_216 = arith.mulf %gather3A_212, %gather3A_215 : vector<16xf32>
        %add3A_217 = arith.addf %mul3A_209, %mul3A_216 : vector<16xf32>
        %broadcast_in_dim3A_218 = arith.constant 13 : i32
        %broadcast_in_dim3A_219 = vector.broadcast %broadcast_in_dim3A_218 : i32 to vector<16xi32>
        %gather3A_220 = tpu.vector_load_idx %arg10[%add3A_57, %broadcast_in_dim3A_219] : memref<400x24xf32, #tpu.memory_space<vmem>>[vector<16xi32>, vector<16xi32>], vector<16xf32>,
        %broadcast_in_dim3A_221 = arith.constant 18 : i32
        %broadcast_in_dim3A_222 = vector.broadcast %broadcast_in_dim3A_221 : i32 to vector<16xi32>
        %gather3A_223 = tpu.vector_load_idx %arg11[%add3A_57, %broadcast_in_dim3A_222] : memref<400x32xf32, #tpu.memory_space<vmem>>[vector<16xi32>, vector<16xi32>], vector<16xf32>,
        %mul3A_224 = arith.mulf %gather3A_220, %gather3A_223 : vector<16xf32>
        %add3A_225 = arith.addf %add3A_217, %mul3A_224 : vector<16xf32>
        %broadcast_in_dim3A_226 = arith.constant 14 : i32
        %broadcast_in_dim3A_227 = vector.broadcast %broadcast_in_dim3A_226 : i32 to vector<16xi32>
        %gather3A_228 = tpu.vector_load_idx %arg10[%add3A_57, %broadcast_in_dim3A_227] : memref<400x24xf32, #tpu.memory_space<vmem>>[vector<16xi32>, vector<16xi32>], vector<16xf32>,
        %broadcast_in_dim3A_229 = arith.constant 19 : i32
        %broadcast_in_dim3A_230 = vector.broadcast %broadcast_in_dim3A_229 : i32 to vector<16xi32>
        %gather3A_231 = tpu.vector_load_idx %arg11[%add3A_57, %broadcast_in_dim3A_230] : memref<400x32xf32, #tpu.memory_space<vmem>>[vector<16xi32>, vector<16xi32>], vector<16xf32>,
        %mul3A_232 = arith.mulf %gather3A_228, %gather3A_231 : vector<16xf32>
        %add3A_233 = arith.addf %add3A_225, %mul3A_232 : vector<16xf32>
        %broadcast_in_dim3A_234 = arith.constant 4 : i32
        %broadcast_in_dim3A_235 = vector.broadcast %broadcast_in_dim3A_234 : i32 to vector<16xi32>
        %mul3A_236 = arith.constant 0.176776692 : f32
        %mul3A_237 = vector.broadcast %mul3A_236 : f32 to vector<16xf32>
        %mul3A_238 = arith.mulf %add3A_233, %mul3A_237 : vector<16xf32>
        %exp3A_239 = math.exp %mul3A_238 : vector<16xf32>
        tpu.vector_store_idx %arg12[%add3A_57, %broadcast_in_dim3A_235], %exp3A_239 : memref<400x8xf32, #tpu.memory_space<vmem>>[vector<16xi32>, vector<16xi32>], vector<16xf32>,
        %broadcast_in_dim3A_240 = arith.constant 5 : i32
        %broadcast_in_dim3A_241 = vector.broadcast %broadcast_in_dim3A_240 : i32 to vector<16xi32>
        %gather3A_242 = tpu.vector_load_idx %arg9[%add3A_57, %broadcast_in_dim3A_241] : memref<400x8xf32, #tpu.memory_space<vmem>>[vector<16xi32>, vector<16xi32>], vector<16xf32>,
        %broadcast_in_dim3A_243 = arith.constant 20 : i32
        %broadcast_in_dim3A_244 = vector.broadcast %broadcast_in_dim3A_243 : i32 to vector<16xi32>
        %gather3A_245 = tpu.vector_load_idx %arg11[%add3A_57, %broadcast_in_dim3A_244] : memref<400x32xf32, #tpu.memory_space<vmem>>[vector<16xi32>, vector<16xi32>], vector<16xf32>,
        %mul3A_246 = arith.mulf %gather3A_242, %gather3A_245 : vector<16xf32>
        %broadcast_in_dim3A_247 = arith.constant 15 : i32
        %broadcast_in_dim3A_248 = vector.broadcast %broadcast_in_dim3A_247 : i32 to vector<16xi32>
        %gather3A_249 = tpu.vector_load_idx %arg10[%add3A_57, %broadcast_in_dim3A_248] : memref<400x24xf32, #tpu.memory_space<vmem>>[vector<16xi32>, vector<16xi32>], vector<16xf32>,
        %broadcast_in_dim3A_250 = arith.constant 21 : i32
        %broadcast_in_dim3A_251 = vector.broadcast %broadcast_in_dim3A_250 : i32 to vector<16xi32>
        %gather3A_252 = tpu.vector_load_idx %arg11[%add3A_57, %broadcast_in_dim3A_251] : memref<400x32xf32, #tpu.memory_space<vmem>>[vector<16xi32>, vector<16xi32>], vector<16xf32>,
        %mul3A_253 = arith.mulf %gather3A_249, %gather3A_252 : vector<16xf32>
        %add3A_254 = arith.addf %mul3A_246, %mul3A_253 : vector<16xf32>
        %broadcast_in_dim3A_255 = arith.constant 16 : i32
        %broadcast_in_dim3A_256 = vector.broadcast %broadcast_in_dim3A_255 : i32 to vector<16xi32>
        %gather3A_257 = tpu.vector_load_idx %arg10[%add3A_57, %broadcast_in_dim3A_256] : memref<400x24xf32, #tpu.memory_space<vmem>>[vector<16xi32>, vector<16xi32>], vector<16xf32>,
        %broadcast_in_dim3A_258 = arith.constant 22 : i32
        %broadcast_in_dim3A_259 = vector.broadcast %broadcast_in_dim3A_258 : i32 to vector<16xi32>
        %gather3A_260 = tpu.vector_load_idx %arg11[%add3A_57, %broadcast_in_dim3A_259] : memref<400x32xf32, #tpu.memory_space<vmem>>[vector<16xi32>, vector<16xi32>], vector<16xf32>,
        %mul3A_261 = arith.mulf %gather3A_257, %gather3A_260 : vector<16xf32>
        %add3A_262 = arith.addf %add3A_254, %mul3A_261 : vector<16xf32>
        %broadcast_in_dim3A_263 = arith.constant 17 : i32
        %broadcast_in_dim3A_264 = vector.broadcast %broadcast_in_dim3A_263 : i32 to vector<16xi32>
        %gather3A_265 = tpu.vector_load_idx %arg10[%add3A_57, %broadcast_in_dim3A_264] : memref<400x24xf32, #tpu.memory_space<vmem>>[vector<16xi32>, vector<16xi32>], vector<16xf32>,
        %broadcast_in_dim3A_266 = arith.constant 23 : i32
        %broadcast_in_dim3A_267 = vector.broadcast %broadcast_in_dim3A_266 : i32 to vector<16xi32>
        %gather3A_268 = tpu.vector_load_idx %arg11[%add3A_57, %broadcast_in_dim3A_267] : memref<400x32xf32, #tpu.memory_space<vmem>>[vector<16xi32>, vector<16xi32>], vector<16xf32>,
        %mul3A_269 = arith.mulf %gather3A_265, %gather3A_268 : vector<16xf32>
        %add3A_270 = arith.addf %add3A_262, %mul3A_269 : vector<16xf32>
        %broadcast_in_dim3A_271 = arith.constant 5 : i32
        %broadcast_in_dim3A_272 = vector.broadcast %broadcast_in_dim3A_271 : i32 to vector<16xi32>
        %mul3A_273 = arith.constant 0.176776692 : f32
        %mul3A_274 = vector.broadcast %mul3A_273 : f32 to vector<16xf32>
        %mul3A_275 = arith.mulf %add3A_270, %mul3A_274 : vector<16xf32>
        %exp3A_276 = math.exp %mul3A_275 : vector<16xf32>
        tpu.vector_store_idx %arg12[%add3A_57, %broadcast_in_dim3A_272], %exp3A_276 : memref<400x8xf32, #tpu.memory_space<vmem>>[vector<16xi32>, vector<16xi32>], vector<16xf32>,
        %broadcast_in_dim3A_277 = arith.constant 6 : i32
        %broadcast_in_dim3A_278 = vector.broadcast %broadcast_in_dim3A_277 : i32 to vector<16xi32>
        %gather3A_279 = tpu.vector_load_idx %arg9[%add3A_57, %broadcast_in_dim3A_278] : memref<400x8xf32, #tpu.memory_space<vmem>>[vector<16xi32>, vector<16xi32>], vector<16xf32>,
        %broadcast_in_dim3A_280 = arith.constant 24 : i32
        %broadcast_in_dim3A_281 = vector.broadcast %broadcast_in_dim3A_280 : i32 to vector<16xi32>
        %gather3A_282 = tpu.vector_load_idx %arg11[%add3A_57, %broadcast_in_dim3A_281] : memref<400x32xf32, #tpu.memory_space<vmem>>[vector<16xi32>, vector<16xi32>], vector<16xf32>,
        %mul3A_283 = arith.mulf %gather3A_279, %gather3A_282 : vector<16xf32>
        %broadcast_in_dim3A_284 = arith.constant 18 : i32
        %broadcast_in_dim3A_285 = vector.broadcast %broadcast_in_dim3A_284 : i32 to vector<16xi32>
        %gather3A_286 = tpu.vector_load_idx %arg10[%add3A_57, %broadcast_in_dim3A_285] : memref<400x24xf32, #tpu.memory_space<vmem>>[vector<16xi32>, vector<16xi32>], vector<16xf32>,
        %broadcast_in_dim3A_287 = arith.constant 25 : i32
        %broadcast_in_dim3A_288 = vector.broadcast %broadcast_in_dim3A_287 : i32 to vector<16xi32>
        %gather3A_289 = tpu.vector_load_idx %arg11[%add3A_57, %broadcast_in_dim3A_288] : memref<400x32xf32, #tpu.memory_space<vmem>>[vector<16xi32>, vector<16xi32>], vector<16xf32>,
        %mul3A_290 = arith.mulf %gather3A_286, %gather3A_289 : vector<16xf32>
        %add3A_291 = arith.addf %mul3A_283, %mul3A_290 : vector<16xf32>
        %broadcast_in_dim3A_292 = arith.constant 19 : i32
        %broadcast_in_dim3A_293 = vector.broadcast %broadcast_in_dim3A_292 : i32 to vector<16xi32>
        %gather3A_294 = tpu.vector_load_idx %arg10[%add3A_57, %broadcast_in_dim3A_293] : memref<400x24xf32, #tpu.memory_space<vmem>>[vector<16xi32>, vector<16xi32>], vector<16xf32>,
        %broadcast_in_dim3A_295 = arith.constant 26 : i32
        %broadcast_in_dim3A_296 = vector.broadcast %broadcast_in_dim3A_295 : i32 to vector<16xi32>
        %gather3A_297 = tpu.vector_load_idx %arg11[%add3A_57, %broadcast_in_dim3A_296] : memref<400x32xf32, #tpu.memory_space<vmem>>[vector<16xi32>, vector<16xi32>], vector<16xf32>,
        %mul3A_298 = arith.mulf %gather3A_294, %gather3A_297 : vector<16xf32>
        %add3A_299 = arith.addf %add3A_291, %mul3A_298 : vector<16xf32>
        %broadcast_in_dim3A_300 = arith.constant 20 : i32
        %broadcast_in_dim3A_301 = vector.broadcast %broadcast_in_dim3A_300 : i32 to vector<16xi32>
        %gather3A_302 = tpu.vector_load_idx %arg10[%add3A_57, %broadcast_in_dim3A_301] : memref<400x24xf32, #tpu.memory_space<vmem>>[vector<16xi32>, vector<16xi32>], vector<16xf32>,
        %broadcast_in_dim3A_303 = arith.constant 27 : i32
        %broadcast_in_dim3A_304 = vector.broadcast %broadcast_in_dim3A_303 : i32 to vector<16xi32>
        %gather3A_305 = tpu.vector_load_idx %arg11[%add3A_57, %broadcast_in_dim3A_304] : memref<400x32xf32, #tpu.memory_space<vmem>>[vector<16xi32>, vector<16xi32>], vector<16xf32>,
        %mul3A_306 = arith.mulf %gather3A_302, %gather3A_305 : vector<16xf32>
        %add3A_307 = arith.addf %add3A_299, %mul3A_306 : vector<16xf32>
        %broadcast_in_dim3A_308 = arith.constant 6 : i32
        %broadcast_in_dim3A_309 = vector.broadcast %broadcast_in_dim3A_308 : i32 to vector<16xi32>
        %mul3A_310 = arith.constant 0.176776692 : f32
        %mul3A_311 = vector.broadcast %mul3A_310 : f32 to vector<16xf32>
        %mul3A_312 = arith.mulf %add3A_307, %mul3A_311 : vector<16xf32>
        %exp3A_313 = math.exp %mul3A_312 : vector<16xf32>
        tpu.vector_store_idx %arg12[%add3A_57, %broadcast_in_dim3A_309], %exp3A_313 : memref<400x8xf32, #tpu.memory_space<vmem>>[vector<16xi32>, vector<16xi32>], vector<16xf32>,
        %broadcast_in_dim3A_314 = arith.constant 7 : i32
        %broadcast_in_dim3A_315 = vector.broadcast %broadcast_in_dim3A_314 : i32 to vector<16xi32>
        %gather3A_316 = tpu.vector_load_idx %arg9[%add3A_57, %broadcast_in_dim3A_315] : memref<400x8xf32, #tpu.memory_space<vmem>>[vector<16xi32>, vector<16xi32>], vector<16xf32>,
        %broadcast_in_dim3A_317 = arith.constant 28 : i32
        %broadcast_in_dim3A_318 = vector.broadcast %broadcast_in_dim3A_317 : i32 to vector<16xi32>
        %gather3A_319 = tpu.vector_load_idx %arg11[%add3A_57, %broadcast_in_dim3A_318] : memref<400x32xf32, #tpu.memory_space<vmem>>[vector<16xi32>, vector<16xi32>], vector<16xf32>,
        %mul3A_320 = arith.mulf %gather3A_316, %gather3A_319 : vector<16xf32>
        %broadcast_in_dim3A_321 = arith.constant 21 : i32
        %broadcast_in_dim3A_322 = vector.broadcast %broadcast_in_dim3A_321 : i32 to vector<16xi32>
        %gather3A_323 = tpu.vector_load_idx %arg10[%add3A_57, %broadcast_in_dim3A_322] : memref<400x24xf32, #tpu.memory_space<vmem>>[vector<16xi32>, vector<16xi32>], vector<16xf32>,
        %broadcast_in_dim3A_324 = arith.constant 29 : i32
        %broadcast_in_dim3A_325 = vector.broadcast %broadcast_in_dim3A_324 : i32 to vector<16xi32>
        %gather3A_326 = tpu.vector_load_idx %arg11[%add3A_57, %broadcast_in_dim3A_325] : memref<400x32xf32, #tpu.memory_space<vmem>>[vector<16xi32>, vector<16xi32>], vector<16xf32>,
        %mul3A_327 = arith.mulf %gather3A_323, %gather3A_326 : vector<16xf32>
        %add3A_328 = arith.addf %mul3A_320, %mul3A_327 : vector<16xf32>
        %broadcast_in_dim3A_329 = arith.constant 22 : i32
        %broadcast_in_dim3A_330 = vector.broadcast %broadcast_in_dim3A_329 : i32 to vector<16xi32>
        %gather3A_331 = tpu.vector_load_idx %arg10[%add3A_57, %broadcast_in_dim3A_330] : memref<400x24xf32, #tpu.memory_space<vmem>>[vector<16xi32>, vector<16xi32>], vector<16xf32>,
        %broadcast_in_dim3A_332 = arith.constant 30 : i32
        %broadcast_in_dim3A_333 = vector.broadcast %broadcast_in_dim3A_332 : i32 to vector<16xi32>
        %gather3A_334 = tpu.vector_load_idx %arg11[%add3A_57, %broadcast_in_dim3A_333] : memref<400x32xf32, #tpu.memory_space<vmem>>[vector<16xi32>, vector<16xi32>], vector<16xf32>,
        %mul3A_335 = arith.mulf %gather3A_331, %gather3A_334 : vector<16xf32>
        %add3A_336 = arith.addf %add3A_328, %mul3A_335 : vector<16xf32>
        %broadcast_in_dim3A_337 = arith.constant 23 : i32
        %broadcast_in_dim3A_338 = vector.broadcast %broadcast_in_dim3A_337 : i32 to vector<16xi32>
        %gather3A_339 = tpu.vector_load_idx %arg10[%add3A_57, %broadcast_in_dim3A_338] : memref<400x24xf32, #tpu.memory_space<vmem>>[vector<16xi32>, vector<16xi32>], vector<16xf32>,
        %broadcast_in_dim3A_340 = arith.constant 31 : i32
        %broadcast_in_dim3A_341 = vector.broadcast %broadcast_in_dim3A_340 : i32 to vector<16xi32>
        %gather3A_342 = tpu.vector_load_idx %arg11[%add3A_57, %broadcast_in_dim3A_341] : memref<400x32xf32, #tpu.memory_space<vmem>>[vector<16xi32>, vector<16xi32>], vector<16xf32>,
        %mul3A_343 = arith.mulf %gather3A_339, %gather3A_342 : vector<16xf32>
        %add3A_344 = arith.addf %add3A_336, %mul3A_343 : vector<16xf32>
        %broadcast_in_dim3A_345 = arith.constant 7 : i32
        %broadcast_in_dim3A_346 = vector.broadcast %broadcast_in_dim3A_345 : i32 to vector<16xi32>
        %mul3A_347 = arith.constant 0.176776692 : f32
        %mul3A_348 = vector.broadcast %mul3A_347 : f32 to vector<16xf32>
        %mul3A_349 = arith.mulf %add3A_344, %mul3A_348 : vector<16xf32>
        %exp3A_350 = math.exp %mul3A_349 : vector<16xf32>
        tpu.vector_store_idx %arg12[%add3A_57, %broadcast_in_dim3A_346], %exp3A_350 : memref<400x8xf32, #tpu.memory_space<vmem>>[vector<16xi32>, vector<16xi32>], vector<16xf32>,
      }
      %scan3A_40 = arith.constant 25 : i32
      "tpu.region"() ({
        %run_scoped3A_49 = tpu.sem_alloc : memref<!tpu.dma_semaphore, #tpu.memory_space<semaphore_mem>>
        %dma_start3A = arith.constant 0 : i32
        %dma_start3A_50 = tpu.memref_slice %arg7[%add3A_23, %dma_start3A] : memref<1600000x8xf32, #tpu.memory_space<hbm>> -> memref<400x8xf32, #tpu.memory_space<hbm>>
        %dma_start3A_51 = arith.constant 0 : i32
        %dma_start3A_52 = tpu.memref_slice %arg7[%add3A_23, %dma_start3A_51] : memref<1600000x8xf32, #tpu.memory_space<hbm>> -> memref<400x8xf32, #tpu.memory_space<hbm>>
        tpu.enqueue_dma source(%arg12 : memref<400x8xf32, #tpu.memory_space<vmem>>) target(%dma_start3A_52 : memref<400x8xf32, #tpu.memory_space<hbm>>) target_semaphore(%run_scoped3A_49 : memref<!tpu.dma_semaphore, #tpu.memory_space<semaphore_mem>>)
        %dma_wait3A = arith.constant 0 : i32
        %dma_wait3A_53 = tpu.memref_slice %arg7[%add3A_23, %dma_wait3A] : memref<1600000x8xf32, #tpu.memory_space<hbm>> -> memref<400x8xf32, #tpu.memory_space<hbm>>
        %dma_wait3A_54 = arith.constant 0 : i32
        %dma_wait3A_55 = tpu.memref_slice %arg7[%add3A_23, %dma_wait3A_54] : memref<1600000x8xf32, #tpu.memory_space<hbm>> -> memref<400x8xf32, #tpu.memory_space<hbm>>
        tpu.wait_dma2 semaphore(%run_scoped3A_49 : memref<!tpu.dma_semaphore, #tpu.memory_space<semaphore_mem>>) src(%arg12 : memref<400x8xf32, #tpu.memory_space<vmem>>) dst(%dma_wait3A_55 : memref<400x8xf32, #tpu.memory_space<hbm>>)
        tpu.yield
      }) : () -> ()
      %run_scoped3A_41 = arith.constant 0 : i32
      %run_scoped3A_42 = arith.constant 0 : i32
      "tpu.region"() ({
        %run_scoped3A_49 = tpu.sem_alloc : memref<!tpu.dma_semaphore, #tpu.memory_space<semaphore_mem>>
        %dma_start3A = arith.constant 0 : i32
        %dma_start3A_50 = arith.constant 0 : i32
        %dma_start3A_51 = tpu.memref_slice %arg12[%dma_start3A, %dma_start3A_50] : memref<400x8xf32, #tpu.memory_space<vmem>> -> memref<100x8xf32, #tpu.memory_space<vmem>>
        %dma_start3A_52 = arith.constant 0 : i32
        %dma_start3A_53 = tpu.memref_slice %arg13[%run_scoped3A_41, %run_scoped3A_42, %dma_start3A_52] : memref<2x4x100xi32, #tpu.memory_space<vmem>> -> memref<1x1x100xi32, #tpu.memory_space<vmem>>
        %dma_start3A_54 = tpu.memref_squeeze %dma_start3A_53 : memref<1x1x100xi32, #tpu.memory_space<vmem>> -> memref<100xi32, #tpu.memory_space<vmem>>
        %dma_start3A_55 = arith.constant 0 : i32
        %dma_start3A_56 = arith.constant 0 : i32
        %dma_start3A_57 = tpu.memref_slice %arg14[%dma_start3A_55, %dma_start3A_56] : memref<50000x8xf32, #tpu.memory_space<vmem_shared>> -> memref<50000x8xf32, #tpu.memory_space<vmem_shared>>
        tpu.enqueue_indirect_dma source(%dma_start3A_51 : memref<100x8xf32, #tpu.memory_space<vmem>>) target(%dma_start3A_57 : memref<50000x8xf32, #tpu.memory_space<vmem_shared>>) offsets(%dma_start3A_54 : memref<100xi32, #tpu.memory_space<vmem>>) semaphore(%run_scoped3A_49 : memref<!tpu.dma_semaphore, #tpu.memory_space<semaphore_mem>>) {add = true}
        %dma_wait3A = arith.constant 0 : i32
        %dma_wait3A_58 = arith.constant 0 : i32
        %dma_wait3A_59 = tpu.memref_slice %arg12[%dma_wait3A, %dma_wait3A_58] : memref<400x8xf32, #tpu.memory_space<vmem>> -> memref<100x8xf32, #tpu.memory_space<vmem>>
        %dma_wait3A_60 = arith.constant 0 : i32
        %dma_wait3A_61 = tpu.memref_slice %arg13[%run_scoped3A_41, %run_scoped3A_42, %dma_wait3A_60] : memref<2x4x100xi32, #tpu.memory_space<vmem>> -> memref<1x1x100xi32, #tpu.memory_space<vmem>>
        %dma_wait3A_62 = tpu.memref_squeeze %dma_wait3A_61 : memref<1x1x100xi32, #tpu.memory_space<vmem>> -> memref<100xi32, #tpu.memory_space<vmem>>
        %dma_wait3A_63 = arith.constant 0 : i32
        %dma_wait3A_64 = arith.constant 0 : i32
        %dma_wait3A_65 = tpu.memref_slice %arg14[%dma_wait3A_63, %dma_wait3A_64] : memref<50000x8xf32, #tpu.memory_space<vmem_shared>> -> memref<50000x8xf32, #tpu.memory_space<vmem_shared>>
        tpu.wait_indirect_dma semaphore(%run_scoped3A_49 : memref<!tpu.dma_semaphore, #tpu.memory_space<semaphore_mem>>) src(%dma_wait3A_59 : memref<100x8xf32, #tpu.memory_space<vmem>>) dst(%dma_wait3A_65 : memref<50000x8xf32, #tpu.memory_space<vmem_shared>>)
        tpu.yield
      }) : () -> ()
      %run_scoped3A_43 = arith.constant 0 : i32
      %run_scoped3A_44 = arith.constant 1 : i32
      "tpu.region"() ({
        %run_scoped3A_49 = tpu.sem_alloc : memref<!tpu.dma_semaphore, #tpu.memory_space<semaphore_mem>>
        %dma_start3A = arith.constant 100 : i32
        %dma_start3A_50 = arith.constant 0 : i32
        %dma_start3A_51 = tpu.memref_slice %arg12[%dma_start3A, %dma_start3A_50] : memref<400x8xf32, #tpu.memory_space<vmem>> -> memref<100x8xf32, #tpu.memory_space<vmem>>
        %dma_start3A_52 = arith.constant 0 : i32
        %dma_start3A_53 = tpu.memref_slice %arg13[%run_scoped3A_43, %run_scoped3A_44, %dma_start3A_52] : memref<2x4x100xi32, #tpu.memory_space<vmem>> -> memref<1x1x100xi32, #tpu.memory_space<vmem>>
        %dma_start3A_54 = tpu.memref_squeeze %dma_start3A_53 : memref<1x1x100xi32, #tpu.memory_space<vmem>> -> memref<100xi32, #tpu.memory_space<vmem>>
        %dma_start3A_55 = arith.constant 0 : i32
        %dma_start3A_56 = arith.constant 0 : i32
        %dma_start3A_57 = tpu.memref_slice %arg14[%dma_start3A_55, %dma_start3A_56] : memref<50000x8xf32, #tpu.memory_space<vmem_shared>> -> memref<50000x8xf32, #tpu.memory_space<vmem_shared>>
        tpu.enqueue_indirect_dma source(%dma_start3A_51 : memref<100x8xf32, #tpu.memory_space<vmem>>) target(%dma_start3A_57 : memref<50000x8xf32, #tpu.memory_space<vmem_shared>>) offsets(%dma_start3A_54 : memref<100xi32, #tpu.memory_space<vmem>>) semaphore(%run_scoped3A_49 : memref<!tpu.dma_semaphore, #tpu.memory_space<semaphore_mem>>) {add = true}
        %dma_wait3A = arith.constant 100 : i32
        %dma_wait3A_58 = arith.constant 0 : i32
        %dma_wait3A_59 = tpu.memref_slice %arg12[%dma_wait3A, %dma_wait3A_58] : memref<400x8xf32, #tpu.memory_space<vmem>> -> memref<100x8xf32, #tpu.memory_space<vmem>>
        %dma_wait3A_60 = arith.constant 0 : i32
        %dma_wait3A_61 = tpu.memref_slice %arg13[%run_scoped3A_43, %run_scoped3A_44, %dma_wait3A_60] : memref<2x4x100xi32, #tpu.memory_space<vmem>> -> memref<1x1x100xi32, #tpu.memory_space<vmem>>
        %dma_wait3A_62 = tpu.memref_squeeze %dma_wait3A_61 : memref<1x1x100xi32, #tpu.memory_space<vmem>> -> memref<100xi32, #tpu.memory_space<vmem>>
        %dma_wait3A_63 = arith.constant 0 : i32
        %dma_wait3A_64 = arith.constant 0 : i32
        %dma_wait3A_65 = tpu.memref_slice %arg14[%dma_wait3A_63, %dma_wait3A_64] : memref<50000x8xf32, #tpu.memory_space<vmem_shared>> -> memref<50000x8xf32, #tpu.memory_space<vmem_shared>>
        tpu.wait_indirect_dma semaphore(%run_scoped3A_49 : memref<!tpu.dma_semaphore, #tpu.memory_space<semaphore_mem>>) src(%dma_wait3A_59 : memref<100x8xf32, #tpu.memory_space<vmem>>) dst(%dma_wait3A_65 : memref<50000x8xf32, #tpu.memory_space<vmem_shared>>)
        tpu.yield
      }) : () -> ()
      %run_scoped3A_45 = arith.constant 0 : i32
      %run_scoped3A_46 = arith.constant 2 : i32
      "tpu.region"() ({
        %run_scoped3A_49 = tpu.sem_alloc : memref<!tpu.dma_semaphore, #tpu.memory_space<semaphore_mem>>
        %dma_start3A = arith.constant 200 : i32
        %dma_start3A_50 = arith.constant 0 : i32
        %dma_start3A_51 = tpu.memref_slice %arg12[%dma_start3A, %dma_start3A_50] : memref<400x8xf32, #tpu.memory_space<vmem>> -> memref<100x8xf32, #tpu.memory_space<vmem>>
        %dma_start3A_52 = arith.constant 0 : i32
        %dma_start3A_53 = tpu.memref_slice %arg13[%run_scoped3A_45, %run_scoped3A_46, %dma_start3A_52] : memref<2x4x100xi32, #tpu.memory_space<vmem>> -> memref<1x1x100xi32, #tpu.memory_space<vmem>>
        %dma_start3A_54 = tpu.memref_squeeze %dma_start3A_53 : memref<1x1x100xi32, #tpu.memory_space<vmem>> -> memref<100xi32, #tpu.memory_space<vmem>>
        %dma_start3A_55 = arith.constant 0 : i32
        %dma_start3A_56 = arith.constant 0 : i32
        %dma_start3A_57 = tpu.memref_slice %arg14[%dma_start3A_55, %dma_start3A_56] : memref<50000x8xf32, #tpu.memory_space<vmem_shared>> -> memref<50000x8xf32, #tpu.memory_space<vmem_shared>>
        tpu.enqueue_indirect_dma source(%dma_start3A_51 : memref<100x8xf32, #tpu.memory_space<vmem>>) target(%dma_start3A_57 : memref<50000x8xf32, #tpu.memory_space<vmem_shared>>) offsets(%dma_start3A_54 : memref<100xi32, #tpu.memory_space<vmem>>) semaphore(%run_scoped3A_49 : memref<!tpu.dma_semaphore, #tpu.memory_space<semaphore_mem>>) {add = true}
        %dma_wait3A = arith.constant 200 : i32
        %dma_wait3A_58 = arith.constant 0 : i32
        %dma_wait3A_59 = tpu.memref_slice %arg12[%dma_wait3A, %dma_wait3A_58] : memref<400x8xf32, #tpu.memory_space<vmem>> -> memref<100x8xf32, #tpu.memory_space<vmem>>
        %dma_wait3A_60 = arith.constant 0 : i32
        %dma_wait3A_61 = tpu.memref_slice %arg13[%run_scoped3A_45, %run_scoped3A_46, %dma_wait3A_60] : memref<2x4x100xi32, #tpu.memory_space<vmem>> -> memref<1x1x100xi32, #tpu.memory_space<vmem>>
        %dma_wait3A_62 = tpu.memref_squeeze %dma_wait3A_61 : memref<1x1x100xi32, #tpu.memory_space<vmem>> -> memref<100xi32, #tpu.memory_space<vmem>>
        %dma_wait3A_63 = arith.constant 0 : i32
        %dma_wait3A_64 = arith.constant 0 : i32
        %dma_wait3A_65 = tpu.memref_slice %arg14[%dma_wait3A_63, %dma_wait3A_64] : memref<50000x8xf32, #tpu.memory_space<vmem_shared>> -> memref<50000x8xf32, #tpu.memory_space<vmem_shared>>
        tpu.wait_indirect_dma semaphore(%run_scoped3A_49 : memref<!tpu.dma_semaphore, #tpu.memory_space<semaphore_mem>>) src(%dma_wait3A_59 : memref<100x8xf32, #tpu.memory_space<vmem>>) dst(%dma_wait3A_65 : memref<50000x8xf32, #tpu.memory_space<vmem_shared>>)
        tpu.yield
      }) : () -> ()
      %run_scoped3A_47 = arith.constant 0 : i32
      %run_scoped3A_48 = arith.constant 3 : i32
      "tpu.region"() ({
        %run_scoped3A_49 = tpu.sem_alloc : memref<!tpu.dma_semaphore, #tpu.memory_space<semaphore_mem>>
        %dma_start3A = arith.constant 300 : i32
        %dma_start3A_50 = arith.constant 0 : i32
        %dma_start3A_51 = tpu.memref_slice %arg12[%dma_start3A, %dma_start3A_50] : memref<400x8xf32, #tpu.memory_space<vmem>> -> memref<100x8xf32, #tpu.memory_space<vmem>>
        %dma_start3A_52 = arith.constant 0 : i32
        %dma_start3A_53 = tpu.memref_slice %arg13[%run_scoped3A_47, %run_scoped3A_48, %dma_start3A_52] : memref<2x4x100xi32, #tpu.memory_space<vmem>> -> memref<1x1x100xi32, #tpu.memory_space<vmem>>
        %dma_start3A_54 = tpu.memref_squeeze %dma_start3A_53 : memref<1x1x100xi32, #tpu.memory_space<vmem>> -> memref<100xi32, #tpu.memory_space<vmem>>
        %dma_start3A_55 = arith.constant 0 : i32
        %dma_start3A_56 = arith.constant 0 : i32
        %dma_start3A_57 = tpu.memref_slice %arg14[%dma_start3A_55, %dma_start3A_56] : memref<50000x8xf32, #tpu.memory_space<vmem_shared>> -> memref<50000x8xf32, #tpu.memory_space<vmem_shared>>
        tpu.enqueue_indirect_dma source(%dma_start3A_51 : memref<100x8xf32, #tpu.memory_space<vmem>>) target(%dma_start3A_57 : memref<50000x8xf32, #tpu.memory_space<vmem_shared>>) offsets(%dma_start3A_54 : memref<100xi32, #tpu.memory_space<vmem>>) semaphore(%run_scoped3A_49 : memref<!tpu.dma_semaphore, #tpu.memory_space<semaphore_mem>>) {add = true}
        %dma_wait3A = arith.constant 300 : i32
        %dma_wait3A_58 = arith.constant 0 : i32
        %dma_wait3A_59 = tpu.memref_slice %arg12[%dma_wait3A, %dma_wait3A_58] : memref<400x8xf32, #tpu.memory_space<vmem>> -> memref<100x8xf32, #tpu.memory_space<vmem>>
        %dma_wait3A_60 = arith.constant 0 : i32
        %dma_wait3A_61 = tpu.memref_slice %arg13[%run_scoped3A_47, %run_scoped3A_48, %dma_wait3A_60] : memref<2x4x100xi32, #tpu.memory_space<vmem>> -> memref<1x1x100xi32, #tpu.memory_space<vmem>>
        %dma_wait3A_62 = tpu.memref_squeeze %dma_wait3A_61 : memref<1x1x100xi32, #tpu.memory_space<vmem>> -> memref<100xi32, #tpu.memory_space<vmem>>
        %dma_wait3A_63 = arith.constant 0 : i32
        %dma_wait3A_64 = arith.constant 0 : i32
        %dma_wait3A_65 = tpu.memref_slice %arg14[%dma_wait3A_63, %dma_wait3A_64] : memref<50000x8xf32, #tpu.memory_space<vmem_shared>> -> memref<50000x8xf32, #tpu.memory_space<vmem_shared>>
        tpu.wait_indirect_dma semaphore(%run_scoped3A_49 : memref<!tpu.dma_semaphore, #tpu.memory_space<semaphore_mem>>) src(%dma_wait3A_59 : memref<100x8xf32, #tpu.memory_space<vmem>>) dst(%dma_wait3A_65 : memref<50000x8xf32, #tpu.memory_space<vmem_shared>>)
        tpu.yield
      }) : () -> ()
    }
    %scan3A_8 = arith.constant 125 : i32
    %barrier3A_9 = arith.constant 0 : index
    tpu.barrier barrier_id(%barrier3A_9)
    %mul3A_10 = arith.constant 3125 : i32
    %mul3A_11 = arith.muli %arg1, %mul3A_10 : i32
    %mul3A_12 = arith.constant 3125 : i32
    %mul3A_13 = arith.muli %arg1, %mul3A_12 : i32
    "tpu.region"() ({
      %run_scoped3A = tpu.sem_alloc : memref<!tpu.dma_semaphore, #tpu.memory_space<semaphore_mem>>
      %dma_start3A = arith.constant 0 : i32
      %dma_start3A_14 = tpu.memref_slice %arg8[%arg0, %mul3A_13, %dma_start3A] : memref<2x50000x8xf32, #tpu.memory_space<hbm>> -> memref<1x3125x8xf32, #tpu.memory_space<hbm>>
      %dma_start3A_15 = tpu.memref_squeeze %dma_start3A_14 : memref<1x3125x8xf32, #tpu.memory_space<hbm>> -> memref<3125x8xf32, #tpu.memory_space<hbm>>
      %dma_start3A_16 = arith.constant 0 : i32
      %dma_start3A_17 = tpu.memref_slice %arg14[%mul3A_11, %dma_start3A_16] : memref<50000x8xf32, #tpu.memory_space<vmem_shared>> -> memref<3125x8xf32, #tpu.memory_space<vmem_shared>>
      tpu.enqueue_dma source(%dma_start3A_17 : memref<3125x8xf32, #tpu.memory_space<vmem_shared>>) target(%dma_start3A_15 : memref<3125x8xf32, #tpu.memory_space<hbm>>) target_semaphore(%run_scoped3A : memref<!tpu.dma_semaphore, #tpu.memory_space<semaphore_mem>>)
      %dma_wait3A = arith.constant 0 : i32
      %dma_wait3A_18 = tpu.memref_slice %arg8[%arg0, %mul3A_13, %dma_wait3A] : memref<2x50000x8xf32, #tpu.memory_space<hbm>> -> memref<1x3125x8xf32, #tpu.memory_space<hbm>>
      %dma_wait3A_19 = tpu.memref_squeeze %dma_wait3A_18 : memref<1x3125x8xf32, #tpu.memory_space<hbm>> -> memref<3125x8xf32, #tpu.memory_space<hbm>>
      %dma_wait3A_20 = arith.constant 0 : i32
      %dma_wait3A_21 = tpu.memref_slice %arg14[%mul3A_11, %dma_wait3A_20] : memref<50000x8xf32, #tpu.memory_space<vmem_shared>> -> memref<3125x8xf32, #tpu.memory_space<vmem_shared>>
      tpu.wait_dma2 semaphore(%run_scoped3A : memref<!tpu.dma_semaphore, #tpu.memory_space<semaphore_mem>>) src(%dma_wait3A_21 : memref<3125x8xf32, #tpu.memory_space<vmem_shared>>) dst(%dma_wait3A_19 : memref<3125x8xf32, #tpu.memory_space<hbm>>)
      tpu.yield
    }) : () -> ()
    return
  }
}

module attributes {stable_mosaic.version = 14 : i64} {
  func.func @body(%arg0: i32, %arg1: memref<2x2000x8xf32, #tpu.memory_space<vmem>>, %arg2: memref<2000x8xf32, #tpu.memory_space<vmem>>) attributes {dimension_semantics = [#tpu.dimension_semantics<arbitrary>], iteration_bounds = array<i64: 25>, scalar_prefetch = 0 : i64, scratch_operands = 0 : i64, tpu.core_type = #tpu.core_type<tc>, window_params = [{transform_indices = @transform_0, window_bounds = array<i64: 2, 2000, 8>}, {transform_indices = @transform_1, window_bounds = array<i64: 2000, 8>}]} {
    %get3A = arith.constant 0 : index
    %get3A_0 = arith.constant 0 : index
    %get3A_1 = arith.constant 0 : index
    %get3A_2 = vector.load %arg1[%get3A, %get3A_0, %get3A_1] : memref<2x2000x8xf32, #tpu.memory_space<vmem>>, vector<1x2000x8xf32>
    %get3A_3 = vector.shape_cast %get3A_2 : vector<1x2000x8xf32> to vector<2000x8xf32>
    %get3A_4 = arith.constant 1 : index
    %get3A_5 = arith.constant 0 : index
    %get3A_6 = arith.constant 0 : index
    %get3A_7 = vector.load %arg1[%get3A_4, %get3A_5, %get3A_6] : memref<2x2000x8xf32, #tpu.memory_space<vmem>>, vector<1x2000x8xf32>
    %get3A_8 = vector.shape_cast %get3A_7 : vector<1x2000x8xf32> to vector<2000x8xf32>
    %add3A = arith.addf %get3A_3, %get3A_8 : vector<2000x8xf32>
    %swap3A = arith.constant 0 : index
    %swap3A_9 = arith.constant 0 : index
    %swap3A_10 = vector.load %arg2[%swap3A, %swap3A_9] : memref<2000x8xf32, #tpu.memory_space<vmem>>, vector<2000x8xf32>
    tpu.vector_store %arg2[%swap3A, %swap3A_9], %add3A {strides = array<i32>} : memref<2000x8xf32, #tpu.memory_space<vmem>>, vector<2000x8xf32>,
    return
  }
  func.func @transform_0(%arg0: i32) -> (i32, i32, i32) {
    %c0_i32 = arith.constant 0 : i32
    %c0_i32_0 = arith.constant 0 : i32
    %c0_i32_1 = arith.constant 0 : i32
    return %c0_i32, %arg0, %c0_i32_0 : i32, i32, i32
  }
  func.func @transform_1(%arg0: i32) -> (i32, i32) {
    %c0_i32 = arith.constant 0 : i32
    %c0_i32_0 = arith.constant 0 : i32
    return %arg0, %c0_i32 : i32, i32
  }
}

module attributes {stable_mosaic.version = 14 : i64} {
  func.func @body(%arg0: i32, %arg1: memref<2x2000x8xf32, #tpu.memory_space<vmem>>, %arg2: memref<2x2000x24xf32, #tpu.memory_space<vmem>>, %arg3: memref<2000x8xf32, #tpu.memory_space<vmem>>, %arg4: memref<2000x24xf32, #tpu.memory_space<vmem>>) attributes {dimension_semantics = [#tpu.dimension_semantics<arbitrary>], iteration_bounds = array<i64: 25>, scalar_prefetch = 0 : i64, scratch_operands = 0 : i64, tpu.core_type = #tpu.core_type<tc>, window_params = [{transform_indices = @transform_0, window_bounds = array<i64: 2, 2000, 8>}, {transform_indices = @transform_1, window_bounds = array<i64: 2, 2000, 24>}, {transform_indices = @transform_2, window_bounds = array<i64: 2000, 8>}, {transform_indices = @transform_3, window_bounds = array<i64: 2000, 24>}]} {
    %get3A = arith.constant 0 : index
    %get3A_0 = arith.constant 0 : index
    %get3A_1 = arith.constant 0 : index
    %get3A_2 = vector.load %arg1[%get3A, %get3A_0, %get3A_1] : memref<2x2000x8xf32, #tpu.memory_space<vmem>>, vector<1x2000x8xf32>
    %get3A_3 = vector.shape_cast %get3A_2 : vector<1x2000x8xf32> to vector<2000x8xf32>
    %get3A_4 = arith.constant 1 : index
    %get3A_5 = arith.constant 0 : index
    %get3A_6 = arith.constant 0 : index
    %get3A_7 = vector.load %arg1[%get3A_4, %get3A_5, %get3A_6] : memref<2x2000x8xf32, #tpu.memory_space<vmem>>, vector<1x2000x8xf32>
    %get3A_8 = vector.shape_cast %get3A_7 : vector<1x2000x8xf32> to vector<2000x8xf32>
    %add3A = arith.addf %get3A_3, %get3A_8 : vector<2000x8xf32>
    %swap3A = arith.constant 0 : index
    %swap3A_9 = arith.constant 0 : index
    %swap3A_10 = vector.load %arg3[%swap3A, %swap3A_9] : memref<2000x8xf32, #tpu.memory_space<vmem>>, vector<2000x8xf32>
    tpu.vector_store %arg3[%swap3A, %swap3A_9], %add3A {strides = array<i32>} : memref<2000x8xf32, #tpu.memory_space<vmem>>, vector<2000x8xf32>,
    %get3A_11 = arith.constant 0 : index
    %get3A_12 = arith.constant 0 : index
    %get3A_13 = arith.constant 0 : index
    %get3A_14 = vector.load %arg2[%get3A_11, %get3A_12, %get3A_13] : memref<2x2000x24xf32, #tpu.memory_space<vmem>>, vector<1x2000x24xf32>
    %get3A_15 = vector.shape_cast %get3A_14 : vector<1x2000x24xf32> to vector<2000x24xf32>
    %get3A_16 = arith.constant 1 : index
    %get3A_17 = arith.constant 0 : index
    %get3A_18 = arith.constant 0 : index
    %get3A_19 = vector.load %arg2[%get3A_16, %get3A_17, %get3A_18] : memref<2x2000x24xf32, #tpu.memory_space<vmem>>, vector<1x2000x24xf32>
    %get3A_20 = vector.shape_cast %get3A_19 : vector<1x2000x24xf32> to vector<2000x24xf32>
    %add3A_21 = arith.addf %get3A_15, %get3A_20 : vector<2000x24xf32>
    %swap3A_22 = arith.constant 0 : index
    %swap3A_23 = arith.constant 0 : index
    %swap3A_24 = vector.load %arg4[%swap3A_22, %swap3A_23] : memref<2000x24xf32, #tpu.memory_space<vmem>>, vector<2000x24xf32>
    tpu.vector_store %arg4[%swap3A_22, %swap3A_23], %add3A_21 {strides = array<i32>} : memref<2000x24xf32, #tpu.memory_space<vmem>>, vector<2000x24xf32>,
    return
  }
  func.func @transform_0(%arg0: i32) -> (i32, i32, i32) {
    %c0_i32 = arith.constant 0 : i32
    %c0_i32_0 = arith.constant 0 : i32
    %c0_i32_1 = arith.constant 0 : i32
    return %c0_i32, %arg0, %c0_i32_0 : i32, i32, i32
  }
  func.func @transform_1(%arg0: i32) -> (i32, i32, i32) {
    %c0_i32 = arith.constant 0 : i32
    %c0_i32_0 = arith.constant 0 : i32
    %c0_i32_1 = arith.constant 0 : i32
    return %c0_i32, %arg0, %c0_i32_0 : i32, i32, i32
  }
  func.func @transform_2(%arg0: i32) -> (i32, i32) {
    %c0_i32 = arith.constant 0 : i32
    %c0_i32_0 = arith.constant 0 : i32
    return %arg0, %c0_i32 : i32, i32
  }
  func.func @transform_3(%arg0: i32) -> (i32, i32) {
    %c0_i32 = arith.constant 0 : i32
    %c0_i32_0 = arith.constant 0 : i32
    return %arg0, %c0_i32 : i32, i32
  }
}

</mosaic_0001>

<sc_bundles>
// kernel: kernel.6.cloned.1.call-start
scs
__scs_entry_jumppad:
0x0: {  	(pc) =	sbr.rel $0x88, $3  }
0x1: {  	(tag) =	ssettag $0x0;
	lr =	simm.s32 $0x1  }
0x2: {  	[smem:$0x3F9A] =	sst lr;
	_ =	strace $0xD0000000  }
0x3: {  	_ = 	snop  }
0x4: {  	_ = 	snop  }
0x5: {  	_ = 	snop  }
0x6: {  	_ = 	snop  }
0x7: {  	_ = 	snop  }
__scs_overlays_trampoline_lowered:
0x8: {  	[smem:$0x3FA9] =	sst s0  }
0x9: {  	[smem:$0x3FAA] =	sst s1  }
0xa: {  	[smem:$0x3FAB] =	sst s2  }
0xb: {  	[smem:$0x3FAC] =	sst s3  }
0xc: {  	[smem:$0x3FAD] =	sst s4  }
0xd: {  	[smem:$0x3FAE] =	sst s5  }
0xe: {  	[smem:$0x3FAF] =	sst s6  }
0xf: {  	[smem:$0x3FB0] =	sst s7  }
0x10: {  	[smem:$0x3FB1] =	sst s8  }
0x11: {  	[smem:$0x3FB2] =	sst s9;
	s0 =	simm.s32 @!p0 $0x0  }
0x12: {  	s1 =	sld [smem:$0x3F98];
	s0 =	simm.s32 @p0 $0x1  }
0x13: {  	[smem:$0x3FB3] =	sst s0;
	s0 =	simm.s32 @!p1 $0x0  }
0x14: {  	s2 =	sld [smem:$0x3F97];
	s0 =	simm.s32 @p1 $0x1  }
0x15: {  	[smem:$0x3FB4] =	sst s0;
	s0 =	simm.s32 @!p2 $0x0  }
0x16: {  	s3 =	sld [smem:$0x3FDB];
	s0 =	simm.s32 @p2 $0x1  }
0x17: {  	s4 =	simm.s32 $0x1BF5;
	[smem:$0x3FB6] =	sst s0  }
0x18: {  	s0 =	sld [smem:$0x3F99];
	_ =	swait.ge [sflag:s4], $0x0  }
0x19: {  	s7 =	sld [smem:$0x3F9A]  }
0x1a: {  	s8 =	sadd.s32 $0xFFFFE003, lr  }
0x1b: {  	s9 =	sadd.s32 $0xFFFFFEF7, lr;
	s5 =	simm.s32 $0xFFFFFFFF;
	p2 =	slt.u32 s8, $0xFFFFF086  }
0x1c: {  	p1 =	slt.u32 s9, $0xF7A;
	s5 =	simm.s32 @!p2 $0x0  }
0x1d: {  	s5 =	simm.s32 @p1 $0x1;
	p0 =	seq.s32 s7, s2  }
0x1e: {  	s7 =	smul.u32 @!p0 $0xF7A, s2;
	p2 =	seq.s32 @!p0 s5, $0x0  }
0x1f: {  	s9 =	smul.u32 $0xF7A, s1;
	s8 =	simm.s32 @!p0 $0x1BF5;
	p2 =	por !p2, p0  }
0x20: {  	[sflag:s8] =	ssyncset.s32 @!p0 $0xFFFFF086;
	s6 =	sadd.s32 @!p0 s3, s7;
	s7 =	simm.s32 @!p0 $0x108  }
0x21: {  	s3 =	sadd.s32 s3, s9;
	s6 =	sadd.s32 @!p0 $0x88, s6;
	s7 =	simm.s32 @p2 $0x1082  }
0x22: {  	[simem:s7], [sflag:s8] =	dma.local @!p0 [hbm:s6], $0xF7A  }
0x23: {  	s9 =	sor.u32 $0xD0000000, s2;
	s6 =	simm.s32 $0x108;
	_ =	swait.ge @!p0 [sflag:s8], $0x0  }
0x24: {  	s3 =	sadd.s32 $0x88, s3;
	s6 =	simm.s32 @!p1 $0x1082;
	[sflag:s4] =	ssyncset.s32 $0xFFFFF086  }
0x25: {  	[simem:s6], [sflag:s4] =	dma.local [hbm:s3], $0xF7A  }
0x26: {  	[smem:$0x3F9A] =	sst s1;
	(tag) =	ssettag s2;
	_ =	strace s9  }
0x27: {  	s1 =	sld [smem:$0x3FAA]  }
0x28: {  	s2 =	sld [smem:$0x3FAB]  }
0x29: {  	s4 =	sld [smem:$0x3FAD]  }
0x2a: {  	p0 =	seq.s32 s5, $0x0;
	s5 =	sld [smem:$0x3FAE]  }
0x2b: {  	s6 =	sld [smem:$0x3FAF]  }
0x2c: {  	s7 =	sld [smem:$0x3FB0]  }
0x2d: {  	s3 =	simm.s32 $0x108;
	s8 =	sld [smem:$0x3FB1]  }
0x2e: {  	s3 =	simm.s32 @!p0 $0x1082;
	s9 =	sld [smem:$0x3FB2]  }
0x2f: {  	lr =	sadd.s32 s0, s3;
	s0 =	sld [smem:$0x3FA9]  }
0x30: {  	s3 =	sld [smem:$0x3FAC]  }
0x31: {  	[smem:$0x3FB5] =	sst s10  }
0x32: {  	s10 =	sld [smem:$0x3FB3];
	_ =	sdelay $0x3  }
0x33: {  	p0 =	seq.s32 s10, $0x1;
	s10 =	sld [smem:$0x3FB5];
	_ =	sdelay $0x3  }
0x34: {  	[smem:$0x3FB5] =	sst s10  }
0x35: {  	s10 =	sld [smem:$0x3FB4];
	_ =	sdelay $0x3  }
0x36: {  	p1 =	seq.s32 s10, $0x1;
	s10 =	sld [smem:$0x3FB5];
	_ =	sdelay $0x3  }
0x37: {  	[smem:$0x3FB5] =	sst s10  }
0x38: {  	s10 =	sld [smem:$0x3FB6]  }
0x39: {  	_ = 	snop;
	(pc) =	sbr.ind lr, $3  }
0x3a: {  	_ = 	snop  }
0x3b: {  	_ = 	snop  }
0x3c: {  	p2 =	seq.s32 s10, $0x1;
	s10 =	sld [smem:$0x3FB5]  }
0x3d: {  	_ =	shalt  }
0x3e: {  	_ =	shalt  }
0x3f: {  	_ =	shalt  }
0x40: {  	_ =	shalt  }
0x41: {  	_ =	shalt  }
0x42: {  	_ =	shalt  }
0x43: {  	_ =	shalt  }
0x44: {  	_ =	shalt  }
0x45: {  	_ =	shalt  }
0x46: {  	_ =	shalt  }
0x47: {  	_ =	shalt  }
0x48: {  	_ =	shalt  }
0x49: {  	_ =	shalt  }
0x4a: {  	_ =	shalt  }
0x4b: {  	_ =	shalt  }
0x4c: {  	_ =	shalt  }
0x4d: {  	_ =	shalt  }
0x4e: {  	_ =	shalt  }
0x4f: {  	_ =	shalt  }
0x50: {  	_ =	shalt  }
0x51: {  	_ =	shalt  }
0x52: {  	_ =	shalt  }
0x53: {  	_ =	shalt  }
0x54: {  	_ =	shalt  }
0x55: {  	_ =	shalt  }
0x56: {  	_ =	shalt  }
0x57: {  	_ =	shalt  }
0x58: {  	_ =	shalt  }
0x59: {  	_ =	shalt  }
0x5a: {  	_ =	shalt  }
0x5b: {  	_ =	shalt  }
0x5c: {  	_ =	shalt  }
0x5d: {  	_ =	shalt  }
0x5e: {  	_ =	shalt  }
0x5f: {  	_ =	shalt  }
0x60: {  	_ =	shalt  }
0x61: {  	_ =	shalt  }
0x62: {  	_ =	shalt  }
0x63: {  	_ =	shalt  }
0x64: {  	_ =	shalt  }
0x65: {  	_ =	shalt  }
0x66: {  	_ =	shalt  }
0x67: {  	_ =	shalt  }
0x68: {  	_ =	shalt  }
0x69: {  	_ =	shalt  }
0x6a: {  	_ =	shalt  }
0x6b: {  	_ =	shalt  }
0x6c: {  	_ =	shalt  }
0x6d: {  	_ =	shalt  }
0x6e: {  	_ =	shalt  }
0x6f: {  	_ =	shalt  }
0x70: {  	_ =	shalt  }
0x71: {  	_ =	shalt  }
0x72: {  	_ =	shalt  }
0x73: {  	_ =	shalt  }
0x74: {  	_ =	shalt  }
0x75: {  	_ =	shalt  }
0x76: {  	_ =	shalt  }
0x77: {  	_ =	shalt  }
0x78: {  	_ =	shalt  }
0x79: {  	_ =	shalt  }
0x7a: {  	_ =	shalt  }
0x7b: {  	_ =	shalt  }
0x7c: {  	_ =	shalt  }
0x7d: {  	_ =	shalt  }
0x7e: {  	_ =	shalt  }
0x7f: {  	_ =	shalt  }
0x80: {  	_ =	shalt  }
0x81: {  	_ =	shalt  }
0x82: {  	_ =	shalt  }
0x83: {  	_ =	shalt  }
0x84: {  	_ =	shalt  }
0x85: {  	_ =	shalt  }
0x86: {  	_ =	shalt  }
0x87: {  	_ =	shalt  }
.Lfunc_end0:
.L_simem_size_0:
called_computation.2_lowered:
.L_overlay_start_0:
0x88: {  	s2 =	sld [smem:$0x3FD9]  }
0x89: {  	s3 =	sld [smem:$0x3FFE];
	_ =	sdelay $0x1  }
0x8a: {  	s1 =	srdreg.scid  }
0x8b: {  	s0 =	sand.u32 $0x1, s1  }
0x8c: {  	s15 =	sshll.u32 s0, $0xA;
	s2 =	sadd.s32 s3, s2  }
0x8d: {  	s2 =	sadd.s32 s2, s15  }
0x8e: {  	[smem:$0x3FC1] =	sst s2  }
0x8f: {  	_ = 	snop  }
0x90: {  	s2 =	sld [smem:$0x3FD0];
	_ =	sdelay $0x2  }
0x91: {  	s16 =	simm.s32 $0xB;
	s4 =	simm.s32 $0x10  }
0x92: {  	[smem:s4], [sflag:s16] =	dma.local [hbm:s2], $0x1  }
0x93: {  	_ =	swait.eq [sflag:s16], $0x1  }
0x94: {  	[sflag:s16] =	ssyncset.done $0x0  }
0x95: {  	[sflag:s16] =	ssyncadd.s32 $0xFFFFFFFF  }
0x96: {  	s17 =	sld [smem:$0x11];
	(tm) =	ssettm $0x1  }
0x97: {  	s18 =	sld [smem:$0x3FFB];
	_ =	sdelay $0x3  }
0x98: {  	_ =	strace s18  }
0x99: {  	s2 =	sld [smem:$0x3FFC];
	_ =	sdelay $0x3  }
0x9a: {  	_ =	strace s2  }
0x9b: {  	s2 =	sld [smem:$0x3FFD];
	_ =	sdelay $0x3  }
0x9c: {  	_ =	strace s2  }
0x9d: {  	_ =	strace $0x8FFFFFFF  }
0x9e: {  	s19 =	sld [smem:$0x3FDB];
	_ =	sdelay $0x1  }
0x9f: {  	s20 =	simm.s32 $_scs_section_size  }
0xa0: {  	s5 =	simm.s32 $_size__tile_overlayer_lowered;
	s6 =	simm.s32 $_tile_overlayer_lowered  }
0xa1: {  	s7 =	simm.s32 $0x1BFF;
	s21 =	sshll.u32 s6, $0x1;
	s4 =	sadd.s32 s20, s19  }
0xa2: {  	s22 =	simm.s32 $0x0;
	s5 =	sshll.u32 s5, $0x1;
	s6 =	sadd.s32 s21, s4  }
0xa3: {  	[timem:s22], [sflag:s7] =	dma.local [hbm:s6], s5  }
0xa4: {  	_ =	swait.ge [sflag:s7], s5  }
0xa5: {  	s5 =	ssub.s32 $0x0, s5;
	[sflag:s7] =	ssyncset.done $0x0  }
0xa6: {  	[sflag:s7] =	ssyncadd.s32 s5;
	_ =	sdelay $0x1  }
0xa7: {  	s23 =	simm.s32 $0x1B8B  }
0xa8: {  	_ =	swait.ge [sflag:s23], $0x1  }
0xa9: {  	[sflag:s23] =	ssyncset.done $0x0  }
0xaa: {  	[sflag:s23] =	ssyncadd.s32 $0xFFFFFFFF  }
0xab: {  	s5 =	sld [smem:$0x0]  }
0xac: {  	s6 =	sand.u32 $0xFFFFFFFE, s1  }
0xad: {  	p0 =	sne.s32 s1, s6  }
0xae: {  	s6 =	sshll.u32 @p0 s6, $0xE  }
0xaf: {  	s6 =	sadd.s32 @p0 $0x11B8D, s6;
	s7 =	sshll.u32 @p0 s5, $0x11  }
0xb0: {  	s6 =	sor.u32 @p0 s7, s6  }
0xb1: {  	[sflag:s6] =	ssyncadd.remote.s32 @p0 $0x1;
	_ =	sdelay $0x1  }
0xb2: {  	s6 =	simm.s32 @p0 $0x1B8D  }
0xb3: {  	_ =	swait.eq @p0 [sflag:s6], $0x1  }
0xb4: {  	[sflag:s6] =	ssyncadd.s32 @p0 $0xFFFFFFFF  }
0xb5: {  	s7 =	sshll.u32 @!p0 s1, $0xE  }
0xb6: {  	s7 =	sor.u32 @!p0 $0x4000, s7;
	s6 =	simm.s32 @!p0 $0x1B8D  }
0xb7: {  	s5 =	sshll.u32 @!p0 s5, $0x11;
	s7 =	sadd.s32 @!p0 $0x11B8D, s7;
	_ =	swait.eq @!p0 [sflag:s6], $0x1  }
0xb8: {  	s5 =	sor.u32 @!p0 s5, s7;
	[sflag:s6] =	ssyncadd.s32 @!p0 $0xFFFFFFFF  }
0xb9: {  	s25 =	simm.s32 $0x1B8E;
	s24 =	sld [smem:$0x3FFE];
	[sflag:s5] =	ssyncadd.remote.s32 @!p0 $0x1  }
0xba: {  	s26 =	simm.s32 $execute0_lowered;
	[smem:$0x3FD2] =	sst s25  }
0xbb: {  	s6 =	sshll.u32 s26, $0x1;
	_ =	strace $0x8000004C;
	[dreg:$0x1] =	wrdreg $0xFFFFFFFF  }
0xbc: {  	s28 =	simm.s32 $_size_execute0_lowered;
	s4 =	sadd.s32 s4, s6;
	[dreg:$0x0] =	wrdreg $0x0  }
0xbd: {  	s6 =	sshll.u32 s28, $0x1;
	[dreg:$0x2] =	wrdreg s4  }
0xbe: {  	[dreg:$0x3] =	wrdreg s6  }
0xbf: {  	[dreg:$0x4] =	wrdreg $0xC0  }
0xc0: {  	_ =	task [dreg:s22], $0x5FFFF  }
0xc1: {  	[dreg:$0x1] =	wrdreg $0xFFFFFFFF  }
0xc2: {  	[dreg:$0x0] =	wrdreg $0x60  }
0xc3: {  	[dreg:$0x2] =	wrdreg s24  }
0xc4: {  	[dreg:$0x3] =	wrdreg s17  }
0xc5: {  	[dreg:$0x4] =	wrdreg $0x73C00  }
0xc6: {  	[dreg:$0x5] =	wrdreg $0xA  }
0xc7: {  	_ =	task.clear_ibuf [dreg:s22], $0x6FFFF;
	_ =	strace $0x9000004C  }
0xc8: {  	s29 =	simm.s32 $0xA;
	_ =	strace $0x8000004E  }
0xc9: {  	_ =	swait.ge [sflag:s29], $0x1  }
0xca: {  	[sflag:s29] =	ssyncadd.s32 $0xFFFFFFFF  }
0xcb: {  	_ =	strace $0x9000004E  }
0xcc: {  	_ =	sfence  }
0xcd: {  	s30 =	sld [smem:$0x0];
	_ =	sdelay $0x2  }
0xce: {  	s31 =	sshll.u32 s1, $0xD;
	s1 =	sshrl.u32 s1, $0x2  }
0xcf: {  	s4 =	sand.u32 $0x4000, s31;
	s1 =	sadd.s32 s1, s30  }
0xd0: {  	s0 =	sor.u32 s4, s0;
	s1 =	sshll.u32 s1, $0x11  }
0xd1: {  	s0 =	sor.u32 s1, s0  }
0xd2: {  	s0 =	sadd.s32 $0x8F2B, s0  }
0xd3: {  	[sflag:s0] =	ssyncadd.remote.s32 $0x1  }
0xd4: {  	_ =	sfence.sel $0xFFFF  }
0xd5: {  	[dreg:$0x0] =	wrdreg $0xFFFFFFFF;
	(pc) =	sbr.abs _section_cstart, $3  }
0xd6: {  	[dreg:$0x1] =	wrdreg $0xFFFFFFFF  }
0xd7: {  	_ =	task.clear_ibuf [dreg:s22], $0x2FFFF;
	_ =	strace $0x9FFFFFFF  }
0xd8: {  	(tm) =	ssettm $0x7FFFFFFF  }
0xd9: {  	_ =	shalt  }
tec
execute0_lowered:
.L_overlay_start_1:
0x0: {  	(tag) =	ssettag $0x1  }
0x1: {  	s0 =	rddreg [dreg:$0x0]  }
0x2: {  	s1 =	rddreg [dreg:$0x1]  }
0x3: {  	s2 =	rddreg [dreg:$0x2]  }
0x4: {  	s3 =	simm.s32 $0x0;
	s14 =	stileid.u32;
	s9 =	srdreg.scid  }
0x5: {  	s16 =	simm.s32 $0x1;
	s18 =	simm.s32 $0xC80;
	s21 =	simm.s32 $0x7080  }
0x6: {  	s22 =	simm.s32 $0x64;
	s28 =	simm.s32 $0x72F0;
	s29 =	simm.s32 $0x4B00  }
0x7: {  	s30 =	simm.s32 $0x7358;
	s31 =	simm.s32 $0x5780;
	s17 =	simm.s32 $0x6720  }
0x8: {  	[smem:$0x7FF] =	sst s3;
	s4 =	sadd.s32 $0x69800, s0;
	s8 =	smul.u32 $0x30D4, s14  }
0x9: {  	s5 =	sadd.s32 $0x221000, s0;
	s6 =	sadd.s32 $0x1F0200, s0;
	s7 =	sadd.s32 $0x3E00, s0  }
0xa: {  	s9 =	sand.u32 $0x1, s9;
	s11 =	smul.u32 $0x61A8, s14;
	s26 =	sshll.u32 s14, $0x6  }
0xb: {  	_ =	strace $0x8000004D;
	s23 =	ssub.s32 $0x2, s9;
	s13 =	sshll.u32 s9, $0x4  }
0xc: {  	s9 =	smul.u32 $0x61A80, s9;
	s19 =	sor.u32 $0x1C01, s26;
	s26 =	simm.s32 $0x196400  }
0xd: {  	s10 =	sadd.s32 s8, s0;
	s8 =	sadd.s32 $0x6E5C00, s0;
	s12 =	sshrl.u32 s23, $0x1  }
0xe: {  	s24 =	sor.u32 s14, s13;
	s25 =	sadd.s32 s11, s2;
	s13 =	simm.s32 $0x6A40  }
0xf: {  	s14 =	simm.s32 $0x71B8;
	[dreg:$0x5] =	wrdreg s19;
	s0 =	ssub.s32 s23, s12  }
0x10: {  	s10 =	sadd.s32 $0x6B4E00, s10;
	s9 =	sadd.s32 s11, s9;
	s11 =	smul.u32 $0xC350, s24  }
0x11: {  	s12 =	smul.u32 $0x1F4, s24;
	s20 =	sshrl.u32 s25, $0x3;
	s24 =	simm.s32 $0x3200  }
0x12: {  	s23 =	simm.s32 $0x0;
	[dreg:$0x4] =	wrdreg s10;
	s9 =	sshrl.u32 s9, $0x3  }
0x13: {  	s0 =	smax.u32 s0, $0x1;
	s10 =	simm.s32 $0x6D60;
	[dreg:$0x8] =	wrdreg s20  }
0x14: {  	s1 =	sadd.s32 s1, s9;
	[dreg:$0x7] =	wrdreg s0;
	s0 =	simm.s32 $0x6400  }
0x15: {  	v0 =	vlaneseq.u32;
	s9 =	simm.s32 $0x7150;
	[dreg:$0x6] =	wrdreg s1;
	s1 =	simm.s32 $0x70E8  }
.LBB2_1:
0x16: {  	[dreg:$0x9] =	wrdreg s23  }
0x17: {  	s15 =	rddreg [dreg:$0x4];
	s25 =	simm.s32 $0x4  }
0x18: {  	[spmem:s20@s16], [sflag:s19] =	dma.strided [hbm:s15@s25], $0xC35, s16, $0x1   }
0x19: {  	_ =	swait.ge [sflag:s16], $0xC35  }
0x1a: {  	[sflag:s16] =	ssyncset.done $0x0  }
0x1b: {  	[sflag:s16] =	ssyncadd.s32 $0xFFFFF3CB  }
0x1c: {  	s15 =	simm.s32 $0x0;
	[bflag:$0x0] =	sbarrier.arrive $0xFFFF  }
.LBB2_2:
0x1d: {  	s19 =	smul.u32 $0x190, s15;
	_ =	sdelay $0x1  }
0x1e: {  	s19 =	sadd.s32 s11, s19  }
0x1f: {  	s23 =	simm.s32 $0x0;
	s20 =	sadd.s32 s4, s19  }
0x20: {  	[tilespmem:s23], [sflag:$0x1] =	stream.linear.gather [hbm4b:s20+s23], $0xC80, $0x38;
	[tilespmem:$0xD568] =	vst v63  }
0x21: {  	s25 =	smul.u32 $0x3, s19;
	_ =	swait.ge [sflag:s16], $0xC80  }
0x22: {  	[sflag:s16] =	ssyncset.done $0x0  }
0x23: {  	s20 =	sadd.s32 s5, s25;
	s25 =	sshll.u32 s15, $0x2;
	[sflag:s16] =	ssyncadd.s32 $0xFFFFF380  }
0x24: {  	[tilespmem:s18], [sflag:$0x1] =	stream.linear.gather [hbm4b:s20+s23], $0x2580, $0x38;
	[tilespmem:$0xD568] =	vst v63  }
0x25: {  	s20 =	sadd.s32 s12, s25  }
0x26: {  	_ =	swait.ge [sflag:s16], $0x2580;
	s20 =	smul.u32 $0xD, s20  }
0x27: {  	[sflag:s16] =	ssyncset.done $0x0  }
0x28: {  	s25 =	simm.s32 $0x1A0;
	[sflag:s16] =	ssyncadd.s32 $0xFFFFDA80;
	s20 =	sadd.s32 s7, s20  }
0x29: {  	[tilespmem:s21], [sflag:$0x1] =	stream.strided.gather [hbm4b:s20+s25], $0x340, s26, s25, $0x38;
	[tilespmem:$0xD568] =	vst v63  }
0x2a: {  	_ =	swait.ge [sflag:s16], $0x340  }
0x2b: {  	[sflag:s16] =	ssyncset.done $0x0  }
0x2c: {  	s25 =	simm.s32 $0x7220;
	[sflag:s16] =	ssyncadd.s32 $0xFFFFFCC0  }
0x2d: {  	[tilespmem:s24], [sflag:$0x1] =	stream.indirect.gather [hbm4b:s6+s22], $0x20, s25, s22, $0xb8;
	[tilespmem:$0xD568] =	vst v63  }
0x2e: {  	_ =	swait.ge [sflag:s16], $0xC80  }
0x2f: {  	[sflag:s16] =	ssyncset.done $0x0  }
0x30: {  	s20 =	simm.s32 $0x7288;
	s25 =	simm.s32 $0x3E80;
	[sflag:s16] =	ssyncadd.s32 $0xFFFFF380  }
0x31: {  	[tilespmem:s25], [sflag:$0x1] =	stream.indirect.gather [hbm4b:s6+s22], $0x20, s20, s22, $0xb8;
	[tilespmem:$0xD568] =	vst v63  }
0x32: {  	_ =	swait.ge [sflag:s16], $0xC80  }
0x33: {  	[sflag:s16] =	ssyncset.done $0x0  }
0x34: {  	[sflag:s16] =	ssyncadd.s32 $0xFFFFF380  }
0x35: {  	[tilespmem:s29], [sflag:$0x1] =	stream.indirect.gather [hbm4b:s6+s22], $0x20, s28, s22, $0xb8;
	[tilespmem:$0xD568] =	vst v63  }
0x36: {  	_ =	swait.ge [sflag:s16], $0xC80  }
0x37: {  	v3 =	vor.u32 s23, v0;
	[sflag:s16] =	ssyncset.done $0x0  }
0x38: {  	v1 =	vshll.u32 v3, $0x5;
	[sflag:s16] =	ssyncadd.s32 $0xFFFFF380  }
0x39: {  	v2 =	vmul.u32 $0x18, v3;
	v3 =	vshll.u32 v3, $0x3;
	[tilespmem:s31], [sflag:$0x1] =	stream.indirect.gather [hbm4b:s6+s22], $0x20, s30, s22, $0xb8;
	[tilespmem:$0xD568] =	vst v63  }
0x3a: {  	_ =	swait.ge [sflag:s16], $0xC80  }
0x3b: {  	v4 =	vor.u32 $0x1, v1;
	[sflag:s16] =	ssyncset.done $0x0  }
0x3c: {  	v5 =	vor.u32 $0x2, v1;
	[sflag:s16] =	ssyncadd.s32 $0xFFFFF380  }
0x3d: {  	v6 =	vor.u32 $0x1, v2;
	v7 =	vld.idx.msk [tilespmem:v1+s24+$0x0], $0xffff  }
0x3e: {  	v8 =	vor.u32 $0x3, v1;
	v9 =	vld.idx.msk [tilespmem:v3+s3+$0x0], $0xffff  }
0x3f: {  	v10 =	vor.u32 $0x2, v2;
	v11 =	vld.idx.msk [tilespmem:v2+s18+$0x0], $0xffff  }
0x40: {  	v4 =	vld.idx.msk [tilespmem:v4+s24+$0x0], $0xffff  }
0x41: {  	v5 =	vld.idx.msk [tilespmem:v5+s24+$0x0], $0xffff  }
0x42: {  	v6 =	vld.idx.msk [tilespmem:v6+s18+$0x0], $0xffff  }
0x43: {  	v8 =	vld.idx.msk [tilespmem:v8+s24+$0x0], $0xffff  }
0x44: {  	v10 =	vld.idx.msk [tilespmem:v10+s18+$0x0], $0xffff  }
0x45: {  	v7 =	vmul.f32 v7, v9;
	v4 =	vmul.f32 v4, v11;
	_ =	sdelay $0x1  }
0x46: {  	v5 =	vmul.f32 v5, v6;
	v4 =	vadd.f32 v4, v7;
	_ =	sdelay $0x1  }
0x47: {  	v4 =	vadd.f32 v5, v4;
	v5 =	vmul.f32 v8, v10;
	_ =	sdelay $0x1  }
0x48: {  	v4 =	vadd.f32 v5, v4;
	_ =	sdelay $0x1  }
0x49: {  	v4 =	vmul.f32 $1.767766920e-01, v4;
	_ =	sdelay $0x1  }
0x4a: {  	v4 =	vmul.f32 $1.442695020e+00, v4;
	_ =	sdelay $0x1  }
0x4b: {  	(erf) = vpow2.f32 v4;
	_ =	sdelay $0x5  }
0x4c: {  	v4 =	vor.u32 $0x1, v3  }
0x4d: {  	v5 =	vor.u32 $0x4, v1  }
0x4e: {  	v6 =	vor.u32 $0x3, v2  }
0x4f: {  	v7 =	vor.u32 $0x5, v1;
	v8 =	vpop (erf)  }
0x50: {  	v10 =	vor.u32 $0x4, v2;
	[tilespmem:v3+s0+$0x0] =	vst.idx.msk $0xffff, v8  }
0x51: {  	v8 =	vor.u32 $0x6, v1;
	v9 =	vld.idx.msk [tilespmem:v4+s3+$0x0], $0xffff  }
0x52: {  	v11 =	vor.u32 $0x7, v1;
	v5 =	vld.idx.msk [tilespmem:v5+s24+$0x0], $0xffff  }
0x53: {  	v12 =	vor.u32 $0x5, v2;
	v6 =	vld.idx.msk [tilespmem:v6+s18+$0x0], $0xffff  }
0x54: {  	v7 =	vld.idx.msk [tilespmem:v7+s24+$0x0], $0xffff  }
0x55: {  	v10 =	vld.idx.msk [tilespmem:v10+s18+$0x0], $0xffff  }
0x56: {  	v8 =	vld.idx.msk [tilespmem:v8+s24+$0x0], $0xffff  }
0x57: {  	v11 =	vld.idx.msk [tilespmem:v11+s24+$0x0], $0xffff  }
0x58: {  	v12 =	vld.idx.msk [tilespmem:v12+s18+$0x0], $0xffff  }
0x59: {  	v5 =	vmul.f32 v5, v9;
	v6 =	vmul.f32 v7, v6;
	_ =	sdelay $0x1  }
0x5a: {  	v5 =	vadd.f32 v6, v5;
	v6 =	vmul.f32 v8, v10;
	_ =	sdelay $0x1  }
0x5b: {  	v5 =	vadd.f32 v6, v5;
	v6 =	vmul.f32 v11, v12;
	_ =	sdelay $0x1  }
0x5c: {  	v5 =	vadd.f32 v6, v5;
	_ =	sdelay $0x1  }
0x5d: {  	v5 =	vmul.f32 $1.767766920e-01, v5;
	_ =	sdelay $0x1  }
0x5e: {  	v5 =	vmul.f32 $1.442695020e+00, v5;
	_ =	sdelay $0x1  }
0x5f: {  	(erf) = vpow2.f32 v5;
	_ =	sdelay $0x5  }
0x60: {  	v5 =	vor.u32 $0x9, v1  }
0x61: {  	v6 =	vor.u32 $0x8, v1  }
0x62: {  	v7 =	vor.u32 $0x6, v2  }
0x63: {  	v8 =	vor.u32 $0x2, v3;
	v9 =	vpop (erf)  }
0x64: {  	[tilespmem:v4+s0+$0x0] =	vst.idx.msk $0xffff, v9;
	v4 =	vor.u32 $0xA, v1  }
0x65: {  	v9 =	vor.u32 $0x7, v2;
	v5 =	vld.idx.msk [tilespmem:v5+s24+$0x0], $0xffff  }
0x66: {  	v10 =	vor.u32 $0xB, v1;
	v6 =	vld.idx.msk [tilespmem:v6+s24+$0x0], $0xffff  }
0x67: {  	v11 =	vadd.s32 $0x8, v2;
	v7 =	vld.idx.msk [tilespmem:v7+s18+$0x0], $0xffff  }
0x68: {  	v59 =	vld.idx.msk [tilespmem:v8+s3+$0x0], $0xffff  }
0x69: {  	v4 =	vld.idx.msk [tilespmem:v4+s24+$0x0], $0xffff  }
0x6a: {  	v9 =	vld.idx.msk [tilespmem:v9+s18+$0x0], $0xffff  }
0x6b: {  	v10 =	vld.idx.msk [tilespmem:v10+s24+$0x0], $0xffff  }
0x6c: {  	v11 =	vld.idx.msk [tilespmem:v11+s18+$0x0], $0xffff  }
0x6d: {  	v5 =	vmul.f32 v5, v7;
	v6 =	vmul.f32 v6, v59;
	_ =	sdelay $0x1  }
0x6e: {  	v5 =	vadd.f32 v5, v6;
	v4 =	vmul.f32 v4, v9;
	_ =	sdelay $0x1  }
0x6f: {  	v4 =	vadd.f32 v4, v5;
	v5 =	vmul.f32 v10, v11;
	_ =	sdelay $0x1  }
0x70: {  	v4 =	vadd.f32 v5, v4;
	_ =	sdelay $0x1  }
0x71: {  	v4 =	vmul.f32 $1.767766920e-01, v4;
	_ =	sdelay $0x1  }
0x72: {  	v4 =	vmul.f32 $1.442695020e+00, v4;
	_ =	sdelay $0x1  }
0x73: {  	(erf) = vpow2.f32 v4;
	_ =	sdelay $0x5  }
0x74: {  	v4 =	vor.u32 $0xD, v1  }
0x75: {  	v5 =	vor.u32 $0x3, v3  }
0x76: {  	v6 =	vor.u32 $0xC, v1  }
0x77: {  	v7 =	vadd.s32 $0x9, v2;
	v9 =	vpop (erf)  }
0x78: {  	[tilespmem:v8+s0+$0x0] =	vst.idx.msk $0xffff, v9;
	v8 =	vadd.s32 $0xA, v2  }
0x79: {  	v9 =	vor.u32 $0xE, v1;
	v4 =	vld.idx.msk [tilespmem:v4+s24+$0x0], $0xffff  }
0x7a: {  	v11 =	vor.u32 $0xF, v1;
	v10 =	vld.idx.msk [tilespmem:v5+s3+$0x0], $0xffff  }
0x7b: {  	v60 =	vadd.s32 $0xB, v2;
	v6 =	vld.idx.msk [tilespmem:v6+s24+$0x0], $0xffff  }
0x7c: {  	v7 =	vld.idx.msk [tilespmem:v7+s18+$0x0], $0xffff  }
0x7d: {  	v8 =	vld.idx.msk [tilespmem:v8+s18+$0x0], $0xffff  }
0x7e: {  	v9 =	vld.idx.msk [tilespmem:v9+s24+$0x0], $0xffff  }
0x7f: {  	v11 =	vld.idx.msk [tilespmem:v11+s24+$0x0], $0xffff  }
0x80: {  	v12 =	vld.idx.msk [tilespmem:v60+s18+$0x0], $0xffff  }
0x81: {  	v6 =	vmul.f32 v6, v10;
	v4 =	vmul.f32 v4, v7;
	_ =	sdelay $0x1  }
0x82: {  	v4 =	vadd.f32 v4, v6;
	v6 =	vmul.f32 v9, v8;
	_ =	sdelay $0x1  }
0x83: {  	v4 =	vadd.f32 v6, v4;
	v6 =	vmul.f32 v11, v12;
	_ =	sdelay $0x1  }
0x84: {  	v4 =	vadd.f32 v6, v4;
	_ =	sdelay $0x1  }
0x85: {  	v4 =	vmul.f32 $1.767766920e-01, v4;
	_ =	sdelay $0x1  }
0x86: {  	v4 =	vmul.f32 $1.442695020e+00, v4;
	_ =	sdelay $0x1  }
0x87: {  	(erf) = vpow2.f32 v4;
	_ =	sdelay $0x5  }
0x88: {  	v4 =	vor.u32 $0x10, v1  }
0x89: {  	v6 =	vor.u32 $0x11, v1  }
0x8a: {  	v7 =	vadd.s32 $0xC, v2  }
0x8b: {  	v8 =	vor.u32 $0x4, v3;
	v9 =	vpop (erf)  }
0x8c: {  	[tilespmem:v5+s0+$0x0] =	vst.idx.msk $0xffff, v9;
	v5 =	vor.u32 $0x12, v1  }
0x8d: {  	v9 =	vadd.s32 $0xD, v2;
	v4 =	vld.idx.msk [tilespmem:v4+s24+$0x0], $0xffff  }
0x8e: {  	v10 =	vor.u32 $0x13, v1;
	v6 =	vld.idx.msk [tilespmem:v6+s24+$0x0], $0xffff  }
0x8f: {  	v11 =	vadd.s32 $0xE, v2;
	v7 =	vld.idx.msk [tilespmem:v7+s18+$0x0], $0xffff  }
0x90: {  	v61 =	vld.idx.msk [tilespmem:v8+s3+$0x0], $0xffff  }
0x91: {  	v5 =	vld.idx.msk [tilespmem:v5+s24+$0x0], $0xffff  }
0x92: {  	v9 =	vld.idx.msk [tilespmem:v9+s18+$0x0], $0xffff  }
0x93: {  	v10 =	vld.idx.msk [tilespmem:v10+s24+$0x0], $0xffff  }
0x94: {  	v11 =	vld.idx.msk [tilespmem:v11+s18+$0x0], $0xffff  }
0x95: {  	v6 =	vmul.f32 v6, v7;
	v4 =	vmul.f32 v4, v61;
	_ =	sdelay $0x1  }
0x96: {  	v4 =	vadd.f32 v6, v4;
	v5 =	vmul.f32 v5, v9;
	_ =	sdelay $0x1  }
0x97: {  	v4 =	vadd.f32 v5, v4;
	v5 =	vmul.f32 v10, v11;
	_ =	sdelay $0x1  }
0x98: {  	v4 =	vadd.f32 v5, v4;
	_ =	sdelay $0x1  }
0x99: {  	v4 =	vmul.f32 $1.767766920e-01, v4;
	_ =	sdelay $0x1  }
0x9a: {  	v4 =	vmul.f32 $1.442695020e+00, v4;
	_ =	sdelay $0x1  }
0x9b: {  	(erf) = vpow2.f32 v4;
	_ =	sdelay $0x5  }
0x9c: {  	v4 =	vor.u32 $0x15, v1  }
0x9d: {  	v5 =	vadd.s32 $0xF, v2  }
0x9e: {  	v6 =	vor.u32 $0x5, v3  }
0x9f: {  	v7 =	vor.u32 $0x14, v1;
	v9 =	vpop (erf)  }
0xa0: {  	[tilespmem:v8+s0+$0x0] =	vst.idx.msk $0xffff, v9;
	v8 =	vadd.s32 $0x10, v2  }
0xa1: {  	v9 =	vor.u32 $0x16, v1;
	v4 =	vld.idx.msk [tilespmem:v4+s24+$0x0], $0xffff  }
0xa2: {  	v10 =	vadd.s32 $0x11, v2;
	v5 =	vld.idx.msk [tilespmem:v5+s18+$0x0], $0xffff  }
0xa3: {  	v62 =	vor.u32 $0x17, v1;
	v11 =	vld.idx.msk [tilespmem:v6+s3+$0x0], $0xffff  }
0xa4: {  	v7 =	vld.idx.msk [tilespmem:v7+s24+$0x0], $0xffff  }
0xa5: {  	v8 =	vld.idx.msk [tilespmem:v8+s18+$0x0], $0xffff  }
0xa6: {  	v9 =	vld.idx.msk [tilespmem:v9+s24+$0x0], $0xffff  }
0xa7: {  	v10 =	vld.idx.msk [tilespmem:v10+s18+$0x0], $0xffff  }
0xa8: {  	v12 =	vld.idx.msk [tilespmem:v62+s24+$0x0], $0xffff  }
0xa9: {  	v4 =	vmul.f32 v4, v5;
	v5 =	vmul.f32 v7, v11;
	_ =	sdelay $0x1  }
0xaa: {  	v4 =	vadd.f32 v4, v5;
	v5 =	vmul.f32 v9, v8;
	_ =	sdelay $0x1  }
0xab: {  	v4 =	vadd.f32 v5, v4;
	v5 =	vmul.f32 v12, v10;
	_ =	sdelay $0x1  }
0xac: {  	v4 =	vadd.f32 v5, v4;
	_ =	sdelay $0x1  }
0xad: {  	v4 =	vmul.f32 $1.767766920e-01, v4;
	_ =	sdelay $0x1  }
0xae: {  	v4 =	vmul.f32 $1.442695020e+00, v4;
	_ =	sdelay $0x1  }
0xaf: {  	(erf) = vpow2.f32 v4;
	_ =	sdelay $0x5  }
0xb0: {  	v4 =	vor.u32 $0x19, v1  }
0xb1: {  	v5 =	vor.u32 $0x6, v3  }
0xb2: {  	v7 =	vor.u32 $0x18, v1  }
0xb3: {  	v8 =	vadd.s32 $0x12, v2;
	v9 =	vpop (erf)  }
0xb4: {  	[tilespmem:v6+s0+$0x0] =	vst.idx.msk $0xffff, v9;
	v6 =	vadd.s32 $0x13, v2  }
0xb5: {  	v9 =	vor.u32 $0x1A, v1;
	v4 =	vld.idx.msk [tilespmem:v4+s24+$0x0], $0xffff  }
0xb6: {  	v11 =	vadd.s32 $0x14, v2;
	v10 =	vld.idx.msk [tilespmem:v5+s3+$0x0], $0xffff  }
0xb7: {  	v63 =	vor.u32 $0x1B, v1;
	v7 =	vld.idx.msk [tilespmem:v7+s24+$0x0], $0xffff  }
0xb8: {  	v8 =	vld.idx.msk [tilespmem:v8+s18+$0x0], $0xffff  }
0xb9: {  	v6 =	vld.idx.msk [tilespmem:v6+s18+$0x0], $0xffff  }
0xba: {  	v9 =	vld.idx.msk [tilespmem:v9+s24+$0x0], $0xffff  }
0xbb: {  	v11 =	vld.idx.msk [tilespmem:v11+s18+$0x0], $0xffff  }
0xbc: {  	v12 =	vld.idx.msk [tilespmem:v63+s24+$0x0], $0xffff  }
0xbd: {  	v7 =	vmul.f32 v7, v10;
	v4 =	vmul.f32 v4, v8;
	_ =	sdelay $0x1  }
0xbe: {  	v4 =	vadd.f32 v4, v7;
	v6 =	vmul.f32 v9, v6;
	_ =	sdelay $0x1  }
0xbf: {  	v4 =	vadd.f32 v6, v4;
	v6 =	vmul.f32 v12, v11;
	_ =	sdelay $0x1  }
0xc0: {  	v4 =	vadd.f32 v6, v4;
	_ =	sdelay $0x1  }
0xc1: {  	v4 =	vmul.f32 $1.767766920e-01, v4;
	_ =	sdelay $0x1  }
0xc2: {  	v4 =	vmul.f32 $1.442695020e+00, v4;
	_ =	sdelay $0x1  }
0xc3: {  	(erf) = vpow2.f32 v4;
	_ =	sdelay $0x5  }
0xc4: {  	v6 =	vadd.s32 $0x16, v2  }
0xc5: {  	v7 =	vor.u32 $0x1E, v1  }
0xc6: {  	v8 =	vor.u32 $0x1D, v1  }
0xc7: {  	v9 =	vor.u32 $0x1C, v1;
	v4 =	vor.u32 $0x7, v3;
	v3 =	vpop (erf)  }
0xc8: {  	[tilespmem:v5+s0+$0x0] =	vst.idx.msk $0xffff, v3  }
0xc9: {  	v3 =	vld.idx.msk [tilespmem:v6+s18+$0x0], $0xffff  }
0xca: {  	v6 =	vld.idx.msk [tilespmem:v7+s24+$0x0], $0xffff  }
0xcb: {  	v10 =	vadd.s32 $0x15, v2;
	v7 =	vld.idx.msk [tilespmem:v8+s24+$0x0], $0xffff  }
0xcc: {  	v8 =	vld.idx.msk [tilespmem:v9+s24+$0x0], $0xffff;
	v9 =	vadd.s32 $0x17, v2  }
0xcd: {  	v2 =	vor.u32 $0x1F, v1;
	_ =	sdelay $0x1  }
0xce: {  	v5 =	vld.idx.msk [tilespmem:v4+s3+$0x0], $0xffff  }
0xcf: {  	s20 =	simm.s32 $0x10;
	v1 =	vld.idx.msk [tilespmem:v10+s18+$0x0], $0xffff  }
.LBB2_3:
0xd0: {  	p0 =	sne.s32 s20, $0x180;
	v9 =	vld.idx.msk [tilespmem:v9+s18+$0x0], $0xffff;
	s23 =	smov.u32 s20;
	s20 =	sadd.s32 $0x10, s20  }
0xd1: {  	v2 =	vld.idx.msk [tilespmem:v2+s24+$0x0], $0xffff;
	_ =	sdelay $0x2  }
0xd2: {  	v3 =	vmul.f32 v6, v3;
	v5 =	vmul.f32 v8, v5  }
0xd3: {  	v1 =	vmul.f32 v7, v1;
	_ =	sdelay $0x1  }
0xd4: {  	v1 =	vadd.f32 v1, v5;
	v2 =	vmul.f32 v2, v9;
	_ =	sdelay $0x1  }
0xd5: {  	v1 =	vadd.f32 v3, v1;
	_ =	sdelay $0x1  }
0xd6: {  	v1 =	vadd.f32 v2, v1;
	_ =	sdelay $0x1  }
0xd7: {  	v1 =	vmul.f32 $1.767766920e-01, v1;
	_ =	sdelay $0x1  }
0xd8: {  	v1 =	vmul.f32 $1.442695020e+00, v1;
	_ =	sdelay $0x1  }
0xd9: {  	(erf) = vpow2.f32 v1;
	_ =	sdelay $0x4  }
0xda: {  	v3 =	vor.u32 s23, v0  }
0xdb: {  	v2 =	vmul.u32 $0x18, v3;
	v1 =	vshll.u32 v3, $0x5  }
0xdc: {  	v3 =	vshll.u32 v3, $0x3;
	v5 =	vor.u32 $0x1, v1;
	v6 =	vor.u32 $0x2, v1  }
0xdd: {  	v7 =	vor.u32 $0x1, v2;
	v8 =	vor.u32 $0x2, v2;
	v9 =	vor.u32 $0x3, v1  }
0xde: {  	v10 =	vpop (erf)  }
0xdf: {  	[tilespmem:v4+s0+$0x0] =	vst.idx.msk $0xffff, v10  }
0xe0: {  	v4 =	vld.idx.msk [tilespmem:v1+s24+$0x0], $0xffff  }
0xe1: {  	v6 =	vld.idx.msk [tilespmem:v6+s24+$0x0], $0xffff  }
0xe2: {  	v10 =	vld.idx.msk [tilespmem:v3+s3+$0x0], $0xffff  }
0xe3: {  	v11 =	vld.idx.msk [tilespmem:v2+s18+$0x0], $0xffff  }
0xe4: {  	v7 =	vld.idx.msk [tilespmem:v7+s18+$0x0], $0xffff  }
0xe5: {  	v5 =	vld.idx.msk [tilespmem:v5+s24+$0x0], $0xffff;
	_ =	sdelay $0x2  }
0xe6: {  	v4 =	vmul.f32 v4, v10;
	v9 =	vld.idx.msk [tilespmem:v9+s24+$0x0], $0xffff  }
0xe7: {  	v8 =	vld.idx.msk [tilespmem:v8+s18+$0x0], $0xffff  }
0xe8: {  	v6 =	vmul.f32 v6, v7  }
0xe9: {  	v5 =	vmul.f32 v5, v11;
	_ =	sdelay $0x1  }
0xea: {  	v4 =	vadd.f32 v5, v4;
	_ =	sdelay $0x1  }
0xeb: {  	v4 =	vadd.f32 v6, v4;
	v5 =	vmul.f32 v9, v8;
	_ =	sdelay $0x1  }
0xec: {  	v4 =	vadd.f32 v5, v4;
	_ =	sdelay $0x1  }
0xed: {  	v4 =	vmul.f32 $1.767766920e-01, v4;
	_ =	sdelay $0x1  }
0xee: {  	v4 =	vmul.f32 $1.442695020e+00, v4;
	_ =	sdelay $0x1  }
0xef: {  	(erf) = vpow2.f32 v4;
	_ =	sdelay $0x5  }
0xf0: {  	v4 =	vor.u32 $0x1, v3  }
0xf1: {  	v5 =	vor.u32 $0x4, v1  }
0xf2: {  	v6 =	vor.u32 $0x3, v2  }
0xf3: {  	v7 =	vor.u32 $0x5, v1;
	v8 =	vpop (erf)  }
0xf4: {  	[tilespmem:v3+s0+$0x0] =	vst.idx.msk $0xffff, v8;
	v8 =	vor.u32 $0x6, v1  }
0xf5: {  	v10 =	vor.u32 $0x4, v2;
	v9 =	vld.idx.msk [tilespmem:v4+s3+$0x0], $0xffff  }
0xf6: {  	v11 =	vor.u32 $0x7, v1;
	v5 =	vld.idx.msk [tilespmem:v5+s24+$0x0], $0xffff  }
0xf7: {  	v12 =	vor.u32 $0x5, v2;
	v6 =	vld.idx.msk [tilespmem:v6+s18+$0x0], $0xffff  }
0xf8: {  	v7 =	vld.idx.msk [tilespmem:v7+s24+$0x0], $0xffff  }
0xf9: {  	v8 =	vld.idx.msk [tilespmem:v8+s24+$0x0], $0xffff  }
0xfa: {  	v10 =	vld.idx.msk [tilespmem:v10+s18+$0x0], $0xffff  }
0xfb: {  	v11 =	vld.idx.msk [tilespmem:v11+s24+$0x0], $0xffff  }
0xfc: {  	v5 =	vmul.f32 v5, v9;
	v9 =	vld.idx.msk [tilespmem:v12+s18+$0x0], $0xffff;
	_ =	sdelay $0x1  }
0xfd: {  	v6 =	vmul.f32 v7, v6;
	_ =	sdelay $0x1  }
0xfe: {  	v5 =	vadd.f32 v6, v5;
	v6 =	vmul.f32 v8, v10;
	_ =	sdelay $0x1  }
0xff: {  	v5 =	vadd.f32 v6, v5;
	v6 =	vmul.f32 v11, v9;
	_ =	sdelay $0x1  }
0x100: {  	v5 =	vadd.f32 v6, v5;
	_ =	sdelay $0x1  }
0x101: {  	v5 =	vmul.f32 $1.767766920e-01, v5;
	_ =	sdelay $0x1  }
0x102: {  	v5 =	vmul.f32 $1.442695020e+00, v5;
	_ =	sdelay $0x1  }
0x103: {  	(erf) = vpow2.f32 v5;
	_ =	sdelay $0x5  }
0x104: {  	v5 =	vor.u32 $0x9, v1  }
0x105: {  	v6 =	vor.u32 $0x8, v1  }
0x106: {  	v7 =	vor.u32 $0x6, v2  }
0x107: {  	v8 =	vor.u32 $0x2, v3;
	v9 =	vpop (erf)  }
0x108: {  	[tilespmem:v4+s0+$0x0] =	vst.idx.msk $0xffff, v9;
	v4 =	vor.u32 $0xA, v1  }
0x109: {  	v9 =	vor.u32 $0x7, v2;
	v5 =	vld.idx.msk [tilespmem:v5+s24+$0x0], $0xffff  }
0x10a: {  	v10 =	vor.u32 $0xB, v1;
	v6 =	vld.idx.msk [tilespmem:v6+s24+$0x0], $0xffff  }
0x10b: {  	v11 =	vadd.s32 $0x8, v2;
	v7 =	vld.idx.msk [tilespmem:v7+s18+$0x0], $0xffff  }
0x10c: {  	v12 =	vld.idx.msk [tilespmem:v8+s3+$0x0], $0xffff  }
0x10d: {  	v4 =	vld.idx.msk [tilespmem:v4+s24+$0x0], $0xffff  }
0x10e: {  	v9 =	vld.idx.msk [tilespmem:v9+s18+$0x0], $0xffff  }
0x10f: {  	v10 =	vld.idx.msk [tilespmem:v10+s24+$0x0], $0xffff  }
0x110: {  	v11 =	vld.idx.msk [tilespmem:v11+s18+$0x0], $0xffff  }
0x111: {  	v5 =	vmul.f32 v5, v7  }
0x112: {  	v6 =	vmul.f32 v6, v12;
	_ =	sdelay $0x1  }
0x113: {  	v5 =	vadd.f32 v5, v6;
	v4 =	vmul.f32 v4, v9;
	_ =	sdelay $0x1  }
0x114: {  	v4 =	vadd.f32 v4, v5;
	v5 =	vmul.f32 v10, v11;
	_ =	sdelay $0x1  }
0x115: {  	v4 =	vadd.f32 v5, v4;
	_ =	sdelay $0x1  }
0x116: {  	v4 =	vmul.f32 $1.767766920e-01, v4;
	_ =	sdelay $0x1  }
0x117: {  	v4 =	vmul.f32 $1.442695020e+00, v4;
	_ =	sdelay $0x1  }
0x118: {  	(erf) = vpow2.f32 v4;
	_ =	sdelay $0x5  }
0x119: {  	v4 =	vor.u32 $0xD, v1  }
0x11a: {  	v5 =	vor.u32 $0x3, v3  }
0x11b: {  	v6 =	vor.u32 $0xC, v1  }
0x11c: {  	v7 =	vadd.s32 $0x9, v2;
	v9 =	vpop (erf)  }
0x11d: {  	[tilespmem:v8+s0+$0x0] =	vst.idx.msk $0xffff, v9;
	v8 =	vadd.s32 $0xA, v2  }
0x11e: {  	v9 =	vor.u32 $0xE, v1;
	v4 =	vld.idx.msk [tilespmem:v4+s24+$0x0], $0xffff  }
0x11f: {  	v11 =	vor.u32 $0xF, v1;
	v10 =	vld.idx.msk [tilespmem:v5+s3+$0x0], $0xffff  }
0x120: {  	v12 =	vadd.s32 $0xB, v2;
	v6 =	vld.idx.msk [tilespmem:v6+s24+$0x0], $0xffff  }
0x121: {  	v7 =	vld.idx.msk [tilespmem:v7+s18+$0x0], $0xffff  }
0x122: {  	v8 =	vld.idx.msk [tilespmem:v8+s18+$0x0], $0xffff  }
0x123: {  	v9 =	vld.idx.msk [tilespmem:v9+s24+$0x0], $0xffff  }
0x124: {  	v11 =	vld.idx.msk [tilespmem:v11+s24+$0x0], $0xffff  }
0x125: {  	v12 =	vld.idx.msk [tilespmem:v12+s18+$0x0], $0xffff  }
0x126: {  	v6 =	vmul.f32 v6, v10  }
0x127: {  	v4 =	vmul.f32 v4, v7;
	_ =	sdelay $0x1  }
0x128: {  	v4 =	vadd.f32 v4, v6;
	v6 =	vmul.f32 v9, v8;
	_ =	sdelay $0x1  }
0x129: {  	v4 =	vadd.f32 v6, v4;
	v6 =	vmul.f32 v11, v12;
	_ =	sdelay $0x1  }
0x12a: {  	v4 =	vadd.f32 v6, v4;
	_ =	sdelay $0x1  }
0x12b: {  	v4 =	vmul.f32 $1.767766920e-01, v4;
	_ =	sdelay $0x1  }
0x12c: {  	v4 =	vmul.f32 $1.442695020e+00, v4;
	_ =	sdelay $0x1  }
0x12d: {  	(erf) = vpow2.f32 v4;
	_ =	sdelay $0x5  }
0x12e: {  	v4 =	vor.u32 $0x10, v1  }
0x12f: {  	v6 =	vor.u32 $0x11, v1  }
0x130: {  	v7 =	vadd.s32 $0xC, v2  }
0x131: {  	v8 =	vor.u32 $0x4, v3;
	v9 =	vpop (erf)  }
0x132: {  	[tilespmem:v5+s0+$0x0] =	vst.idx.msk $0xffff, v9;
	v5 =	vor.u32 $0x12, v1  }
0x133: {  	v9 =	vadd.s32 $0xD, v2;
	v4 =	vld.idx.msk [tilespmem:v4+s24+$0x0], $0xffff  }
0x134: {  	v10 =	vor.u32 $0x13, v1;
	v6 =	vld.idx.msk [tilespmem:v6+s24+$0x0], $0xffff  }
0x135: {  	v11 =	vadd.s32 $0xE, v2;
	v7 =	vld.idx.msk [tilespmem:v7+s18+$0x0], $0xffff  }
0x136: {  	v12 =	vld.idx.msk [tilespmem:v8+s3+$0x0], $0xffff  }
0x137: {  	v5 =	vld.idx.msk [tilespmem:v5+s24+$0x0], $0xffff  }
0x138: {  	v9 =	vld.idx.msk [tilespmem:v9+s18+$0x0], $0xffff  }
0x139: {  	v10 =	vld.idx.msk [tilespmem:v10+s24+$0x0], $0xffff  }
0x13a: {  	v11 =	vld.idx.msk [tilespmem:v11+s18+$0x0], $0xffff  }
0x13b: {  	v6 =	vmul.f32 v6, v7  }
0x13c: {  	v4 =	vmul.f32 v4, v12;
	_ =	sdelay $0x1  }
0x13d: {  	v4 =	vadd.f32 v6, v4;
	v5 =	vmul.f32 v5, v9;
	_ =	sdelay $0x1  }
0x13e: {  	v4 =	vadd.f32 v5, v4;
	v5 =	vmul.f32 v10, v11;
	_ =	sdelay $0x1  }
0x13f: {  	v4 =	vadd.f32 v5, v4;
	_ =	sdelay $0x1  }
0x140: {  	v4 =	vmul.f32 $1.767766920e-01, v4;
	_ =	sdelay $0x1  }
0x141: {  	v4 =	vmul.f32 $1.442695020e+00, v4;
	_ =	sdelay $0x1  }
0x142: {  	(erf) = vpow2.f32 v4;
	_ =	sdelay $0x5  }
0x143: {  	v4 =	vor.u32 $0x15, v1  }
0x144: {  	v5 =	vadd.s32 $0xF, v2  }
0x145: {  	v6 =	vor.u32 $0x5, v3  }
0x146: {  	v7 =	vor.u32 $0x14, v1;
	v9 =	vpop (erf)  }
0x147: {  	[tilespmem:v8+s0+$0x0] =	vst.idx.msk $0xffff, v9;
	v8 =	vadd.s32 $0x10, v2  }
0x148: {  	v9 =	vor.u32 $0x16, v1;
	v4 =	vld.idx.msk [tilespmem:v4+s24+$0x0], $0xffff  }
0x149: {  	v10 =	vadd.s32 $0x11, v2;
	v5 =	vld.idx.msk [tilespmem:v5+s18+$0x0], $0xffff  }
0x14a: {  	v12 =	vor.u32 $0x17, v1;
	v11 =	vld.idx.msk [tilespmem:v6+s3+$0x0], $0xffff  }
0x14b: {  	v7 =	vld.idx.msk [tilespmem:v7+s24+$0x0], $0xffff  }
0x14c: {  	v8 =	vld.idx.msk [tilespmem:v8+s18+$0x0], $0xffff  }
0x14d: {  	v9 =	vld.idx.msk [tilespmem:v9+s24+$0x0], $0xffff  }
0x14e: {  	v10 =	vld.idx.msk [tilespmem:v10+s18+$0x0], $0xffff  }
0x14f: {  	v4 =	vmul.f32 v4, v5;
	v5 =	vld.idx.msk [tilespmem:v12+s24+$0x0], $0xffff;
	_ =	sdelay $0x1  }
0x150: {  	v7 =	vmul.f32 v7, v11;
	_ =	sdelay $0x1  }
0x151: {  	v4 =	vadd.f32 v4, v7;
	v7 =	vmul.f32 v9, v8;
	_ =	sdelay $0x1  }
0x152: {  	v4 =	vadd.f32 v7, v4;
	v5 =	vmul.f32 v5, v10;
	_ =	sdelay $0x1  }
0x153: {  	v4 =	vadd.f32 v5, v4;
	_ =	sdelay $0x1  }
0x154: {  	v4 =	vmul.f32 $1.767766920e-01, v4;
	_ =	sdelay $0x1  }
0x155: {  	v4 =	vmul.f32 $1.442695020e+00, v4;
	_ =	sdelay $0x1  }
0x156: {  	(erf) = vpow2.f32 v4;
	_ =	sdelay $0x5  }
0x157: {  	v4 =	vor.u32 $0x19, v1  }
0x158: {  	v5 =	vor.u32 $0x6, v3  }
0x159: {  	v7 =	vor.u32 $0x18, v1  }
0x15a: {  	v8 =	vadd.s32 $0x12, v2;
	v9 =	vpop (erf)  }
0x15b: {  	[tilespmem:v6+s0+$0x0] =	vst.idx.msk $0xffff, v9;
	v6 =	vadd.s32 $0x13, v2  }
0x15c: {  	v9 =	vor.u32 $0x1A, v1;
	v4 =	vld.idx.msk [tilespmem:v4+s24+$0x0], $0xffff  }
0x15d: {  	v11 =	vadd.s32 $0x14, v2;
	v10 =	vld.idx.msk [tilespmem:v5+s3+$0x0], $0xffff  }
0x15e: {  	v12 =	vor.u32 $0x1B, v1;
	v7 =	vld.idx.msk [tilespmem:v7+s24+$0x0], $0xffff  }
0x15f: {  	v8 =	vld.idx.msk [tilespmem:v8+s18+$0x0], $0xffff  }
0x160: {  	v6 =	vld.idx.msk [tilespmem:v6+s18+$0x0], $0xffff  }
0x161: {  	v9 =	vld.idx.msk [tilespmem:v9+s24+$0x0], $0xffff  }
0x162: {  	v11 =	vld.idx.msk [tilespmem:v11+s18+$0x0], $0xffff  }
0x163: {  	v12 =	vld.idx.msk [tilespmem:v12+s24+$0x0], $0xffff  }
0x164: {  	v7 =	vmul.f32 v7, v10  }
0x165: {  	v4 =	vmul.f32 v4, v8;
	_ =	sdelay $0x1  }
0x166: {  	v4 =	vadd.f32 v4, v7;
	v6 =	vmul.f32 v9, v6;
	_ =	sdelay $0x1  }
0x167: {  	v4 =	vadd.f32 v6, v4;
	v6 =	vmul.f32 v12, v11;
	_ =	sdelay $0x1  }
0x168: {  	v4 =	vadd.f32 v6, v4;
	_ =	sdelay $0x1  }
0x169: {  	v4 =	vmul.f32 $1.767766920e-01, v4;
	_ =	sdelay $0x1  }
0x16a: {  	v4 =	vmul.f32 $1.442695020e+00, v4;
	_ =	sdelay $0x1  }
0x16b: {  	(erf) = vpow2.f32 v4;
	_ =	sdelay $0x5  }
0x16c: {  	v6 =	vadd.s32 $0x16, v2  }
0x16d: {  	v4 =	vor.u32 $0x7, v3  }
0x16e: {  	v7 =	vor.u32 $0x1E, v1  }
0x16f: {  	v8 =	vor.u32 $0x1D, v1;
	v3 =	vpop (erf)  }
0x170: {  	v10 =	vor.u32 $0x1C, v1;
	v11 =	vadd.s32 $0x15, v2;
	[tilespmem:v5+s0+$0x0] =	vst.idx.msk $0xffff, v3  }
0x171: {  	v3 =	vld.idx.msk [tilespmem:v6+s18+$0x0], $0xffff  }
.Ltmp0:
0x172: {  	v9 =	vadd.s32 $0x17, v2;
	v5 =	vld.idx.msk [tilespmem:v4+s3+$0x0], $0xffff;
	(pc) =	sbr.rel @p0 .LBB2_3-.Ltmp0, $4  }
0x173: {  	v2 =	vor.u32 $0x1F, v1;
	v6 =	vld.idx.msk [tilespmem:v7+s24+$0x0], $0xffff  }
0x174: {  	v7 =	vld.idx.msk [tilespmem:v8+s24+$0x0], $0xffff  }
0x175: {  	v8 =	vld.idx.msk [tilespmem:v10+s24+$0x0], $0xffff  }
0x176: {  	v1 =	vld.idx.msk [tilespmem:v11+s18+$0x0], $0xffff  }
0x177: {  	_ =	sdelay $0x3  }
0x178: {  	v9 =	vld.idx.msk [tilespmem:v9+s18+$0x0], $0xffff  }
0x179: {  	v2 =	vld.idx.msk [tilespmem:v2+s24+$0x0], $0xffff  }
0x17a: {  	v5 =	vmul.f32 v8, v5;
	v1 =	vmul.f32 v7, v1;
	_ =	sdelay $0x1  }
0x17b: {  	v3 =	vmul.f32 v6, v3;
	v1 =	vadd.f32 v1, v5;
	_ =	sdelay $0x1  }
0x17c: {  	v2 =	vmul.f32 v2, v9;
	v1 =	vadd.f32 v3, v1;
	_ =	sdelay $0x1  }
0x17d: {  	v1 =	vadd.f32 v2, v1;
	_ =	sdelay $0x1  }
0x17e: {  	v1 =	vmul.f32 $1.767766920e-01, v1;
	_ =	sdelay $0x1  }
0x17f: {  	v1 =	vmul.f32 $1.442695020e+00, v1;
	_ =	sdelay $0x1  }
0x180: {  	(erf) = vpow2.f32 v1;
	_ =	sdelay $0x8  }
0x181: {  	v1 =	vpop (erf)  }
0x182: {  	s19 =	sadd.s32 s8, s19;
	[tilespmem:v4+s0+$0x0] =	vst.idx.msk $0xffff, v1  }
0x183: {  	[hbm4b:s19+s3] =	stream.linear.scatter [tilespmem:s0], [sflag:$0x1], $0xC80, $0x38;
	[tilespmem:$0xD568] =	vst v63  }
0x184: {  	_ =	swait.ge [sflag:s16], $0xC80  }
0x185: {  	[sflag:s16] =	ssyncset.done $0x0  }
0x186: {  	[sflag:s16] =	ssyncadd.s32 $0xFFFFF380  }
0x187: {  	[spmem:s2] =	stream.indirect.scatter.add.f32 [tilespmem:s0], [sflag:$0x1], $0x8, s21, s22, $0xb8;
	[tilespmem:$0xD568] =	vst v63  }
0x188: {  	_ =	swait.ge [sflag:s16], $0x320  }
0x189: {  	[sflag:s16] =	ssyncset.done $0x0  }
0x18a: {  	[sflag:s16] =	ssyncadd.s32 $0xFFFFFCE0  }
0x18b: {  	[spmem:s2] =	stream.indirect.scatter.add.f32 [tilespmem:s17], [sflag:$0x1], $0x8, s1, s22, $0xb8;
	[tilespmem:$0xD568] =	vst v63  }
0x18c: {  	_ =	swait.ge [sflag:s16], $0x320  }
0x18d: {  	[sflag:s16] =	ssyncset.done $0x0  }
0x18e: {  	[sflag:s16] =	ssyncadd.s32 $0xFFFFFCE0  }
0x18f: {  	[spmem:s2] =	stream.indirect.scatter.add.f32 [tilespmem:s13], [sflag:$0x1], $0x8, s9, s22, $0xb8;
	[tilespmem:$0xD568] =	vst v63  }
0x190: {  	s15 =	sadd.s32 $0x1, s15;
	_ =	swait.ge [sflag:s16], $0x320  }
0x191: {  	p0 =	sne.s32 s15, $0x7D;
	[sflag:s16] =	ssyncset.done $0x0  }
.Ltmp1:
0x192: {  	[sflag:s16] =	ssyncadd.s32 $0xFFFFFCE0;
	(pc) =	sbr.rel @p0 .LBB2_2-.Ltmp1, $4  }
0x193: {  	[spmem:s2] =	stream.indirect.scatter.add.f32 [tilespmem:s10], [sflag:$0x1], $0x8, s14, s22, $0xb8;
	[tilespmem:$0xD568] =	vst v63  }
0x194: {  	_ =	swait.ge [sflag:s16], $0x320  }
0x195: {  	[sflag:s16] =	ssyncset.done $0x0  }
0x196: {  	[sflag:s16] =	ssyncadd.s32 $0xFFFFFCE0  }
0x197: {  	[bflag:$0x0] =	sbarrier.arrive $0xFFFF  }
0x198: {  	s19 =	rddreg [dreg:$0x5]  }
0x199: {  	s15 =	rddreg [dreg:$0x6]  }
0x19a: {  	s20 =	rddreg [dreg:$0x8]  }
0x19b: {  	[hbm:s15], [sflag:s19] =	dma.local [spmem:s20], $0xC35  }
0x19c: {  	_ =	swait.ge [sflag:s16], $0xC35  }
0x19d: {  	s23 =	rddreg [dreg:$0x9]  }
0x19e: {  	s25 =	rddreg [dreg:$0x7];
	s23 =	sadd.s32 $0x1, s23  }
0x19f: {  	p0 =	sne.s32 s23, s25  }
.Ltmp2:
0x1a0: {  	_ = 	snop;
	(pc) =	sbr.rel @p0 .LBB2_1-.Ltmp2, $3  }
0x1a1: {  	_ =	sdelay $0x1  }
0x1a2: {  	[sflag:s16] =	ssyncset.done $0x0  }
0x1a3: {  	[sflag:s16] =	ssyncadd.s32 $0xFFFFF3CB  }
0x1a4: {  	_ =	sfence.sel $0x180000  }
0x1a5: {  	[bflag:$0x0] =	sbarrier.arrive $0xFFFF  }
0x1a6: {  	_ =	strace $0x9000004D  }
0x1a7: {  	s0 =	stileid.u32;
	[bflag:$0x2] =	sbarrier.arrive $0xFFFF  }
0x1a8: {  	p0 =	sne.s32 s0, $0x0;
	s0 =	rddreg [dreg:$0x3]  }
0x1a9: {  	s0 =	sadd.s32 @!p0 $0x100000, s0  }
0x1aa: {  	[sflag:s0] =	ssyncadd.tile.s32 @!p0 $0x1;
	_ =	shalt  }
.Lfunc_end2:
_tile_overlayer_lowered:
.L_overlay_start_2:
0x1ab: {  	(tag) =	ssettag $0x2  }
0x1ac: {  	s0 =	rddreg [dreg:$0x0];
	s2 =	stileid.u32  }
0x1ad: {  	s1 =	rddreg [dreg:$0x1];
	p0 =	sne.s32 s2, $0x0  }
0x1ae: {  	s3 =	rddreg [dreg:$0x2];
	[bflag:$0x3] =	sbarrier.arrive $0xFFFF;
	s2 =	simm.s32 @!p0 $0x1C01  }
0x1af: {  	[timem:s3], [sflag:s2] =	dma.local @!p0 [hbm:s0], s1  }
0x1b0: {  	s0 =	simm.s32 @!p0 $0x1  }
0x1b1: {  	_ =	swait.ge @!p0 [sflag:s0], s1  }
0x1b2: {  	s1 =	ssub.s32 @!p0 $0x0, s1;
	[sflag:s0] =	ssyncset.done @!p0 $0x0  }
0x1b3: {  	[sflag:s0] =	ssyncadd.s32 @!p0 s1  }
0x1b4: {  	[bflag:$0x3] =	sbarrier.arrive $0xFFFF  }
0x1b5: {  	_ =	shalt  }

// kernel: kernel.9.cloned.1.call-start
scs
__scs_entry_jumppad:
0x0: {  	(pc) =	sbr.rel $0x88, $3  }
0x1: {  	(tag) =	ssettag $0x0;
	lr =	simm.s32 $0x1  }
0x2: {  	[smem:$0x3F9A] =	sst lr;
	_ =	strace $0xD0000000  }
0x3: {  	_ = 	snop  }
0x4: {  	_ = 	snop  }
0x5: {  	_ = 	snop  }
0x6: {  	_ = 	snop  }
0x7: {  	_ = 	snop  }
__scs_overlays_trampoline_lowered:
0x8: {  	[smem:$0x3FA9] =	sst s0  }
0x9: {  	[smem:$0x3FAA] =	sst s1  }
0xa: {  	[smem:$0x3FAB] =	sst s2  }
0xb: {  	[smem:$0x3FAC] =	sst s3  }
0xc: {  	[smem:$0x3FAD] =	sst s4  }
0xd: {  	[smem:$0x3FAE] =	sst s5  }
0xe: {  	[smem:$0x3FAF] =	sst s6  }
0xf: {  	[smem:$0x3FB0] =	sst s7  }
0x10: {  	[smem:$0x3FB1] =	sst s8  }
0x11: {  	[smem:$0x3FB2] =	sst s9;
	s0 =	simm.s32 @!p0 $0x0  }
0x12: {  	s1 =	sld [smem:$0x3F98];
	s0 =	simm.s32 @p0 $0x1  }
0x13: {  	[smem:$0x3FB3] =	sst s0;
	s0 =	simm.s32 @!p1 $0x0  }
0x14: {  	s2 =	sld [smem:$0x3F97];
	s0 =	simm.s32 @p1 $0x1  }
0x15: {  	[smem:$0x3FB4] =	sst s0;
	s0 =	simm.s32 @!p2 $0x0  }
0x16: {  	s3 =	sld [smem:$0x3FDB];
	s0 =	simm.s32 @p2 $0x1  }
0x17: {  	s4 =	simm.s32 $0x1BF5;
	[smem:$0x3FB6] =	sst s0  }
0x18: {  	s0 =	sld [smem:$0x3F99];
	_ =	swait.ge [sflag:s4], $0x0  }
0x19: {  	s7 =	sld [smem:$0x3F9A]  }
0x1a: {  	s8 =	sadd.s32 $0xFFFFE003, lr  }
0x1b: {  	s9 =	sadd.s32 $0xFFFFFEF7, lr;
	s5 =	simm.s32 $0xFFFFFFFF;
	p2 =	slt.u32 s8, $0xFFFFF086  }
0x1c: {  	p1 =	slt.u32 s9, $0xF7A;
	s5 =	simm.s32 @!p2 $0x0  }
0x1d: {  	s5 =	simm.s32 @p1 $0x1;
	p0 =	seq.s32 s7, s2  }
0x1e: {  	s7 =	smul.u32 @!p0 $0xF7A, s2;
	p2 =	seq.s32 @!p0 s5, $0x0  }
0x1f: {  	s9 =	smul.u32 $0xF7A, s1;
	s8 =	simm.s32 @!p0 $0x1BF5;
	p2 =	por !p2, p0  }
0x20: {  	[sflag:s8] =	ssyncset.s32 @!p0 $0xFFFFF086;
	s6 =	sadd.s32 @!p0 s3, s7;
	s7 =	simm.s32 @!p0 $0x108  }
0x21: {  	s3 =	sadd.s32 s3, s9;
	s6 =	sadd.s32 @!p0 $0x88, s6;
	s7 =	simm.s32 @p2 $0x1082  }
0x22: {  	[simem:s7], [sflag:s8] =	dma.local @!p0 [hbm:s6], $0xF7A  }
0x23: {  	s9 =	sor.u32 $0xD0000000, s2;
	s6 =	simm.s32 $0x108;
	_ =	swait.ge @!p0 [sflag:s8], $0x0  }
0x24: {  	s3 =	sadd.s32 $0x88, s3;
	s6 =	simm.s32 @!p1 $0x1082;
	[sflag:s4] =	ssyncset.s32 $0xFFFFF086  }
0x25: {  	[simem:s6], [sflag:s4] =	dma.local [hbm:s3], $0xF7A  }
0x26: {  	[smem:$0x3F9A] =	sst s1;
	(tag) =	ssettag s2;
	_ =	strace s9  }
0x27: {  	s1 =	sld [smem:$0x3FAA]  }
0x28: {  	s2 =	sld [smem:$0x3FAB]  }
0x29: {  	s4 =	sld [smem:$0x3FAD]  }
0x2a: {  	p0 =	seq.s32 s5, $0x0;
	s5 =	sld [smem:$0x3FAE]  }
0x2b: {  	s6 =	sld [smem:$0x3FAF]  }
0x2c: {  	s7 =	sld [smem:$0x3FB0]  }
0x2d: {  	s3 =	simm.s32 $0x108;
	s8 =	sld [smem:$0x3FB1]  }
0x2e: {  	s3 =	simm.s32 @!p0 $0x1082;
	s9 =	sld [smem:$0x3FB2]  }
0x2f: {  	lr =	sadd.s32 s0, s3;
	s0 =	sld [smem:$0x3FA9]  }
0x30: {  	s3 =	sld [smem:$0x3FAC]  }
0x31: {  	[smem:$0x3FB5] =	sst s10  }
0x32: {  	s10 =	sld [smem:$0x3FB3];
	_ =	sdelay $0x3  }
0x33: {  	p0 =	seq.s32 s10, $0x1;
	s10 =	sld [smem:$0x3FB5];
	_ =	sdelay $0x3  }
0x34: {  	[smem:$0x3FB5] =	sst s10  }
0x35: {  	s10 =	sld [smem:$0x3FB4];
	_ =	sdelay $0x3  }
0x36: {  	p1 =	seq.s32 s10, $0x1;
	s10 =	sld [smem:$0x3FB5];
	_ =	sdelay $0x3  }
0x37: {  	[smem:$0x3FB5] =	sst s10  }
0x38: {  	s10 =	sld [smem:$0x3FB6]  }
0x39: {  	_ = 	snop;
	(pc) =	sbr.ind lr, $3  }
0x3a: {  	_ = 	snop  }
0x3b: {  	_ = 	snop  }
0x3c: {  	p2 =	seq.s32 s10, $0x1;
	s10 =	sld [smem:$0x3FB5]  }
0x3d: {  	_ =	shalt  }
0x3e: {  	_ =	shalt  }
0x3f: {  	_ =	shalt  }
0x40: {  	_ =	shalt  }
0x41: {  	_ =	shalt  }
0x42: {  	_ =	shalt  }
0x43: {  	_ =	shalt  }
0x44: {  	_ =	shalt  }
0x45: {  	_ =	shalt  }
0x46: {  	_ =	shalt  }
0x47: {  	_ =	shalt  }
0x48: {  	_ =	shalt  }
0x49: {  	_ =	shalt  }
0x4a: {  	_ =	shalt  }
0x4b: {  	_ =	shalt  }
0x4c: {  	_ =	shalt  }
0x4d: {  	_ =	shalt  }
0x4e: {  	_ =	shalt  }
0x4f: {  	_ =	shalt  }
0x50: {  	_ =	shalt  }
0x51: {  	_ =	shalt  }
0x52: {  	_ =	shalt  }
0x53: {  	_ =	shalt  }
0x54: {  	_ =	shalt  }
0x55: {  	_ =	shalt  }
0x56: {  	_ =	shalt  }
0x57: {  	_ =	shalt  }
0x58: {  	_ =	shalt  }
0x59: {  	_ =	shalt  }
0x5a: {  	_ =	shalt  }
0x5b: {  	_ =	shalt  }
0x5c: {  	_ =	shalt  }
0x5d: {  	_ =	shalt  }
0x5e: {  	_ =	shalt  }
0x5f: {  	_ =	shalt  }
0x60: {  	_ =	shalt  }
0x61: {  	_ =	shalt  }
0x62: {  	_ =	shalt  }
0x63: {  	_ =	shalt  }
0x64: {  	_ =	shalt  }
0x65: {  	_ =	shalt  }
0x66: {  	_ =	shalt  }
0x67: {  	_ =	shalt  }
0x68: {  	_ =	shalt  }
0x69: {  	_ =	shalt  }
0x6a: {  	_ =	shalt  }
0x6b: {  	_ =	shalt  }
0x6c: {  	_ =	shalt  }
0x6d: {  	_ =	shalt  }
0x6e: {  	_ =	shalt  }
0x6f: {  	_ =	shalt  }
0x70: {  	_ =	shalt  }
0x71: {  	_ =	shalt  }
0x72: {  	_ =	shalt  }
0x73: {  	_ =	shalt  }
0x74: {  	_ =	shalt  }
0x75: {  	_ =	shalt  }
0x76: {  	_ =	shalt  }
0x77: {  	_ =	shalt  }
0x78: {  	_ =	shalt  }
0x79: {  	_ =	shalt  }
0x7a: {  	_ =	shalt  }
0x7b: {  	_ =	shalt  }
0x7c: {  	_ =	shalt  }
0x7d: {  	_ =	shalt  }
0x7e: {  	_ =	shalt  }
0x7f: {  	_ =	shalt  }
0x80: {  	_ =	shalt  }
0x81: {  	_ =	shalt  }
0x82: {  	_ =	shalt  }
0x83: {  	_ =	shalt  }
0x84: {  	_ =	shalt  }
0x85: {  	_ =	shalt  }
0x86: {  	_ =	shalt  }
0x87: {  	_ =	shalt  }
.Lfunc_end0:
.L_simem_size_0:
called_computation.3_lowered:
.L_overlay_start_0:
0x88: {  	s2 =	sld [smem:$0x3FD9]  }
0x89: {  	s3 =	sld [smem:$0x3FFE];
	_ =	sdelay $0x1  }
0x8a: {  	s1 =	srdreg.scid  }
0x8b: {  	s0 =	sand.u32 $0x1, s1  }
0x8c: {  	s14 =	sshll.u32 s0, $0xA;
	s2 =	sadd.s32 s3, s2  }
0x8d: {  	s2 =	sadd.s32 s2, s14  }
0x8e: {  	[smem:$0x3FC1] =	sst s2  }
0x8f: {  	_ = 	snop  }
0x90: {  	s2 =	sld [smem:$0x3FD0];
	_ =	sdelay $0x2  }
0x91: {  	s15 =	simm.s32 $0xB;
	s4 =	simm.s32 $0x10  }
0x92: {  	[smem:s4], [sflag:s15] =	dma.local [hbm:s2], $0x1  }
0x93: {  	_ =	swait.eq [sflag:s15], $0x1  }
0x94: {  	[sflag:s15] =	ssyncset.done $0x0  }
0x95: {  	s16 =	sld [smem:$0x10];
	[sflag:s15] =	ssyncadd.s32 $0xFFFFFFFF  }
0x96: {  	s17 =	sld [smem:$0x11];
	(tm) =	ssettm $0x1  }
0x97: {  	s18 =	sld [smem:$0x3FFB];
	_ =	sdelay $0x3  }
0x98: {  	_ =	strace s18  }
0x99: {  	s4 =	sld [smem:$0x3FFC];
	_ =	sdelay $0x3  }
0x9a: {  	_ =	strace s4  }
0x9b: {  	s4 =	sld [smem:$0x3FFD];
	_ =	sdelay $0x3  }
0x9c: {  	_ =	strace s4  }
0x9d: {  	_ =	strace $0x8FFFFFFF  }
0x9e: {  	s19 =	sld [smem:$0x3FDB];
	_ =	sdelay $0x1  }
0x9f: {  	s5 =	simm.s32 $_scs_section_size  }
0xa0: {  	s6 =	simm.s32 $_size__tile_overlayer_lowered;
	s7 =	simm.s32 $_tile_overlayer_lowered  }
0xa1: {  	s22 =	simm.s32 $0x1BFF;
	s21 =	sshll.u32 s7, $0x1;
	s4 =	sadd.s32 s5, s19  }
0xa2: {  	s8 =	simm.s32 $0x0;
	s20 =	sshll.u32 s6, $0x1;
	s6 =	sadd.s32 s21, s4  }
0xa3: {  	[timem:s8], [sflag:s22] =	dma.local [hbm:s6], s20  }
0xa4: {  	_ =	swait.ge [sflag:s22], s20  }
0xa5: {  	s5 =	ssub.s32 $0x0, s20;
	[sflag:s22] =	ssyncset.done $0x0  }
0xa6: {  	[sflag:s22] =	ssyncadd.s32 s5;
	_ =	sdelay $0x1  }
0xa7: {  	s23 =	simm.s32 $0x1B8B  }
0xa8: {  	_ =	swait.ge [sflag:s23], $0x1  }
0xa9: {  	[sflag:s23] =	ssyncset.done $0x0  }
0xaa: {  	s25 =	simm.s32 $0x1B8E;
	s24 =	sld [smem:$0x3FFE];
	[sflag:s23] =	ssyncadd.s32 $0xFFFFFFFF  }
0xab: {  	s26 =	simm.s32 $execute0_lowered;
	[smem:$0x3FD2] =	sst s25  }
0xac: {  	s6 =	sshll.u32 s26, $0x1;
	_ =	strace $0x8000004F;
	[dreg:$0x1] =	wrdreg $0xFFFFFFFF  }
0xad: {  	s28 =	simm.s32 $_size_execute0_lowered;
	s4 =	sadd.s32 s4, s6;
	[dreg:$0x0] =	wrdreg $0x0  }
0xae: {  	s6 =	sshll.u32 s28, $0x1;
	[dreg:$0x2] =	wrdreg s4  }
0xaf: {  	[dreg:$0x3] =	wrdreg s6  }
0xb0: {  	[dreg:$0x4] =	wrdreg $0xC0  }
0xb1: {  	_ =	task [dreg:s8], $0x5FFFF  }
0xb2: {  	[dreg:$0x1] =	wrdreg $0xFFFFFFFF  }
0xb3: {  	[dreg:$0x0] =	wrdreg $0x60  }
0xb4: {  	[dreg:$0x2] =	wrdreg s24  }
0xb5: {  	[dreg:$0x3] =	wrdreg s16  }
0xb6: {  	[dreg:$0x4] =	wrdreg s17  }
0xb7: {  	[dreg:$0x5] =	wrdreg $0x4E400  }
0xb8: {  	[dreg:$0x6] =	wrdreg $0xAFE80  }
0xb9: {  	[dreg:$0x7] =	wrdreg $0x9  }
0xba: {  	_ =	task.clear_ibuf [dreg:s8], $0x8FFFF;
	_ =	strace $0x9000004F  }
0xbb: {  	s29 =	simm.s32 $0x9;
	_ =	strace $0x80000051  }
0xbc: {  	_ =	swait.ge [sflag:s29], $0x1  }
0xbd: {  	[sflag:s29] =	ssyncadd.s32 $0xFFFFFFFF  }
0xbe: {  	_ =	strace $0x90000051  }
0xbf: {  	_ =	sfence  }
0xc0: {  	s30 =	sld [smem:$0x0];
	_ =	sdelay $0x2  }
0xc1: {  	s31 =	sshll.u32 s1, $0xD;
	s1 =	sshrl.u32 s1, $0x2  }
0xc2: {  	s3 =	sand.u32 $0x4000, s31;
	s1 =	sadd.s32 s1, s30  }
0xc3: {  	s0 =	sor.u32 s3, s0;
	s1 =	sshll.u32 s1, $0x11  }
0xc4: {  	s0 =	sor.u32 s1, s0  }
0xc5: {  	s0 =	sadd.s32 $0x8F2B, s0  }
0xc6: {  	[sflag:s0] =	ssyncadd.remote.s32 $0x1  }
0xc7: {  	_ =	sfence.sel $0xFFFF  }
0xc8: {  	[dreg:$0x0] =	wrdreg $0xFFFFFFFF;
	(pc) =	sbr.abs _section_cstart, $3  }
0xc9: {  	[dreg:$0x1] =	wrdreg $0xFFFFFFFF  }
0xca: {  	_ =	task.clear_ibuf [dreg:s8], $0x2FFFF;
	_ =	strace $0x9FFFFFFF  }
0xcb: {  	(tm) =	ssettm $0x7FFFFFFF  }
tec
execute0_lowered:
.L_overlay_start_1:
0x0: {  	(tag) =	ssettag $0x1  }
0x1: {  	s0 =	rddreg [dreg:$0x0]  }
0x2: {  	s1 =	rddreg [dreg:$0x1]  }
0x3: {  	s3 =	rddreg [dreg:$0x2]  }
0x4: {  	s2 =	rddreg [dreg:$0x3]  }
0x5: {  	s4 =	rddreg [dreg:$0x4];
	s5 =	simm.s32 $0x0;
	s18 =	stileid.u32  }
0x6: {  	s6 =	srdreg.scid;
	s22 =	simm.s32 $0xC80;
	s28 =	simm.s32 $0x64  }
0x7: {  	s29 =	simm.s32 $0x3E80;
	s20 =	simm.s32 $0x12C0;
	s30 =	simm.s32 $0x3520  }
0x8: {  	s19 =	simm.s32 $0x0;
	[smem:$0x7FF] =	sst s5;
	s11 =	smul.u32 $0x124F8, s18  }
0x9: {  	s10 =	sand.u32 $0x1, s6;
	s6 =	sadd.s32 $0x6E5C00, s0;
	s7 =	sadd.s32 $0x20D6600, s0  }
0xa: {  	s13 =	smul.u32 $0x30D4, s18;
	s8 =	sadd.s32 $0x225D000, s0;
	s9 =	sadd.s32 $0x3E00, s0  }
0xb: {  	s15 =	smul.u32 $0x61A8, s18;
	s25 =	sshll.u32 s18, $0x6;
	_ =	strace $0x80000050  }
0xc: {  	s12 =	smul.u32 $0x124F80, s10;
	s14 =	ssub.s32 $0x2, s10;
	s24 =	sshll.u32 s10, $0x4  }
0xd: {  	s10 =	smul.u32 $0x61A80, s10;
	s21 =	sor.u32 $0x1C01, s25;
	s25 =	simm.s32 $0x15E0  }
0xe: {  	s13 =	sadd.s32 s13, s0;
	s23 =	sshrl.u32 s14, $0x1;
	s16 =	sor.u32 s18, s24  }
0xf: {  	s17 =	sadd.s32 s15, s2;
	s18 =	simm.s32 $0x1;
	s24 =	simm.s32 $0x4DD8  }
0x10: {  	[dreg:$0x7] =	wrdreg s21;
	s12 =	sadd.s32 s11, s12;
	s14 =	ssub.s32 s14, s23  }
0x11: {  	s13 =	sadd.s32 $0x6B4E00, s13;
	s10 =	sadd.s32 s15, s10;
	s11 =	sadd.s32 s11, s4  }
0x12: {  	s23 =	simm.s32 $0x1900;
	s15 =	simm.s32 $0x4D08;
	s12 =	sshrl.u32 s12, $0x3  }
0x13: {  	[dreg:$0x6] =	wrdreg s13;
	s10 =	sshrl.u32 s10, $0x3;
	s13 =	smul.u32 $0x1F4, s16  }
0x14: {  	s26 =	smax.u32 s14, $0x1;
	s31 =	sshrl.u32 s11, $0x3;
	s14 =	simm.s32 $0x4CA0  }
0x15: {  	s11 =	simm.s32 $0x2BC0;
	s0 =	sadd.s32 s12, s0;
	[dreg:$0xa] =	wrdreg s26  }
0x16: {  	s12 =	smul.u32 $0xC350, s16;
	s3 =	sadd.s32 s3, s10;
	[dreg:$0xc] =	wrdreg s31  }
0x17: {  	s26 =	simm.s32 $0x4B00;
	[dreg:$0x8] =	wrdreg s3;
	s0 =	sadd.s32 $0x69800, s0  }
0x18: {  	s16 =	simm.s32 $0xFA0;
	s3 =	sshrl.u32 s17, $0x3;
	[dreg:$0x9] =	wrdreg s0  }
0x19: {  	v0 =	vlaneseq.u32;
	s10 =	simm.s32 $0x2260;
	s17 =	simm.s32 $0x4D70;
	[dreg:$0xb] =	wrdreg s3  }
.LBB2_1:
0x1a: {  	[dreg:$0xd] =	wrdreg s19  }
0x1b: {  	s0 =	rddreg [dreg:$0x6];
	s19 =	simm.s32 $0x4  }
0x1c: {  	[spmem:s3@s18], [sflag:s21] =	dma.strided [hbm:s0@s19], $0xC35, s18, $0x1   }
0x1d: {  	_ =	swait.ge [sflag:s18], $0xC35  }
0x1e: {  	[sflag:s18] =	ssyncset.done $0x0  }
0x1f: {  	s3 =	simm.s32 $0x3;
	[sflag:s18] =	ssyncadd.s32 $0xFFFFF3CB  }
0x20: {  	[spmem:s31@s3], [sflag:s21] =	dma.strided [hbm:s0@s19], $0x249F, s18, $0x3   }
0x21: {  	_ =	swait.ge [sflag:s18], $0x249F  }
0x22: {  	[sflag:s18] =	ssyncset.done $0x0  }
0x23: {  	[sflag:s18] =	ssyncadd.s32 $0xFFFFDB61  }
0x24: {  	s19 =	simm.s32 $0x1A0;
	s31 =	simm.s32 $0x0;
	[bflag:$0x0] =	sbarrier.arrive $0xFFFF  }
.LBB2_2:
0x25: {  	s0 =	smul.u32 $0x190, s31;
	_ =	sdelay $0x1  }
0x26: {  	s3 =	sadd.s32 s12, s0  }
0x27: {  	s0 =	simm.s32 $0x0;
	s21 =	sadd.s32 s6, s3  }
0x28: {  	[tilespmem:s0], [sflag:$0x1] =	stream.linear.gather [hbm4b:s21+s0], $0xC80, $0x38;
	[tilespmem:$0x1D4E0] =	vst v63  }
0x29: {  	_ =	swait.ge [sflag:s18], $0xC80  }
0x2a: {  	[sflag:s18] =	ssyncset.done $0x0  }
0x2b: {  	s21 =	sadd.s32 s7, s3;
	[sflag:s18] =	ssyncadd.s32 $0xFFFFF380  }
0x2c: {  	[tilespmem:s22], [sflag:$0x1] =	stream.linear.gather [hbm4b:s21+s0], $0xC80, $0x38;
	[tilespmem:$0x1D4E0] =	vst v63  }
0x2d: {  	s3 =	smul.u32 $0x3, s3;
	_ =	swait.ge [sflag:s18], $0xC80  }
0x2e: {  	s21 =	sshll.u32 s31, $0x2;
	[sflag:s18] =	ssyncset.done $0x0  }
0x2f: {  	s3 =	sadd.s32 s8, s3;
	s21 =	sadd.s32 s13, s21;
	[sflag:s18] =	ssyncadd.s32 $0xFFFFF380  }
0x30: {  	[tilespmem:s23], [sflag:$0x1] =	stream.linear.gather [hbm4b:s3+s0], $0x2580, $0x38;
	[tilespmem:$0x1D4E0] =	vst v63  }
0x31: {  	s21 =	smul.u32 $0xD, s21;
	_ =	swait.ge [sflag:s18], $0x2580  }
0x32: {  	[sflag:s18] =	ssyncset.done $0x0  }
0x33: {  	s3 =	sadd.s32 s9, s21;
	s21 =	simm.s32 $0x196400;
	[sflag:s18] =	ssyncadd.s32 $0xFFFFDA80  }
0x34: {  	[tilespmem:s26], [sflag:$0x1] =	stream.strided.gather [hbm4b:s3+s19], $0x340, s21, s19, $0x38;
	[tilespmem:$0x1D4E0] =	vst v63  }
0x35: {  	_ =	swait.ge [sflag:s18], $0x340  }
0x36: {  	[sflag:s18] =	ssyncset.done $0x0  }
0x37: {  	[sflag:s18] =	ssyncadd.s32 $0xFFFFFCC0  }
0x38: {  	[tilespmem:s29], [sflag:$0x1] =	stream.indirect.gather [hbm4b:s1+s28], $0x8, s26, s28, $0xb8;
	[tilespmem:$0x1D4E0] =	vst v63  }
0x39: {  	_ =	swait.ge [sflag:s18], $0x320  }
0x3a: {  	[sflag:s18] =	ssyncset.done $0x0  }
0x3b: {  	s3 =	simm.s32 $0x4B68;
	s21 =	simm.s32 $0x41A0;
	[sflag:s18] =	ssyncadd.s32 $0xFFFFFCE0  }
0x3c: {  	[tilespmem:s21], [sflag:$0x1] =	stream.indirect.gather [hbm4b:s1+s28], $0x8, s3, s28, $0xb8;
	[tilespmem:$0x1D4E0] =	vst v63  }
0x3d: {  	_ =	swait.ge [sflag:s18], $0x320  }
0x3e: {  	[sflag:s18] =	ssyncset.done $0x0  }
0x3f: {  	s3 =	simm.s32 $0x4BD0;
	s21 =	simm.s32 $0x44C0;
	[sflag:s18] =	ssyncadd.s32 $0xFFFFFCE0  }
0x40: {  	[tilespmem:s21], [sflag:$0x1] =	stream.indirect.gather [hbm4b:s1+s28], $0x8, s3, s28, $0xb8;
	[tilespmem:$0x1D4E0] =	vst v63  }
0x41: {  	_ =	swait.ge [sflag:s18], $0x320  }
0x42: {  	[sflag:s18] =	ssyncset.done $0x0  }
0x43: {  	s3 =	simm.s32 $0x4C38;
	s21 =	simm.s32 $0x47E0;
	[sflag:s18] =	ssyncadd.s32 $0xFFFFFCE0  }
0x44: {  	[tilespmem:s21], [sflag:$0x1] =	stream.indirect.gather [hbm4b:s1+s28], $0x8, s3, s28, $0xb8;
	[tilespmem:$0x1D4E0] =	vst v63  }
0x45: {  	_ =	swait.ge [sflag:s18], $0x320  }
0x46: {  	[sflag:s18] =	ssyncset.done $0x0  }
0x47: {  	[sflag:s18] =	ssyncadd.s32 $0xFFFFFCE0  }
.LBB2_3:
0x48: {  	v1 =	vor.u32 s0, v0  }
0x49: {  	v2 =	vshll.u32 v1, $0x3;
	_ =	sdelay $0x4  }
0x4a: {  	v3 =	vld.idx.msk [tilespmem:v2+s29+$0x0], $0xffff;
	_ =	sdelay $0x4  }
0x4b: {  	(erf) = vrcp.f32 v3;
	_ =	sdelay $0x4  }
0x4c: {  	v3 =	vld.idx.msk [tilespmem:v2+s5+$0x0], $0xffff;
	_ =	sdelay $0x1  }
0x4d: {  	v4 =	vld.idx.msk [tilespmem:v2+s22+$0x0], $0xffff;
	_ =	sdelay $0x1  }
0x4e: {  	v1 =	vmul.u32 $0x18, v1;
	v5 =	vpop (erf)  }
0x4f: {  	v3 =	vmul.f32 v5, v3;
	_ =	sdelay $0x1  }
0x50: {  	v4 =	vmul.f32 v3, v4;
	_ =	sdelay $0x1  }
0x51: {  	[tilespmem:v2+s22+$0x0] =	vst.idx.msk $0xffff, v4  }
0x52: {  	v4 =	vld.idx.msk [tilespmem:v1+s23+$0x0], $0xffff;
	_ =	sdelay $0x2  }
0x53: {  	v23 =	vor.u32 $0x1, v1;
	_ =	sdelay $0x1  }
0x54: {  	v4 =	vmul.f32 v4, v3;
	_ =	sdelay $0x1  }
0x55: {  	[tilespmem:v1+s23+$0x0] =	vst.idx.msk $0xffff, v4  }
0x56: {  	v4 =	vld.idx.msk [tilespmem:v23+s23+$0x0], $0xffff;
	_ =	sdelay $0x2  }
0x57: {  	v6 =	vor.u32 $0x2, v1;
	_ =	sdelay $0x1  }
0x58: {  	v4 =	vmul.f32 v4, v3;
	_ =	sdelay $0x1  }
0x59: {  	[tilespmem:v23+s23+$0x0] =	vst.idx.msk $0xffff, v4  }
0x5a: {  	v4 =	vld.idx.msk [tilespmem:v6+s23+$0x0], $0xffff;
	_ =	sdelay $0x2  }
0x5b: {  	v24 =	vor.u32 $0x1, v2;
	_ =	sdelay $0x1  }
0x5c: {  	v3 =	vmul.f32 v4, v3;
	_ =	sdelay $0x1  }
0x5d: {  	[tilespmem:v6+s23+$0x0] =	vst.idx.msk $0xffff, v3  }
0x5e: {  	v3 =	vld.idx.msk [tilespmem:v24+s29+$0x0], $0xffff;
	_ =	sdelay $0x4  }
0x5f: {  	(erf) = vrcp.f32 v3;
	_ =	sdelay $0x4  }
0x60: {  	v3 =	vld.idx.msk [tilespmem:v24+s5+$0x0], $0xffff;
	_ =	sdelay $0x1  }
0x61: {  	v25 =	vld.idx.msk [tilespmem:v24+s22+$0x0], $0xffff;
	_ =	sdelay $0x1  }
0x62: {  	v26 =	vpop (erf)  }
0x63: {  	v27 =	vor.u32 $0x3, v1;
	v3 =	vmul.f32 v26, v3;
	_ =	sdelay $0x1  }
0x64: {  	v4 =	vmul.f32 v3, v25;
	_ =	sdelay $0x1  }
0x65: {  	[tilespmem:v24+s22+$0x0] =	vst.idx.msk $0xffff, v4  }
0x66: {  	v4 =	vld.idx.msk [tilespmem:v27+s23+$0x0], $0xffff;
	_ =	sdelay $0x2  }
0x67: {  	v28 =	vor.u32 $0x4, v1;
	_ =	sdelay $0x1  }
0x68: {  	v4 =	vmul.f32 v4, v3;
	_ =	sdelay $0x1  }
0x69: {  	[tilespmem:v27+s23+$0x0] =	vst.idx.msk $0xffff, v4  }
0x6a: {  	v4 =	vld.idx.msk [tilespmem:v28+s23+$0x0], $0xffff;
	_ =	sdelay $0x2  }
0x6b: {  	v29 =	vor.u32 $0x5, v1;
	_ =	sdelay $0x1  }
0x6c: {  	v4 =	vmul.f32 v4, v3;
	_ =	sdelay $0x1  }
0x6d: {  	[tilespmem:v28+s23+$0x0] =	vst.idx.msk $0xffff, v4  }
0x6e: {  	v4 =	vld.idx.msk [tilespmem:v29+s23+$0x0], $0xffff;
	_ =	sdelay $0x2  }
0x6f: {  	v30 =	vor.u32 $0x2, v2;
	_ =	sdelay $0x1  }
0x70: {  	v3 =	vmul.f32 v4, v3;
	_ =	sdelay $0x1  }
0x71: {  	[tilespmem:v29+s23+$0x0] =	vst.idx.msk $0xffff, v3  }
0x72: {  	v3 =	vld.idx.msk [tilespmem:v30+s29+$0x0], $0xffff;
	_ =	sdelay $0x4  }
0x73: {  	(erf) = vrcp.f32 v3;
	_ =	sdelay $0x4  }
0x74: {  	v3 =	vld.idx.msk [tilespmem:v30+s5+$0x0], $0xffff;
	_ =	sdelay $0x1  }
0x75: {  	v31 =	vld.idx.msk [tilespmem:v30+s22+$0x0], $0xffff;
	_ =	sdelay $0x1  }
0x76: {  	v32 =	vpop (erf)  }
0x77: {  	v33 =	vor.u32 $0x6, v1;
	v3 =	vmul.f32 v32, v3;
	_ =	sdelay $0x1  }
0x78: {  	v4 =	vmul.f32 v3, v31;
	_ =	sdelay $0x1  }
0x79: {  	[tilespmem:v30+s22+$0x0] =	vst.idx.msk $0xffff, v4  }
0x7a: {  	v4 =	vld.idx.msk [tilespmem:v33+s23+$0x0], $0xffff;
	_ =	sdelay $0x2  }
0x7b: {  	v34 =	vor.u32 $0x7, v1;
	_ =	sdelay $0x1  }
0x7c: {  	v4 =	vmul.f32 v4, v3;
	_ =	sdelay $0x1  }
0x7d: {  	[tilespmem:v33+s23+$0x0] =	vst.idx.msk $0xffff, v4  }
0x7e: {  	v4 =	vld.idx.msk [tilespmem:v34+s23+$0x0], $0xffff;
	_ =	sdelay $0x2  }
0x7f: {  	v35 =	vadd.s32 $0x8, v1;
	_ =	sdelay $0x1  }
0x80: {  	v4 =	vmul.f32 v4, v3;
	_ =	sdelay $0x1  }
0x81: {  	[tilespmem:v34+s23+$0x0] =	vst.idx.msk $0xffff, v4  }
0x82: {  	v4 =	vld.idx.msk [tilespmem:v35+s23+$0x0], $0xffff;
	_ =	sdelay $0x2  }
0x83: {  	v36 =	vor.u32 $0x3, v2;
	_ =	sdelay $0x1  }
0x84: {  	v3 =	vmul.f32 v4, v3;
	_ =	sdelay $0x1  }
0x85: {  	[tilespmem:v35+s23+$0x0] =	vst.idx.msk $0xffff, v3  }
0x86: {  	v3 =	vld.idx.msk [tilespmem:v36+s29+$0x0], $0xffff;
	_ =	sdelay $0x4  }
0x87: {  	(erf) = vrcp.f32 v3;
	_ =	sdelay $0x4  }
0x88: {  	v3 =	vld.idx.msk [tilespmem:v36+s5+$0x0], $0xffff;
	_ =	sdelay $0x1  }
0x89: {  	v37 =	vld.idx.msk [tilespmem:v36+s22+$0x0], $0xffff;
	_ =	sdelay $0x1  }
0x8a: {  	v38 =	vpop (erf)  }
0x8b: {  	v39 =	vadd.s32 $0x9, v1;
	v3 =	vmul.f32 v38, v3;
	_ =	sdelay $0x1  }
0x8c: {  	v4 =	vmul.f32 v3, v37;
	_ =	sdelay $0x1  }
0x8d: {  	[tilespmem:v36+s22+$0x0] =	vst.idx.msk $0xffff, v4  }
0x8e: {  	v4 =	vld.idx.msk [tilespmem:v39+s23+$0x0], $0xffff;
	_ =	sdelay $0x2  }
0x8f: {  	v40 =	vadd.s32 $0xA, v1;
	_ =	sdelay $0x1  }
0x90: {  	v4 =	vmul.f32 v4, v3;
	_ =	sdelay $0x1  }
0x91: {  	[tilespmem:v39+s23+$0x0] =	vst.idx.msk $0xffff, v4  }
0x92: {  	v4 =	vld.idx.msk [tilespmem:v40+s23+$0x0], $0xffff;
	_ =	sdelay $0x2  }
0x93: {  	v41 =	vadd.s32 $0xB, v1;
	_ =	sdelay $0x1  }
0x94: {  	v4 =	vmul.f32 v4, v3;
	_ =	sdelay $0x1  }
0x95: {  	[tilespmem:v40+s23+$0x0] =	vst.idx.msk $0xffff, v4  }
0x96: {  	v4 =	vld.idx.msk [tilespmem:v41+s23+$0x0], $0xffff;
	_ =	sdelay $0x2  }
0x97: {  	v42 =	vor.u32 $0x4, v2;
	_ =	sdelay $0x1  }
0x98: {  	v3 =	vmul.f32 v4, v3;
	_ =	sdelay $0x1  }
0x99: {  	[tilespmem:v41+s23+$0x0] =	vst.idx.msk $0xffff, v3  }
0x9a: {  	v3 =	vld.idx.msk [tilespmem:v42+s29+$0x0], $0xffff;
	_ =	sdelay $0x4  }
0x9b: {  	(erf) = vrcp.f32 v3;
	_ =	sdelay $0x4  }
0x9c: {  	v3 =	vld.idx.msk [tilespmem:v42+s5+$0x0], $0xffff;
	_ =	sdelay $0x1  }
0x9d: {  	v43 =	vld.idx.msk [tilespmem:v42+s22+$0x0], $0xffff;
	_ =	sdelay $0x1  }
0x9e: {  	v44 =	vpop (erf)  }
0x9f: {  	v45 =	vadd.s32 $0xC, v1;
	v3 =	vmul.f32 v44, v3;
	_ =	sdelay $0x1  }
0xa0: {  	v4 =	vmul.f32 v3, v43;
	_ =	sdelay $0x1  }
0xa1: {  	[tilespmem:v42+s22+$0x0] =	vst.idx.msk $0xffff, v4  }
0xa2: {  	v4 =	vld.idx.msk [tilespmem:v45+s23+$0x0], $0xffff;
	_ =	sdelay $0x2  }
0xa3: {  	v46 =	vadd.s32 $0xD, v1;
	_ =	sdelay $0x1  }
0xa4: {  	v4 =	vmul.f32 v4, v3;
	_ =	sdelay $0x1  }
0xa5: {  	[tilespmem:v45+s23+$0x0] =	vst.idx.msk $0xffff, v4  }
0xa6: {  	v4 =	vld.idx.msk [tilespmem:v46+s23+$0x0], $0xffff;
	_ =	sdelay $0x2  }
0xa7: {  	v47 =	vadd.s32 $0xE, v1;
	_ =	sdelay $0x1  }
0xa8: {  	v4 =	vmul.f32 v4, v3;
	_ =	sdelay $0x1  }
0xa9: {  	[tilespmem:v46+s23+$0x0] =	vst.idx.msk $0xffff, v4  }
0xaa: {  	v4 =	vld.idx.msk [tilespmem:v47+s23+$0x0], $0xffff;
	_ =	sdelay $0x2  }
0xab: {  	v48 =	vor.u32 $0x5, v2;
	_ =	sdelay $0x1  }
0xac: {  	v3 =	vmul.f32 v4, v3;
	_ =	sdelay $0x1  }
0xad: {  	[tilespmem:v47+s23+$0x0] =	vst.idx.msk $0xffff, v3  }
0xae: {  	v3 =	vld.idx.msk [tilespmem:v48+s29+$0x0], $0xffff;
	_ =	sdelay $0x4  }
0xaf: {  	(erf) = vrcp.f32 v3;
	_ =	sdelay $0x4  }
0xb0: {  	v3 =	vld.idx.msk [tilespmem:v48+s5+$0x0], $0xffff;
	_ =	sdelay $0x1  }
0xb1: {  	v49 =	vld.idx.msk [tilespmem:v48+s22+$0x0], $0xffff;
	_ =	sdelay $0x1  }
0xb2: {  	v50 =	vpop (erf)  }
0xb3: {  	v51 =	vadd.s32 $0xF, v1;
	v3 =	vmul.f32 v50, v3;
	_ =	sdelay $0x1  }
0xb4: {  	v4 =	vmul.f32 v3, v49;
	_ =	sdelay $0x1  }
0xb5: {  	[tilespmem:v48+s22+$0x0] =	vst.idx.msk $0xffff, v4  }
0xb6: {  	v4 =	vld.idx.msk [tilespmem:v51+s23+$0x0], $0xffff;
	_ =	sdelay $0x2  }
0xb7: {  	v52 =	vadd.s32 $0x10, v1;
	_ =	sdelay $0x1  }
0xb8: {  	v4 =	vmul.f32 v4, v3;
	_ =	sdelay $0x1  }
0xb9: {  	[tilespmem:v51+s23+$0x0] =	vst.idx.msk $0xffff, v4  }
0xba: {  	v4 =	vld.idx.msk [tilespmem:v52+s23+$0x0], $0xffff;
	_ =	sdelay $0x2  }
0xbb: {  	v53 =	vadd.s32 $0x11, v1;
	_ =	sdelay $0x1  }
0xbc: {  	v4 =	vmul.f32 v4, v3;
	_ =	sdelay $0x1  }
0xbd: {  	[tilespmem:v52+s23+$0x0] =	vst.idx.msk $0xffff, v4  }
0xbe: {  	v4 =	vld.idx.msk [tilespmem:v53+s23+$0x0], $0xffff;
	_ =	sdelay $0x2  }
0xbf: {  	v54 =	vor.u32 $0x6, v2;
	_ =	sdelay $0x1  }
0xc0: {  	v3 =	vmul.f32 v4, v3;
	_ =	sdelay $0x1  }
0xc1: {  	[tilespmem:v53+s23+$0x0] =	vst.idx.msk $0xffff, v3  }
0xc2: {  	v3 =	vld.idx.msk [tilespmem:v54+s29+$0x0], $0xffff;
	_ =	sdelay $0x4  }
0xc3: {  	(erf) = vrcp.f32 v3;
	_ =	sdelay $0x4  }
0xc4: {  	v3 =	vld.idx.msk [tilespmem:v54+s5+$0x0], $0xffff;
	_ =	sdelay $0x1  }
0xc5: {  	v55 =	vld.idx.msk [tilespmem:v54+s22+$0x0], $0xffff;
	_ =	sdelay $0x1  }
0xc6: {  	v56 =	vpop (erf)  }
0xc7: {  	v57 =	vadd.s32 $0x12, v1;
	v3 =	vmul.f32 v56, v3;
	_ =	sdelay $0x1  }
0xc8: {  	v4 =	vmul.f32 v3, v55;
	_ =	sdelay $0x1  }
0xc9: {  	[tilespmem:v54+s22+$0x0] =	vst.idx.msk $0xffff, v4  }
0xca: {  	v4 =	vld.idx.msk [tilespmem:v57+s23+$0x0], $0xffff;
	_ =	sdelay $0x2  }
0xcb: {  	v58 =	vadd.s32 $0x13, v1;
	_ =	sdelay $0x1  }
0xcc: {  	v4 =	vmul.f32 v4, v3;
	_ =	sdelay $0x1  }
0xcd: {  	[tilespmem:v57+s23+$0x0] =	vst.idx.msk $0xffff, v4  }
0xce: {  	v4 =	vld.idx.msk [tilespmem:v58+s23+$0x0], $0xffff;
	_ =	sdelay $0x2  }
0xcf: {  	v59 =	vadd.s32 $0x14, v1;
	_ =	sdelay $0x1  }
0xd0: {  	v4 =	vmul.f32 v4, v3;
	_ =	sdelay $0x1  }
0xd1: {  	[tilespmem:v58+s23+$0x0] =	vst.idx.msk $0xffff, v4  }
0xd2: {  	v4 =	vld.idx.msk [tilespmem:v59+s23+$0x0], $0xffff;
	_ =	sdelay $0x2  }
0xd3: {  	v2 =	vor.u32 $0x7, v2;
	_ =	sdelay $0x1  }
0xd4: {  	v3 =	vmul.f32 v4, v3;
	_ =	sdelay $0x1  }
0xd5: {  	[tilespmem:v59+s23+$0x0] =	vst.idx.msk $0xffff, v3  }
0xd6: {  	v3 =	vld.idx.msk [tilespmem:v2+s29+$0x0], $0xffff;
	_ =	sdelay $0x4  }
0xd7: {  	(erf) = vrcp.f32 v3;
	_ =	sdelay $0x4  }
0xd8: {  	v3 =	vld.idx.msk [tilespmem:v2+s5+$0x0], $0xffff;
	_ =	sdelay $0x1  }
0xd9: {  	v60 =	vld.idx.msk [tilespmem:v2+s22+$0x0], $0xffff;
	_ =	sdelay $0x1  }
0xda: {  	v61 =	vpop (erf)  }
0xdb: {  	v62 =	vadd.s32 $0x15, v1;
	v3 =	vmul.f32 v61, v3;
	_ =	sdelay $0x1  }
0xdc: {  	v4 =	vmul.f32 v3, v60;
	_ =	sdelay $0x1  }
0xdd: {  	[tilespmem:v2+s22+$0x0] =	vst.idx.msk $0xffff, v4  }
0xde: {  	v2 =	vld.idx.msk [tilespmem:v62+s23+$0x0], $0xffff;
	_ =	sdelay $0x2  }
0xdf: {  	v63 =	vadd.s32 $0x16, v1;
	_ =	sdelay $0x1  }
0xe0: {  	v2 =	vmul.f32 v2, v3;
	_ =	sdelay $0x1  }
0xe1: {  	[tilespmem:v62+s23+$0x0] =	vst.idx.msk $0xffff, v2  }
0xe2: {  	v2 =	vld.idx.msk [tilespmem:v63+s23+$0x0], $0xffff;
	_ =	sdelay $0x2  }
0xe3: {  	v1 =	vadd.s32 $0x17, v1;
	_ =	sdelay $0x1  }
0xe4: {  	v2 =	vmul.f32 v2, v3;
	_ =	sdelay $0x1  }
0xe5: {  	[tilespmem:v63+s23+$0x0] =	vst.idx.msk $0xffff, v2  }
0xe6: {  	v2 =	vld.idx.msk [tilespmem:v1+s23+$0x0], $0xffff;
	_ =	sdelay $0x1  }
0xe7: {  	p0 =	sne.s32 s0, $0x180  }
.Ltmp0:
0xe8: {  	_ = 	snop;
	(pc) =	sbr.rel @p0 .LBB2_3-.Ltmp0, $3  }
0xe9: {  	_ = 	snop  }
0xea: {  	v2 =	vmul.f32 v2, v3;
	_ =	sdelay $0x1  }
0xeb: {  	s0 =	sadd.s32 $0x10, s0;
	[tilespmem:v1+s23+$0x0] =	vst.idx.msk $0xffff, v2  }
0xec: {  	[spmem:s2] =	stream.indirect.scatter.add.f32 [tilespmem:s22], [sflag:$0x1], $0x8, s14, s28, $0xb8;
	[tilespmem:$0x1D4E0] =	vst v63  }
0xed: {  	_ =	swait.ge [sflag:s18], $0x320  }
0xee: {  	[sflag:s18] =	ssyncset.done $0x0  }
0xef: {  	[sflag:s18] =	ssyncadd.s32 $0xFFFFFCE0  }
0xf0: {  	[spmem:s4] =	stream.indirect.scatter.add.f32 [tilespmem:s23], [sflag:$0x1], $0x18, s14, s28, $0xb8;
	[tilespmem:$0x1D4E0] =	vst v63  }
0xf1: {  	_ =	swait.ge [sflag:s18], $0x960  }
0xf2: {  	[sflag:s18] =	ssyncset.done $0x0  }
0xf3: {  	[sflag:s18] =	ssyncadd.s32 $0xFFFFF6A0  }
0xf4: {  	[spmem:s2] =	stream.indirect.scatter.add.f32 [tilespmem:s16], [sflag:$0x1], $0x8, s15, s28, $0xb8;
	[tilespmem:$0x1D4E0] =	vst v63  }
0xf5: {  	_ =	swait.ge [sflag:s18], $0x320  }
0xf6: {  	[sflag:s18] =	ssyncset.done $0x0  }
0xf7: {  	[sflag:s18] =	ssyncadd.s32 $0xFFFFFCE0  }
0xf8: {  	[spmem:s4] =	stream.indirect.scatter.add.f32 [tilespmem:s10], [sflag:$0x1], $0x18, s15, s28, $0xb8;
	[tilespmem:$0x1D4E0] =	vst v63  }
0xf9: {  	_ =	swait.ge [sflag:s18], $0x960  }
0xfa: {  	[sflag:s18] =	ssyncset.done $0x0  }
0xfb: {  	[sflag:s18] =	ssyncadd.s32 $0xFFFFF6A0  }
0xfc: {  	[spmem:s2] =	stream.indirect.scatter.add.f32 [tilespmem:s20], [sflag:$0x1], $0x8, s17, s28, $0xb8;
	[tilespmem:$0x1D4E0] =	vst v63  }
0xfd: {  	_ =	swait.ge [sflag:s18], $0x320  }
0xfe: {  	[sflag:s18] =	ssyncset.done $0x0  }
0xff: {  	[sflag:s18] =	ssyncadd.s32 $0xFFFFFCE0  }
0x100: {  	[spmem:s4] =	stream.indirect.scatter.add.f32 [tilespmem:s11], [sflag:$0x1], $0x18, s17, s28, $0xb8;
	[tilespmem:$0x1D4E0] =	vst v63  }
0x101: {  	_ =	swait.ge [sflag:s18], $0x960  }
0x102: {  	[sflag:s18] =	ssyncset.done $0x0  }
0x103: {  	[sflag:s18] =	ssyncadd.s32 $0xFFFFF6A0  }
0x104: {  	[spmem:s2] =	stream.indirect.scatter.add.f32 [tilespmem:s25], [sflag:$0x1], $0x8, s24, s28, $0xb8;
	[tilespmem:$0x1D4E0] =	vst v63  }
0x105: {  	s31 =	sadd.s32 $0x1, s31;
	_ =	swait.ge [sflag:s18], $0x320  }
0x106: {  	p0 =	sne.s32 s31, $0x7D;
	[sflag:s18] =	ssyncset.done $0x0  }
.Ltmp1:
0x107: {  	[sflag:s18] =	ssyncadd.s32 $0xFFFFFCE0;
	(pc) =	sbr.rel @p0 .LBB2_2-.Ltmp1, $4  }
0x108: {  	[spmem:s4] =	stream.indirect.scatter.add.f32 [tilespmem:s30], [sflag:$0x1], $0x18, s24, s28, $0xb8;
	[tilespmem:$0x1D4E0] =	vst v63  }
0x109: {  	_ =	swait.ge [sflag:s18], $0x960  }
0x10a: {  	[sflag:s18] =	ssyncset.done $0x0  }
0x10b: {  	[sflag:s18] =	ssyncadd.s32 $0xFFFFF6A0  }
0x10c: {  	[bflag:$0x0] =	sbarrier.arrive $0xFFFF  }
0x10d: {  	s21 =	rddreg [dreg:$0x7]  }
0x10e: {  	s0 =	rddreg [dreg:$0x8]  }
0x10f: {  	s3 =	rddreg [dreg:$0xb]  }
0x110: {  	[hbm:s0], [sflag:s21] =	dma.local [spmem:s3], $0xC35  }
0x111: {  	_ =	swait.ge [sflag:s18], $0xC35  }
0x112: {  	[sflag:s18] =	ssyncset.done $0x0;
	s19 =	rddreg [dreg:$0x9]  }
0x113: {  	s31 =	rddreg [dreg:$0xc];
	[sflag:s18] =	ssyncadd.s32 $0xFFFFF3CB  }
0x114: {  	[hbm:s19], [sflag:s21] =	dma.local [spmem:s31], $0x249F  }
0x115: {  	_ =	swait.ge [sflag:s18], $0x249F  }
0x116: {  	s19 =	rddreg [dreg:$0xd]  }
0x117: {  	s0 =	rddreg [dreg:$0xa];
	s19 =	sadd.s32 $0x1, s19  }
0x118: {  	p0 =	sne.s32 s19, s0  }
.Ltmp2:
0x119: {  	_ = 	snop;
	(pc) =	sbr.rel @p0 .LBB2_1-.Ltmp2, $3  }
0x11a: {  	_ =	sdelay $0x1  }
0x11b: {  	[sflag:s18] =	ssyncset.done $0x0  }
0x11c: {  	[sflag:s18] =	ssyncadd.s32 $0xFFFFDB61  }
0x11d: {  	_ =	sfence.sel $0x180000  }
0x11e: {  	[bflag:$0x0] =	sbarrier.arrive $0xFFFF  }
0x11f: {  	_ =	strace $0x90000050  }
0x120: {  	s0 =	stileid.u32;
	[bflag:$0x2] =	sbarrier.arrive $0xFFFF  }
0x121: {  	p0 =	sne.s32 s0, $0x0;
	s0 =	rddreg [dreg:$0x5]  }
0x122: {  	s0 =	sadd.s32 @!p0 $0x100000, s0  }
0x123: {  	[sflag:s0] =	ssyncadd.tile.s32 @!p0 $0x1;
	_ =	shalt  }
.Lfunc_end2:
_tile_overlayer_lowered:
.L_overlay_start_2:
0x124: {  	(tag) =	ssettag $0x2  }
0x125: {  	s0 =	rddreg [dreg:$0x0];
	s2 =	stileid.u32  }
0x126: {  	s1 =	rddreg [dreg:$0x1];
	p0 =	sne.s32 s2, $0x0  }
0x127: {  	s3 =	rddreg [dreg:$0x2];
	[bflag:$0x3] =	sbarrier.arrive $0xFFFF;
	s2 =	simm.s32 @!p0 $0x1C01  }
0x128: {  	[timem:s3], [sflag:s2] =	dma.local @!p0 [hbm:s0], s1  }
0x129: {  	s0 =	simm.s32 @!p0 $0x1  }
0x12a: {  	_ =	swait.ge @!p0 [sflag:s0], s1  }
0x12b: {  	s1 =	ssub.s32 @!p0 $0x0, s1;
	[sflag:s0] =	ssyncset.done @!p0 $0x0  }
0x12c: {  	[sflag:s0] =	ssyncadd.s32 @!p0 s1  }
0x12d: {  	[bflag:$0x3] =	sbarrier.arrive $0xFFFF  }
0x12e: {  	_ =	shalt  }

// kernel: sparse-core-data-format-call.1.cloned.1.call-start
scs
called_computation.1_lowered:
.L_overlay_start_0:
0x0: {  	s1 =	sld [smem:$0x3FD9]  }
0x1: {  	s2 =	sld [smem:$0x3FFE];
	_ =	sdelay $0x1  }
0x2: {  	s3 =	srdreg.scid  }
0x3: {  	s0 =	sand.u32 $0x1, s3  }
0x4: {  	s17 =	sshll.u32 s0, $0xA;
	s1 =	sadd.s32 s2, s1  }
0x5: {  	s1 =	sadd.s32 s1, s17  }
0x6: {  	[smem:$0x3FC1] =	sst s1  }
0x7: {  	_ = 	snop  }
0x8: {  	(tm) =	ssettm $0x1  }
0x9: {  	s18 =	sld [smem:$0x3FFB];
	_ =	sdelay $0x3  }
0xa: {  	_ =	strace s18  }
0xb: {  	s1 =	sld [smem:$0x3FFC];
	_ =	sdelay $0x3  }
0xc: {  	_ =	strace s1  }
0xd: {  	s1 =	sld [smem:$0x3FFD];
	_ =	sdelay $0x3  }
0xe: {  	_ =	strace s1  }
0xf: {  	_ =	strace $0x8FFFFFFF  }
0x10: {  	s19 =	sld [smem:$0x3FDB];
	_ =	sdelay $0x1  }
0x11: {  	s20 =	simm.s32 $_scs_section_size  }
0x12: {  	s4 =	simm.s32 $_size__tile_overlayer_lowered;
	s5 =	simm.s32 $_tile_overlayer_lowered  }
0x13: {  	s23 =	simm.s32 $0x1BFF;
	s22 =	sshll.u32 s5, $0x1;
	s1 =	sadd.s32 s20, s19  }
0x14: {  	s6 =	simm.s32 $0x0;
	s21 =	sshll.u32 s4, $0x1;
	s4 =	sadd.s32 s22, s1  }
0x15: {  	[timem:s6], [sflag:s23] =	dma.local [hbm:s4], s21  }
0x16: {  	_ =	swait.ge [sflag:s23], s21  }
0x17: {  	s2 =	ssub.s32 $0x0, s21;
	[sflag:s23] =	ssyncset.done $0x0  }
0x18: {  	[sflag:s23] =	ssyncadd.s32 s2;
	_ =	sdelay $0x1  }
0x19: {  	s24 =	simm.s32 $0x1B8B  }
0x1a: {  	_ =	swait.ge [sflag:s24], $0x1  }
0x1b: {  	[sflag:s24] =	ssyncset.done $0x0  }
0x1c: {  	s26 =	simm.s32 $0x1B8E;
	s25 =	sld [smem:$0x3FFE];
	[sflag:s24] =	ssyncadd.s32 $0xFFFFFFFF  }
0x1d: {  	s27 =	simm.s32 $execute0_lowered;
	[smem:$0x3FD2] =	sst s26  }
0x1e: {  	s4 =	sshll.u32 s27, $0x1;
	_ =	strace $0x80000046;
	[dreg:$0x1] =	wrdreg $0xFFFFFFFF  }
0x1f: {  	s28 =	simm.s32 $_size_execute0_lowered;
	s1 =	sadd.s32 s1, s4;
	[dreg:$0x0] =	wrdreg $0x0  }
0x20: {  	s4 =	sshll.u32 s28, $0x1;
	[dreg:$0x2] =	wrdreg s1  }
0x21: {  	[dreg:$0x3] =	wrdreg s4  }
0x22: {  	[dreg:$0x4] =	wrdreg $0xC0  }
0x23: {  	_ =	task [dreg:s6], $0x5FFFF  }
0x24: {  	[dreg:$0x1] =	wrdreg $0xFFFFFFFF  }
0x25: {  	[dreg:$0x0] =	wrdreg $0x60  }
0x26: {  	[dreg:$0x2] =	wrdreg s25  }
0x27: {  	[dreg:$0x3] =	wrdreg $0xA  }
0x28: {  	_ =	task.clear_ibuf [dreg:s6], $0x4FFFF;
	_ =	strace $0x90000046  }
0x29: {  	s29 =	simm.s32 $0xA;
	_ =	strace $0x80000048  }
0x2a: {  	_ =	swait.ge [sflag:s29], $0x1  }
0x2b: {  	[sflag:s29] =	ssyncadd.s32 $0xFFFFFFFF  }
0x2c: {  	_ =	strace $0x90000048  }
0x2d: {  	_ =	sfence  }
0x2e: {  	s30 =	sld [smem:$0x0];
	_ =	sdelay $0x2  }
0x2f: {  	s31 =	sshll.u32 s3, $0xD;
	s3 =	sshrl.u32 s3, $0x2  }
0x30: {  	s2 =	sand.u32 $0x4000, s31;
	s1 =	sadd.s32 s3, s30  }
0x31: {  	s0 =	sor.u32 s2, s0;
	s1 =	sshll.u32 s1, $0x11  }
0x32: {  	s0 =	sor.u32 s1, s0  }
0x33: {  	s0 =	sadd.s32 $0x8F2B, s0  }
0x34: {  	[sflag:s0] =	ssyncadd.remote.s32 $0x1  }
0x35: {  	_ =	sfence.sel $0xFFFF  }
0x36: {  	[dreg:$0x0] =	wrdreg $0xFFFFFFFF;
	(pc) =	sbr.abs _section_cstart, $3  }
0x37: {  	[dreg:$0x1] =	wrdreg $0xFFFFFFFF  }
0x38: {  	_ =	task.clear_ibuf [dreg:s6], $0x2FFFF;
	_ =	strace $0x9FFFFFFF  }
0x39: {  	(tm) =	ssettm $0x7FFFFFFF  }
tec
execute0_lowered:
.L_overlay_start_1:
0x0: {  	(tag) =	ssettag $0x1  }
0x1: {  	s0 =	srdreg.scid  }
0x2: {  	s6 =	rddreg [dreg:$0x0];
	s7 =	simm.s32 $0x1;
	s1 =	sshll.u32 s0, $0x4  }
0x3: {  	s8 =	simm.s32 $0x2;
	s0 =	stileid.u32;
	s1 =	sand.u32 $0x10, s1  }
0x4: {  	s13 =	simm.s32 $0x0;
	s12 =	simm.s32 $0x0;
	s1 =	sor.u32 s0, s1  }
0x5: {  	s10 =	simm.s32 $0x0;
	s3 =	sadd.s32 $0x61E600, s6;
	s2 =	sshll.u32 s1, $0x9  }
0x6: {  	s11 =	simm.s32 $0x0;
	s6 =	sadd.s32 $0xAB2400, s6;
	s5 =	ssub.s32 $0x186A00, s2  }
.Ltmp0:
0x7: {  	s1 =	rddreg [dreg:$0x1];
	s4 =	sand.u32 $0x3E00, s5;
	(pc) =	sbr.rel .LBB1_1-.Ltmp0, $4  }
0x8: {  	_ =	strace $0x80000047;
	s9 =	smov.u32 s2;
	p0 =	sne.s32 s4, $0x0  }
0x9: {  	s5 =	sshrl.u32 s5, $0xE;
	s4 =	simm.s32 $0x1;
	s7 =	simm.s32 @!p0 $0x0  }
0xa: {  	[sflag:s4] =	ssyncpa.u1 $0x0;
	p0 =	por $0x0, $0x0;
	s5 =	sadd.s32 s7, s5  }
0xb: {  	[sflag:s8] =	ssyncpa.u1 $0x0;
	s8 =	simm.s32 $0x80;
	s7 =	sadd.s32 $0x1, s5  }
.LBB1_4:
0xc: {  	_ = 	snop  }
0xd: {  	[tilespmem:s18+$0x2D60 ss:$0x21] =	vst.msk $0xffff, v7  }
0xe: {  	[tilespmem:s18+$0x2F70 ss:$0x21] =	vst.msk $0xffff, v6  }
0xf: {  	[tilespmem:s18+$0x3390 ss:$0x21] =	vst.msk $0xffff, v3  }
0x10: {  	s21 =	sor.u32 s24, s23;
	v31 =	vld.idx.msk [tilespmem:v0+s16+$0xC70 ss:$0x1], $0xffff;
	[tilespmem:s18+$0x35A0 ss:$0x21] =	vst.msk $0xffff, v1  }
0x11: {  	[tilespmem:s18+$0x37B0 ss:$0x21] =	vst.msk $0xffff, v2;
	v43 =	vld.idx.msk [tilespmem:v0+s21+$0x410 ss:$0x1], $0xffff  }
0x12: {  	[tilespmem:s18+$0x39C0 ss:$0x21] =	vst.msk $0xffff, v4;
	v44 =	vld.idx.msk [tilespmem:v0+s21+$0x420 ss:$0x1], $0xffff  }
0x13: {  	[tilespmem:s18+$0x3BD0 ss:$0x21] =	vst.msk $0xffff, v5;
	s22 =	sand.u32 $0x3200, s21;
	v45 =	vld.idx.msk [tilespmem:v0+s21+$0x430 ss:$0x1], $0xffff  }
0x14: {  	s20 =	sand.u32 $0x180, s20;
	s25 =	sshra.s32 s19, $0x2;
	[tilespmem:s18+$0x3DE0 ss:$0x21] =	vst.msk $0xffff, v8;
	v46 =	vld.idx.msk [tilespmem:v0+s21+$0x440 ss:$0x1], $0xffff;
	s15 =	sadd.s32 s22, s15  }
0x15: {  	v47 =	vld.idx.msk [tilespmem:v0+s21+$0x450 ss:$0x1], $0xffff;
	s24 =	sadd.s32 s20, s15;
	s15 =	sadd.s32 s25, s17;
	[tilespmem:s18+$0x3FF0 ss:$0x21] =	vst.msk $0xffff, v31  }
0x16: {  	v48 =	vld.idx.msk [tilespmem:v0+s21+$0x460 ss:$0x1], $0xffff;
	[tilespmem:s15+$0x1290 ss:$0x21] =	vst.msk $0xffff, v43  }
0x17: {  	v49 =	vld.idx.msk [tilespmem:v0+s21+$0x470 ss:$0x1], $0xffff;
	[tilespmem:s15+$0x14A0 ss:$0x21] =	vst.msk $0xffff, v44  }
0x18: {  	v50 =	vld.idx.msk [tilespmem:v0+s21+$0x810 ss:$0x1], $0xffff;
	[tilespmem:s15+$0x16B0 ss:$0x21] =	vst.msk $0xffff, v45  }
0x19: {  	v51 =	vld.idx.msk [tilespmem:v0+s21+$0x820 ss:$0x1], $0xffff;
	[tilespmem:s15+$0x18C0 ss:$0x21] =	vst.msk $0xffff, v46  }
0x1a: {  	v52 =	vld.idx.msk [tilespmem:v0+s21+$0x830 ss:$0x1], $0xffff;
	[tilespmem:s15+$0x1AD0 ss:$0x21] =	vst.msk $0xffff, v47  }
0x1b: {  	v53 =	vld.idx.msk [tilespmem:v0+s21+$0x840 ss:$0x1], $0xffff;
	[tilespmem:s15+$0x1CE0 ss:$0x21] =	vst.msk $0xffff, v48  }
0x1c: {  	v54 =	vld.idx.msk [tilespmem:v0+s21+$0x850 ss:$0x1], $0xffff;
	[tilespmem:s15+$0x1EF0 ss:$0x21] =	vst.msk $0xffff, v49  }
0x1d: {  	v55 =	vld.idx.msk [tilespmem:v0+s21+$0x860 ss:$0x1], $0xffff;
	[tilespmem:s15+$0x2310 ss:$0x21] =	vst.msk $0xffff, v50  }
0x1e: {  	v56 =	vld.idx.msk [tilespmem:v0+s21+$0x870 ss:$0x1], $0xffff;
	[tilespmem:s15+$0x2520 ss:$0x21] =	vst.msk $0xffff, v51  }
0x1f: {  	v57 =	vld.idx.msk [tilespmem:v0+s21+$0xC10 ss:$0x1], $0xffff;
	[tilespmem:s15+$0x2730 ss:$0x21] =	vst.msk $0xffff, v52  }
0x20: {  	v58 =	vld.idx.msk [tilespmem:v0+s21+$0xC20 ss:$0x1], $0xffff;
	[tilespmem:s15+$0x2940 ss:$0x21] =	vst.msk $0xffff, v53  }
0x21: {  	v59 =	vld.idx.msk [tilespmem:v0+s21+$0xC30 ss:$0x1], $0xffff;
	[tilespmem:s15+$0x2B50 ss:$0x21] =	vst.msk $0xffff, v54  }
0x22: {  	v60 =	vld.idx.msk [tilespmem:v0+s21+$0xC40 ss:$0x1], $0xffff;
	[tilespmem:s15+$0x2D60 ss:$0x21] =	vst.msk $0xffff, v55  }
0x23: {  	v61 =	vld.idx.msk [tilespmem:v0+s21+$0xC50 ss:$0x1], $0xffff;
	[tilespmem:s15+$0x2F70 ss:$0x21] =	vst.msk $0xffff, v56  }
0x24: {  	v62 =	vld.idx.msk [tilespmem:v0+s21+$0xC60 ss:$0x1], $0xffff;
	[tilespmem:s15+$0x3390 ss:$0x21] =	vst.msk $0xffff, v57  }
0x25: {  	v63 =	vld.idx.msk [tilespmem:v0+s21+$0xC70 ss:$0x1], $0xffff;
	[tilespmem:s15+$0x35A0 ss:$0x21] =	vst.msk $0xffff, v58  }
0x26: {  	v32 =	vld [tilespmem:s24+$0xC00];
	[tilespmem:s15+$0x37B0 ss:$0x21] =	vst.msk $0xffff, v59  }
0x27: {  	v33 =	vld [tilespmem:s24+$0x0];
	[tilespmem:s15+$0x39C0 ss:$0x21] =	vst.msk $0xffff, v60  }
0x28: {  	v34 =	vld [tilespmem:s24+$0x10];
	[tilespmem:s15+$0x3BD0 ss:$0x21] =	vst.msk $0xffff, v61  }
0x29: {  	s13 =	sshll.u32 s13, $0x7;
	s26 =	sshll.u32 s12, $0x3;
	v35 =	vld [tilespmem:s24+$0x20];
	[tilespmem:s15+$0x3DE0 ss:$0x21] =	vst.msk $0xffff, v62  }
0x2a: {  	s27 =	sand.u32 $0xFFFFFC00, s13;
	s16 =	sand.u32 $0xFFFFFC00, s26;
	v36 =	vld [tilespmem:s24+$0x30];
	[tilespmem:s15+$0x3FF0 ss:$0x21] =	vst.msk $0xffff, v63  }
0x2b: {  	s13 =	sand.u32 $0x380, s13;
	s16 =	sadd.s32 s16, s27;
	v37 =	vld [tilespmem:s24+$0x40];
	[tilespmem:s15+$0x3180 ss:$0x21] =	vst.msk $0xffff, v32  }
0x2c: {  	s13 =	sor.u32 s13, s16;
	v38 =	vld [tilespmem:s24+$0x50];
	[tilespmem:s15+$0x0 ss:$0x21] =	vst.msk $0xffff, v33  }
0x2d: {  	v39 =	vld [tilespmem:s24+$0x60];
	s13 =	sshrl.u32 s13, $0x7;
	[tilespmem:s15+$0x210 ss:$0x21] =	vst.msk $0xffff, v34  }
0x2e: {  	v40 =	vld [tilespmem:s24+$0x70];
	s28 =	smulhi.u32 $0x14F8B59, s13;
	[tilespmem:s15+$0x420 ss:$0x21] =	vst.msk $0xffff, v35  }
0x2f: {  	v41 =	vld [tilespmem:s24+$0x400];
	[tilespmem:s15+$0x630 ss:$0x21] =	vst.msk $0xffff, v36  }
0x30: {  	v42 =	vld [tilespmem:s24+$0x800];
	s16 =	sshrl.u32 s28, $0xD;
	[tilespmem:s15+$0x840 ss:$0x21] =	vst.msk $0xffff, v37  }
0x31: {  	s16 =	smul.u32 $0x186A00, s16;
	[tilespmem:s15+$0xA50 ss:$0x21] =	vst.msk $0xffff, v38  }
0x32: {  	s29 =	sshrl.u32 s12, $0x3;
	[tilespmem:s15+$0xC60 ss:$0x21] =	vst.msk $0xffff, v39  }
0x33: {  	s31 =	sand.u32 $0x7, s12;
	s30 =	sand.u32 $0xF, s29;
	[tilespmem:s15+$0xE70 ss:$0x21] =	vst.msk $0xffff, v40;
	s13 =	ssub.s32 s13, s16  }
0x34: {  	s12 =	sshll.u32 s31, $0x12;
	[tilespmem:s15+$0x1080 ss:$0x21] =	vst.msk $0xffff, v41;
	s16 =	sadd.s32 s6, s30;
	s13 =	sshll.u32 s13, $0x4  }
0x35: {  	s12 =	sor.u32 $0x20, s12;
	[tilespmem:s15+$0x2100 ss:$0x21] =	vst.msk $0xffff, v42;
	s13 =	sadd.s32 s13, s16  }
0x36: {  	[hbm4b:s13+s12] =	stream.strided.scatter [tilespmem:s14], [sflag:$0x2], $0x4000, s8, s12, $0x10;
	[tilespmem:$0x10400] =	vst v63  }
.LBB1_5:
0x37: {  	s14 =	sadd.s32 $0x4000, s9  }
0x38: {  	s12 =	sadd.s32 $0x20, s10;
	s16 =	smov.u32 s10;
	p2 =	sgt.s32 s14, $0x1869FF  }
0x39: {  	s16 =	smov.u32 @p2 s12  }
0x3a: {  	s14 =	smov.u32 @p2 s2;
	p2 =	sgt.s32 s16, $0x17  }
0x3b: {  	s16 =	simm.s32 @p2 $0x0;
	p2 =	sne.s32 s11, s7  }
.Ltmp1:
0x3c: {  	p1 =	slt.u32 s11, $0x2;
	(pc) =	sbr.rel @!p2 .LBB1_6-.Ltmp1, $4  }
0x3d: {  	s15 =	simm.s32 @!p1 $0x2  }
0x3e: {  	s13 =	smov.u32 s9;
	p0 =	por !p0, !p0;
	_ =	swait.ge @!p1 [sflag:s15], $0x4000  }
0x3f: {  	s12 =	smov.u32 s10;
	[sflag:s15] =	ssyncset.done @!p1 $0x0;
	s9 =	smov.u32 s14  }
0x40: {  	s11 =	sadd.s32 $0x1, s11;
	[sflag:s15] =	ssyncadd.s32 @!p1 $0xFFFFC000;
	s10 =	smov.u32 s16  }
.LBB1_1:
0x41: {  	p1 =	sge.u32 s11, s5  }
0x42: {  	s14 =	sshrl.u32 @!p1 s10, $0x3  }
0x43: {  	s20 =	smov.u32 s9;
	s15 =	sshll.u32 @!p1 s9, $0x3;
	s14 =	smul.u32 @!p1 $0xC35000, s14  }
0x44: {  	s31 =	sadd.s32 $0xFFFFFFFF, s11;
	s16 =	sshll.u32 @!p1 s10, $0x7;
	s15 =	sand.u32 @!p1 $0xFFFFFC00, s15  }
0x45: {  	s17 =	sand.u32 @!p1 $0x7F, s9;
	s14 =	sadd.s32 @!p1 s14, s15;
	s15 =	sand.u32 @!p1 $0x380, s16  }
0x46: {  	p2 =	sgt.s32 @!p1 s10, $0xFFFFFFF8;
	s19 =	sshra.s32 @!p1 s10, $0x1F;
	s14 =	sor.u32 @!p1 s15, s14  }
0x47: {  	s21 =	sshra.s32 @!p1 s9, $0x1F;
	p2 =	por !p2, p1;
	s15 =	sshrl.u32 @!p1 s14, $0x9  }
0x48: {  	s14 =	sor.u32 @!p1 s17, s14;
	s17 =	smov.u32 s10;
	s15 =	smulhi.u32 @!p1 $0xA7C5AD, s15  }
0x49: {  	s19 =	sand.u32 @!p1 s19, s10;
	s17 =	simm.s32 @p2 $0xFFFFFFF8;
	p2 =	sgt.s32 @!p1 s9, $0x186800  }
0x4a: {  	s21 =	sand.u32 @!p1 s21, s9;
	p2 =	por !p2, p1;
	s15 =	sshrl.u32 @!p1 s15, $0x3  }
0x4b: {  	s16 =	sxor.u32 @!p1 $0xFFFFFFFF, s11;
	s20 =	simm.s32 @p2 $0x186800;
	s18 =	smul.u32 @!p1 $0xAAB, s15  }
0x4c: {  	s16 =	sshll.u32 @!p1 s16, $0xE;
	s17 =	ssub.s32 @!p1 s17, s19;
	s19 =	ssub.s32 @!p1 s20, s21  }
0x4d: {  	s20 =	sadd.s32 @!p1 $0x8, s17;
	s17 =	ssub.s32 @!p1 $0x18, s17;
	s18 =	sshrl.u32 @!p1 s18, $0x10  }
0x4e: {  	s21 =	sadd.s32 @!p1 $0xFFE79800, s19;
	p2 =	sgt.s32 @!p1 s20, $0x1F;
	s18 =	smul.u32 @!p1 $0x18, s18  }
0x4f: {  	s19 =	ssub.s32 @!p1 $0x186A00, s19;
	p3 =	sgt.s32 @!p1 s21, $0x1FF;
	p2 =	por !p2, p1  }
0x50: {  	p3 =	por !p3, p1;
	s18 =	ssub.s32 @!p1 s15, s18;
	s15 =	smul.u32 @!p1 $0x186A00, s15  }
0x51: {  	s16 =	sand.u32 @!p1 $0x4000, s16;
	s17 =	simm.s32 @!p2 $0x0;
	s19 =	simm.s32 @!p3 $0x0  }
0x52: {  	s17 =	smul.u32 @!p1 s17, s19;
	s14 =	ssub.s32 @!p1 s14, s15;
	s15 =	sand.u32 @!p1 $0xFFFF, s18  }
0x53: {  	s15 =	smul.u32 @!p1 $0x30D40, s15;
	s18 =	sshrl.u32 @!p1 s14, $0x3;
	s14 =	sand.u32 @!p1 $0x7, s14  }
0x54: {  	s17 =	sand.u32 @!p1 $0x3FFFFFFF, s17;
	s18 =	sadd.s32 @!p1 s3, s18;
	s14 =	sshll.u32 @!p1 s14, $0x12  }
0x55: {  	s15 =	sadd.s32 @!p1 s15, s18;
	s14 =	sor.u32 @!p1 $0x1000, s14;
	s18 =	simm.s32 @!p1 $0xC35000  }
0x56: {  	[tilespmem:s16], [sflag:$0x1] =	stream.strided.gather @!p1 [hbm4b:s15+s14], s17, s18, s14, $0x38;
	[tilespmem:$0x10400] =	vst v63  }
0x57: {  	p1 =	sge.u32 s31, s5  }
.Ltmp2:
0x58: {  	_ = 	snop;
	(pc) =	sbr.rel @p1 .LBB1_5-.Ltmp2, $1  }
0x59: {  	_ =	sdelay $0x3  }
0x5a: {  	p1 =	sgt.s32 s12, $0xFFFFFFF8  }
0x5b: {  	s14 =	smov.u32 s12;
	s15 =	sshra.s32 s12, $0x1F;
	s16 =	smov.u32 s13  }
0x5c: {  	s17 =	sshra.s32 s13, $0x1F;
	s14 =	simm.s32 @!p1 $0xFFFFFFF8;
	p1 =	sgt.s32 s13, $0x186800  }
0x5d: {  	s15 =	sand.u32 s15, s12;
	s24 =	sand.u32 s17, s13;
	s16 =	simm.s32 @!p1 $0x186800  }
0x5e: {  	s14 =	ssub.s32 s14, s15;
	s15 =	ssub.s32 s16, s24  }
0x5f: {  	s25 =	sadd.s32 $0x8, s14;
	s17 =	ssub.s32 $0x18, s14;
	s16 =	sadd.s32 $0xFFE79800, s15  }
0x60: {  	p1 =	sgt.s32 s25, $0x1F;
	s15 =	ssub.s32 $0x186A00, s15;
	p2 =	sgt.s32 s16, $0x1FF  }
0x61: {  	s26 =	sand.u32 $0x1, s11;
	s17 =	simm.s32 @p1 $0x0;
	s15 =	simm.s32 @p2 $0x0  }
0x62: {  	s27 =	smul.u32 s17, s15;
	s15 =	sshll.u32 s26, $0xE  }
0x63: {  	v0 =	vmov s15  }
0x64: {  	s18 =	simm.s32 $0x0;
	s16 =	sand.u32 $0x3FFFFFFF, s27  }
0x65: {  	s29 =	sand.u32 $0x3000, s18;
	_ =	swait.ge [sflag:s4], s16  }
0x66: {  	s19 =	sand.u32 $0x380, s18;
	s28 =	ssub.s32 $0x0, s16;
	[sflag:s4] =	ssyncset.done $0x0  }
0x67: {  	s16 =	sor.u32 s19, s29;
	[sflag:s4] =	ssyncadd.s32 s28  }
0x68: {  	v1 =	vld.idx.msk [tilespmem:v0+s16+$0x410 ss:$0x1], $0xffff  }
0x69: {  	s19 =	simm.s32 $0x1;
	v2 =	vld.idx.msk [tilespmem:v0+s16+$0x420 ss:$0x1], $0xffff  }
0x6a: {  	s19 =	simm.s32 @!p0 $0x0;
	v3 =	vld.idx.msk [tilespmem:v0+s16+$0x430 ss:$0x1], $0xffff  }
0x6b: {  	s30 =	sand.u32 $0x3200, s16;
	s31 =	smul.u32 $0x10800, s19;
	v10 =	vld.idx.msk [tilespmem:v0+s16+$0x820 ss:$0x1], $0xffff  }
0x6c: {  	s18 =	sand.u32 $0x180, s18;
	s17 =	sadd.s32 s30, s15;
	v11 =	vld.idx.msk [tilespmem:v0+s16+$0x830 ss:$0x1], $0xffff  }
0x6d: {  	s20 =	sadd.s32 s18, s17;
	v12 =	vld.idx.msk [tilespmem:v0+s16+$0x840 ss:$0x1], $0xffff;
	s17 =	sshrl.u32 s31, $0x2  }
0x6e: {  	v13 =	vld.idx.msk [tilespmem:v0+s16+$0x850 ss:$0x1], $0xffff;
	s17 =	sor.u32 $0x8000, s17  }
0x6f: {  	v4 =	vld [tilespmem:s20+$0xC00];
	s18 =	sadd.s32 $0x0, s17  }
0x70: {  	v5 =	vld [tilespmem:s20+$0x0];
	[tilespmem:s18+$0x1290 ss:$0x21] =	vst.msk $0xffff, v1  }
0x71: {  	v6 =	vld [tilespmem:s20+$0x10];
	[tilespmem:s18+$0x14A0 ss:$0x21] =	vst.msk $0xffff, v2  }
0x72: {  	v7 =	vld [tilespmem:s20+$0x20];
	[tilespmem:s18+$0x16B0 ss:$0x21] =	vst.msk $0xffff, v3  }
0x73: {  	v8 =	vld [tilespmem:s20+$0x30];
	[tilespmem:s18+$0x2520 ss:$0x21] =	vst.msk $0xffff, v10  }
0x74: {  	v9 =	vld [tilespmem:s20+$0x40];
	[tilespmem:s18+$0x2730 ss:$0x21] =	vst.msk $0xffff, v11  }
0x75: {  	v3 =	vld.idx.msk [tilespmem:v0+s16+$0xC10 ss:$0x1], $0xffff;
	[tilespmem:s18+$0x2940 ss:$0x21] =	vst.msk $0xffff, v12  }
0x76: {  	v1 =	vld.idx.msk [tilespmem:v0+s16+$0xC20 ss:$0x1], $0xffff;
	[tilespmem:s18+$0x2B50 ss:$0x21] =	vst.msk $0xffff, v13  }
0x77: {  	v2 =	vld.idx.msk [tilespmem:v0+s16+$0xC30 ss:$0x1], $0xffff;
	[tilespmem:s18+$0x3180 ss:$0x21] =	vst.msk $0xffff, v4  }
0x78: {  	[tilespmem:s18+$0x0 ss:$0x21] =	vst.msk $0xffff, v5;
	v4 =	vld [tilespmem:s20+$0x50]  }
0x79: {  	[tilespmem:s18+$0x210 ss:$0x21] =	vst.msk $0xffff, v6;
	v6 =	vld [tilespmem:s20+$0x70]  }
0x7a: {  	v5 =	vld [tilespmem:s20+$0x60];
	[tilespmem:s18+$0x420 ss:$0x21] =	vst.msk $0xffff, v7  }
0x7b: {  	[tilespmem:s18+$0x630 ss:$0x21] =	vst.msk $0xffff, v8;
	v7 =	vld [tilespmem:s20+$0x400]  }
0x7c: {  	[tilespmem:s18+$0x840 ss:$0x21] =	vst.msk $0xffff, v9;
	v8 =	vld [tilespmem:s20+$0x800]  }
0x7d: {  	v9 =	vld.idx.msk [tilespmem:v0+s16+$0x470 ss:$0x1], $0xffff;
	[tilespmem:s18+$0xA50 ss:$0x21] =	vst.msk $0xffff, v4  }
0x7e: {  	[tilespmem:s18+$0xE70 ss:$0x21] =	vst.msk $0xffff, v6;
	v6 =	vld.idx.msk [tilespmem:v0+s16+$0x460 ss:$0x1], $0xffff  }
0x7f: {  	v4 =	vld.idx.msk [tilespmem:v0+s16+$0x440 ss:$0x1], $0xffff;
	[tilespmem:s18+$0xC60 ss:$0x21] =	vst.msk $0xffff, v5  }
0x80: {  	v5 =	vld.idx.msk [tilespmem:v0+s16+$0x450 ss:$0x1], $0xffff;
	[tilespmem:s18+$0x1080 ss:$0x21] =	vst.msk $0xffff, v7  }
0x81: {  	[tilespmem:s18+$0x2100 ss:$0x21] =	vst.msk $0xffff, v8;
	v8 =	vld.idx.msk [tilespmem:v0+s16+$0x810 ss:$0x1], $0xffff  }
0x82: {  	v7 =	vld.idx.msk [tilespmem:v0+s16+$0x860 ss:$0x1], $0xffff;
	[tilespmem:s18+$0x1EF0 ss:$0x21] =	vst.msk $0xffff, v9  }
0x83: {  	s14 =	smul.u32 $0x10800, s26;
	[tilespmem:s18+$0x1CE0 ss:$0x21] =	vst.msk $0xffff, v6;
	v6 =	vld.idx.msk [tilespmem:v0+s16+$0x870 ss:$0x1], $0xffff  }
0x84: {  	s21 =	simm.s32 $0x200;
	s22 =	simm.s32 $0x8;
	[tilespmem:s18+$0x18C0 ss:$0x21] =	vst.msk $0xffff, v4;
	v4 =	vld.idx.msk [tilespmem:v0+s16+$0xC40 ss:$0x1], $0xffff  }
0x85: {  	s23 =	sand.u32 $0x3000, s21;
	s14 =	sshrl.u32 s14, $0x2;
	s20 =	simm.s32 $0x80;
	[tilespmem:s18+$0x1AD0 ss:$0x21] =	vst.msk $0xffff, v5;
	v5 =	vld.idx.msk [tilespmem:v0+s16+$0xC50 ss:$0x1], $0xffff  }
0x86: {  	s14 =	sor.u32 $0x8000, s14;
	s19 =	simm.s32 $0x4;
	s24 =	sand.u32 $0x380, s20;
	[tilespmem:s18+$0x2310 ss:$0x21] =	vst.msk $0xffff, v8;
	v8 =	vld.idx.msk [tilespmem:v0+s16+$0xC60 ss:$0x1], $0xffff  }
.LBB1_3:
0x87: {  	p1 =	sne.s32 s22, $0x7C;
	[tilespmem:s18+$0x2D60 ss:$0x21] =	vst.msk $0xffff, v7;
	v7 =	vld.idx.msk [tilespmem:v0+s16+$0xC70 ss:$0x1], $0xffff;
	s16 =	sor.u32 s24, s23  }
0x88: {  	s23 =	sand.u32 $0x3200, s16;
	v9 =	vld.idx.msk [tilespmem:v0+s16+$0x410 ss:$0x1], $0xffff;
	[tilespmem:s18+$0x2F70 ss:$0x21] =	vst.msk $0xffff, v6  }
0x89: {  	s24 =	sand.u32 $0x180, s20;
	s23 =	sadd.s32 s23, s15;
	v6 =	vld.idx.msk [tilespmem:v0+s16+$0x420 ss:$0x1], $0xffff;
	[tilespmem:s18+$0x3390 ss:$0x21] =	vst.msk $0xffff, v3  }
0x8a: {  	s23 =	sadd.s32 s24, s23;
	v3 =	vld.idx.msk [tilespmem:v0+s16+$0x430 ss:$0x1], $0xffff;
	[tilespmem:s18+$0x35A0 ss:$0x21] =	vst.msk $0xffff, v1  }
0x8b: {  	v1 =	vld [tilespmem:s23+$0xC00];
	[tilespmem:s18+$0x37B0 ss:$0x21] =	vst.msk $0xffff, v2  }
0x8c: {  	v2 =	vld [tilespmem:s23+$0x0];
	[tilespmem:s18+$0x39C0 ss:$0x21] =	vst.msk $0xffff, v4  }
0x8d: {  	v4 =	vld [tilespmem:s23+$0x10];
	[tilespmem:s18+$0x3BD0 ss:$0x21] =	vst.msk $0xffff, v5  }
0x8e: {  	s24 =	sshra.s32 s19, $0x2;
	s19 =	smov.u32 s22;
	v5 =	vld [tilespmem:s23+$0x20];
	[tilespmem:s18+$0x3DE0 ss:$0x21] =	vst.msk $0xffff, v8  }
0x8f: {  	v8 =	vld [tilespmem:s23+$0x30];
	[tilespmem:s18+$0x3FF0 ss:$0x21] =	vst.msk $0xffff, v7;
	s18 =	sadd.s32 s24, s17  }
0x90: {  	v7 =	vld [tilespmem:s23+$0x40];
	[tilespmem:s18+$0x3180 ss:$0x21] =	vst.msk $0xffff, v1  }
0x91: {  	[tilespmem:s18+$0x0 ss:$0x21] =	vst.msk $0xffff, v2;
	v1 =	vld [tilespmem:s23+$0x50]  }
0x92: {  	[tilespmem:s18+$0x210 ss:$0x21] =	vst.msk $0xffff, v4;
	v2 =	vld [tilespmem:s23+$0x60]  }
0x93: {  	[tilespmem:s18+$0x420 ss:$0x21] =	vst.msk $0xffff, v5;
	v4 =	vld [tilespmem:s23+$0x70]  }
0x94: {  	[tilespmem:s18+$0x630 ss:$0x21] =	vst.msk $0xffff, v8;
	v5 =	vld [tilespmem:s23+$0x400]  }
0x95: {  	[tilespmem:s18+$0x840 ss:$0x21] =	vst.msk $0xffff, v7;
	v7 =	vld [tilespmem:s23+$0x800]  }
0x96: {  	[tilespmem:s18+$0xA50 ss:$0x21] =	vst.msk $0xffff, v1;
	v1 =	vld.idx.msk [tilespmem:v0+s16+$0x440 ss:$0x1], $0xffff  }
0x97: {  	[tilespmem:s18+$0xC60 ss:$0x21] =	vst.msk $0xffff, v2;
	v2 =	vld.idx.msk [tilespmem:v0+s16+$0x450 ss:$0x1], $0xffff  }
0x98: {  	[tilespmem:s18+$0xE70 ss:$0x21] =	vst.msk $0xffff, v4;
	v4 =	vld.idx.msk [tilespmem:v0+s16+$0x460 ss:$0x1], $0xffff  }
0x99: {  	[tilespmem:s18+$0x1080 ss:$0x21] =	vst.msk $0xffff, v5;
	v5 =	vld.idx.msk [tilespmem:v0+s16+$0x470 ss:$0x1], $0xffff  }
0x9a: {  	[tilespmem:s18+$0x2100 ss:$0x21] =	vst.msk $0xffff, v7;
	v8 =	vld.idx.msk [tilespmem:v0+s16+$0x810 ss:$0x1], $0xffff  }
0x9b: {  	[tilespmem:s18+$0x1290 ss:$0x21] =	vst.msk $0xffff, v9;
	v9 =	vld.idx.msk [tilespmem:v0+s16+$0x820 ss:$0x1], $0xffff  }
0x9c: {  	[tilespmem:s18+$0x14A0 ss:$0x21] =	vst.msk $0xffff, v6;
	v10 =	vld.idx.msk [tilespmem:v0+s16+$0x830 ss:$0x1], $0xffff  }
0x9d: {  	[tilespmem:s18+$0x16B0 ss:$0x21] =	vst.msk $0xffff, v3;
	v11 =	vld.idx.msk [tilespmem:v0+s16+$0x840 ss:$0x1], $0xffff  }
0x9e: {  	[tilespmem:s18+$0x18C0 ss:$0x21] =	vst.msk $0xffff, v1;
	v12 =	vld.idx.msk [tilespmem:v0+s16+$0x850 ss:$0x1], $0xffff  }
0x9f: {  	[tilespmem:s18+$0x1AD0 ss:$0x21] =	vst.msk $0xffff, v2;
	v7 =	vld.idx.msk [tilespmem:v0+s16+$0x860 ss:$0x1], $0xffff  }
0xa0: {  	[tilespmem:s18+$0x1CE0 ss:$0x21] =	vst.msk $0xffff, v4;
	v6 =	vld.idx.msk [tilespmem:v0+s16+$0x870 ss:$0x1], $0xffff  }
0xa1: {  	[tilespmem:s18+$0x1EF0 ss:$0x21] =	vst.msk $0xffff, v5;
	v3 =	vld.idx.msk [tilespmem:v0+s16+$0xC10 ss:$0x1], $0xffff  }
.Ltmp3:
0xa2: {  	[tilespmem:s18+$0x2310 ss:$0x21] =	vst.msk $0xffff, v8;
	v1 =	vld.idx.msk [tilespmem:v0+s16+$0xC20 ss:$0x1], $0xffff;
	(pc) =	sbr.rel @p1 .LBB1_3-.Ltmp3, $4  }
0xa3: {  	[tilespmem:s18+$0x2520 ss:$0x21] =	vst.msk $0xffff, v9;
	v2 =	vld.idx.msk [tilespmem:v0+s16+$0xC30 ss:$0x1], $0xffff  }
0xa4: {  	[tilespmem:s18+$0x2730 ss:$0x21] =	vst.msk $0xffff, v10;
	v4 =	vld.idx.msk [tilespmem:v0+s16+$0xC40 ss:$0x1], $0xffff  }
0xa5: {  	s20 =	sadd.s32 $0x80, s20;
	s21 =	sadd.s32 $0x200, s21;
	[tilespmem:s18+$0x2940 ss:$0x21] =	vst.msk $0xffff, v11;
	v5 =	vld.idx.msk [tilespmem:v0+s16+$0xC50 ss:$0x1], $0xffff  }
0xa6: {  	s22 =	sadd.s32 $0x4, s22;
	s24 =	sand.u32 $0x380, s20;
	s23 =	sand.u32 $0x3000, s21;
	[tilespmem:s18+$0x2B50 ss:$0x21] =	vst.msk $0xffff, v12;
	v8 =	vld.idx.msk [tilespmem:v0+s16+$0xC60 ss:$0x1], $0xffff  }
.Ltmp4:
0xa7: {  	_ = 	snop;
	(pc) =	sbr.rel .LBB1_4-.Ltmp4, $1  }
0xa8: {  	_ =	sdelay $0x3  }
.LBB1_6:
0xa9: {  	_ =	sfence.sel $0x180000  }
0xaa: {  	s2 =	simm.s32 $0x1;
	[bflag:$0x0] =	sbarrier.arrive $0xFFFF  }
0xab: {  	s31 =	simm.s32 $0x2;
	[sflag:s2] =	ssyncpa.u1 $0x1  }
0xac: {  	[sflag:s31] =	ssyncpa.u1 $0x1  }
0xad: {  	p0 =	sne.s32 s0, $0x0;
	_ =	strace $0x90000047  }
0xae: {  	s0 =	sadd.s32 @!p0 $0x100000, s1;
	[bflag:$0x2] =	sbarrier.arrive $0xFFFF  }
0xaf: {  	[sflag:s0] =	ssyncadd.tile.s32 @!p0 $0x1;
	_ =	shalt  }
.Lfunc_end1:
_tile_overlayer_lowered:
.L_overlay_start_2:
0xb0: {  	(tag) =	ssettag $0x2  }
0xb1: {  	s0 =	rddreg [dreg:$0x0];
	s2 =	stileid.u32  }
0xb2: {  	s1 =	rddreg [dreg:$0x1];
	p0 =	sne.s32 s2, $0x0  }
0xb3: {  	s3 =	rddreg [dreg:$0x2];
	[bflag:$0x3] =	sbarrier.arrive $0xFFFF;
	s2 =	simm.s32 @!p0 $0x1C01  }
0xb4: {  	[timem:s3], [sflag:s2] =	dma.local @!p0 [hbm:s0], s1  }
0xb5: {  	s0 =	simm.s32 @!p0 $0x1  }
0xb6: {  	_ =	swait.ge @!p0 [sflag:s0], s1  }
0xb7: {  	s1 =	ssub.s32 @!p0 $0x0, s1;
	[sflag:s0] =	ssyncset.done @!p0 $0x0  }
0xb8: {  	[sflag:s0] =	ssyncadd.s32 @!p0 s1  }
0xb9: {  	[bflag:$0x3] =	sbarrier.arrive $0xFFFF  }
0xba: {  	_ =	shalt  }

// kernel: sparse-core-data-format-call.cloned.1.call-start
scs
called_computation_lowered:
.L_overlay_start_0:
0x0: {  	s2 =	sld [smem:$0x3FD9]  }
0x1: {  	s3 =	sld [smem:$0x3FFE];
	_ =	sdelay $0x1  }
0x2: {  	s1 =	srdreg.scid  }
0x3: {  	s0 =	sand.u32 $0x1, s1  }
0x4: {  	s18 =	sshll.u32 s0, $0xA;
	s2 =	sadd.s32 s3, s2  }
0x5: {  	s2 =	sadd.s32 s2, s18  }
0x6: {  	[smem:$0x3FC1] =	sst s2  }
0x7: {  	_ = 	snop  }
0x8: {  	(tm) =	ssettm $0x1  }
0x9: {  	s19 =	sld [smem:$0x3FFB];
	_ =	sdelay $0x3  }
0xa: {  	_ =	strace s19  }
0xb: {  	s2 =	sld [smem:$0x3FFC];
	_ =	sdelay $0x3  }
0xc: {  	_ =	strace s2  }
0xd: {  	s2 =	sld [smem:$0x3FFD];
	_ =	sdelay $0x3  }
0xe: {  	_ =	strace s2  }
0xf: {  	_ =	strace $0x8FFFFFFF  }
0x10: {  	s20 =	sld [smem:$0x3FDB];
	_ =	sdelay $0x1  }
0x11: {  	s21 =	simm.s32 $_scs_section_size  }
0x12: {  	s4 =	simm.s32 $_size__tile_overlayer_lowered;
	s5 =	simm.s32 $_tile_overlayer_lowered  }
0x13: {  	s6 =	simm.s32 $0x1BFF;
	s22 =	sshll.u32 s5, $0x1;
	s3 =	sadd.s32 s21, s20  }
0x14: {  	s23 =	simm.s32 $0x0;
	s4 =	sshll.u32 s4, $0x1;
	s5 =	sadd.s32 s22, s3  }
0x15: {  	[timem:s23], [sflag:s6] =	dma.local [hbm:s5], s4  }
0x16: {  	_ =	swait.ge [sflag:s6], s4  }
0x17: {  	s4 =	ssub.s32 $0x0, s4;
	[sflag:s6] =	ssyncset.done $0x0  }
0x18: {  	[sflag:s6] =	ssyncadd.s32 s4;
	_ =	sdelay $0x1  }
0x19: {  	s24 =	simm.s32 $0x1B8B  }
0x1a: {  	_ =	swait.ge [sflag:s24], $0x1  }
0x1b: {  	[sflag:s24] =	ssyncset.done $0x0  }
0x1c: {  	[sflag:s24] =	ssyncadd.s32 $0xFFFFFFFF  }
0x1d: {  	s4 =	sld [smem:$0x0]  }
0x1e: {  	s5 =	sand.u32 $0xFFFFFFFE, s1  }
0x1f: {  	p0 =	sne.s32 s1, s5  }
0x20: {  	s5 =	sshll.u32 @p0 s5, $0xE  }
0x21: {  	s5 =	sadd.s32 @p0 $0x11B8D, s5;
	s6 =	sshll.u32 @p0 s4, $0x11  }
0x22: {  	s5 =	sor.u32 @p0 s6, s5  }
0x23: {  	[sflag:s5] =	ssyncadd.remote.s32 @p0 $0x1;
	_ =	sdelay $0x1  }
0x24: {  	s5 =	simm.s32 @p0 $0x1B8D  }
0x25: {  	_ =	swait.eq @p0 [sflag:s5], $0x1  }
0x26: {  	[sflag:s5] =	ssyncadd.s32 @p0 $0xFFFFFFFF  }
0x27: {  	s6 =	sshll.u32 @!p0 s1, $0xE  }
0x28: {  	s6 =	sor.u32 @!p0 $0x4000, s6;
	s5 =	simm.s32 @!p0 $0x1B8D  }
0x29: {  	s4 =	sshll.u32 @!p0 s4, $0x11;
	s6 =	sadd.s32 @!p0 $0x11B8D, s6;
	_ =	swait.eq @!p0 [sflag:s5], $0x1  }
0x2a: {  	s4 =	sor.u32 @!p0 s4, s6;
	[sflag:s5] =	ssyncadd.s32 @!p0 $0xFFFFFFFF  }
0x2b: {  	s26 =	simm.s32 $0x1B8E;
	s25 =	sld [smem:$0x3FFE];
	[sflag:s4] =	ssyncadd.remote.s32 @!p0 $0x1  }
0x2c: {  	s27 =	simm.s32 $execute0_lowered;
	[smem:$0x3FD2] =	sst s26  }
0x2d: {  	s5 =	sshll.u32 s27, $0x1;
	_ =	strace $0x80000049;
	[dreg:$0x1] =	wrdreg $0xFFFFFFFF  }
0x2e: {  	s28 =	simm.s32 $_size_execute0_lowered;
	s3 =	sadd.s32 s3, s5;
	[dreg:$0x0] =	wrdreg $0x0  }
0x2f: {  	s5 =	sshll.u32 s28, $0x1;
	[dreg:$0x2] =	wrdreg s3  }
0x30: {  	[dreg:$0x3] =	wrdreg s5  }
0x31: {  	[dreg:$0x4] =	wrdreg $0xC0  }
0x32: {  	_ =	task [dreg:s23], $0x5FFFF  }
0x33: {  	[dreg:$0x1] =	wrdreg $0xFFFFFFFF  }
0x34: {  	[dreg:$0x0] =	wrdreg $0x60  }
0x35: {  	[dreg:$0x2] =	wrdreg s25  }
0x36: {  	[dreg:$0x3] =	wrdreg $0x9  }
0x37: {  	_ =	task.clear_ibuf [dreg:s23], $0x4FFFF;
	_ =	strace $0x90000049  }
0x38: {  	s29 =	simm.s32 $0x9;
	_ =	strace $0x8000004B  }
0x39: {  	_ =	swait.ge [sflag:s29], $0x1  }
0x3a: {  	[sflag:s29] =	ssyncadd.s32 $0xFFFFFFFF  }
0x3b: {  	_ =	strace $0x9000004B  }
0x3c: {  	_ =	sfence  }
0x3d: {  	s30 =	sld [smem:$0x0];
	_ =	sdelay $0x2  }
0x3e: {  	s31 =	sshll.u32 s1, $0xD;
	s1 =	sshrl.u32 s1, $0x2  }
0x3f: {  	s4 =	sand.u32 $0x4000, s31;
	s1 =	sadd.s32 s1, s30  }
0x40: {  	s0 =	sor.u32 s4, s0;
	s1 =	sshll.u32 s1, $0x11  }
0x41: {  	s0 =	sor.u32 s1, s0  }
0x42: {  	s0 =	sadd.s32 $0x8F2B, s0  }
0x43: {  	[sflag:s0] =	ssyncadd.remote.s32 $0x1  }
0x44: {  	_ =	sfence.sel $0xFFFF  }
0x45: {  	[dreg:$0x0] =	wrdreg $0xFFFFFFFF;
	(pc) =	sbr.abs _section_cstart, $3  }
0x46: {  	[dreg:$0x1] =	wrdreg $0xFFFFFFFF  }
0x47: {  	_ =	task.clear_ibuf [dreg:s23], $0x2FFFF;
	_ =	strace $0x9FFFFFFF  }
0x48: {  	(tm) =	ssettm $0x7FFFFFFF  }
0x49: {  	_ =	shalt  }
tec
execute0_lowered:
.L_overlay_start_1:
0x0: {  	(tag) =	ssettag $0x1  }
0x1: {  	s0 =	srdreg.scid  }
0x2: {  	s6 =	rddreg [dreg:$0x0];
	s7 =	simm.s32 $0x1;
	s1 =	sshll.u32 s0, $0x4  }
0x3: {  	s8 =	simm.s32 $0x2;
	s0 =	stileid.u32;
	s1 =	sand.u32 $0x10, s1  }
0x4: {  	s13 =	simm.s32 $0x0;
	s12 =	simm.s32 $0x0;
	s1 =	sor.u32 s0, s1  }
0x5: {  	s10 =	simm.s32 $0x0;
	s3 =	sadd.s32 $0x231C400, s6;
	s2 =	sshll.u32 s1, $0x9  }
0x6: {  	s11 =	simm.s32 $0x0;
	s6 =	sadd.s32 $0x27B0200, s6;
	s5 =	ssub.s32 $0x186A00, s2  }
.Ltmp0:
0x7: {  	s1 =	rddreg [dreg:$0x1];
	s4 =	sand.u32 $0x3E00, s5;
	(pc) =	sbr.rel .LBB1_1-.Ltmp0, $4  }
0x8: {  	_ =	strace $0x8000004A;
	s9 =	smov.u32 s2;
	p0 =	sne.s32 s4, $0x0  }
0x9: {  	s5 =	sshrl.u32 s5, $0xE;
	s4 =	simm.s32 $0x1;
	s7 =	simm.s32 @!p0 $0x0  }
0xa: {  	[sflag:s4] =	ssyncpa.u1 $0x0;
	p0 =	por $0x0, $0x0;
	s5 =	sadd.s32 s7, s5  }
0xb: {  	[sflag:s8] =	ssyncpa.u1 $0x0;
	s8 =	simm.s32 $0x80;
	s7 =	sadd.s32 $0x1, s5  }
.LBB1_4:
0xc: {  	_ = 	snop  }
0xd: {  	[tilespmem:s18+$0x2D60 ss:$0x21] =	vst.msk $0xffff, v7  }
0xe: {  	[tilespmem:s18+$0x2F70 ss:$0x21] =	vst.msk $0xffff, v6  }
0xf: {  	[tilespmem:s18+$0x3390 ss:$0x21] =	vst.msk $0xffff, v3  }
0x10: {  	s21 =	sor.u32 s24, s23;
	v31 =	vld.idx.msk [tilespmem:v0+s16+$0xC70 ss:$0x1], $0xffff;
	[tilespmem:s18+$0x35A0 ss:$0x21] =	vst.msk $0xffff, v1  }
0x11: {  	[tilespmem:s18+$0x37B0 ss:$0x21] =	vst.msk $0xffff, v2;
	v43 =	vld.idx.msk [tilespmem:v0+s21+$0x410 ss:$0x1], $0xffff  }
0x12: {  	[tilespmem:s18+$0x39C0 ss:$0x21] =	vst.msk $0xffff, v4;
	v44 =	vld.idx.msk [tilespmem:v0+s21+$0x420 ss:$0x1], $0xffff  }
0x13: {  	[tilespmem:s18+$0x3BD0 ss:$0x21] =	vst.msk $0xffff, v5;
	s22 =	sand.u32 $0x3200, s21;
	v45 =	vld.idx.msk [tilespmem:v0+s21+$0x430 ss:$0x1], $0xffff  }
0x14: {  	s20 =	sand.u32 $0x180, s20;
	s25 =	sshra.s32 s19, $0x2;
	[tilespmem:s18+$0x3DE0 ss:$0x21] =	vst.msk $0xffff, v8;
	v46 =	vld.idx.msk [tilespmem:v0+s21+$0x440 ss:$0x1], $0xffff;
	s15 =	sadd.s32 s22, s15  }
0x15: {  	v47 =	vld.idx.msk [tilespmem:v0+s21+$0x450 ss:$0x1], $0xffff;
	s24 =	sadd.s32 s20, s15;
	s15 =	sadd.s32 s25, s17;
	[tilespmem:s18+$0x3FF0 ss:$0x21] =	vst.msk $0xffff, v31  }
0x16: {  	v48 =	vld.idx.msk [tilespmem:v0+s21+$0x460 ss:$0x1], $0xffff;
	[tilespmem:s15+$0x1290 ss:$0x21] =	vst.msk $0xffff, v43  }
0x17: {  	v49 =	vld.idx.msk [tilespmem:v0+s21+$0x470 ss:$0x1], $0xffff;
	[tilespmem:s15+$0x14A0 ss:$0x21] =	vst.msk $0xffff, v44  }
0x18: {  	v50 =	vld.idx.msk [tilespmem:v0+s21+$0x810 ss:$0x1], $0xffff;
	[tilespmem:s15+$0x16B0 ss:$0x21] =	vst.msk $0xffff, v45  }
0x19: {  	v51 =	vld.idx.msk [tilespmem:v0+s21+$0x820 ss:$0x1], $0xffff;
	[tilespmem:s15+$0x18C0 ss:$0x21] =	vst.msk $0xffff, v46  }
0x1a: {  	v52 =	vld.idx.msk [tilespmem:v0+s21+$0x830 ss:$0x1], $0xffff;
	[tilespmem:s15+$0x1AD0 ss:$0x21] =	vst.msk $0xffff, v47  }
0x1b: {  	v53 =	vld.idx.msk [tilespmem:v0+s21+$0x840 ss:$0x1], $0xffff;
	[tilespmem:s15+$0x1CE0 ss:$0x21] =	vst.msk $0xffff, v48  }
0x1c: {  	v54 =	vld.idx.msk [tilespmem:v0+s21+$0x850 ss:$0x1], $0xffff;
	[tilespmem:s15+$0x1EF0 ss:$0x21] =	vst.msk $0xffff, v49  }
0x1d: {  	v55 =	vld.idx.msk [tilespmem:v0+s21+$0x860 ss:$0x1], $0xffff;
	[tilespmem:s15+$0x2310 ss:$0x21] =	vst.msk $0xffff, v50  }
0x1e: {  	v56 =	vld.idx.msk [tilespmem:v0+s21+$0x870 ss:$0x1], $0xffff;
	[tilespmem:s15+$0x2520 ss:$0x21] =	vst.msk $0xffff, v51  }
0x1f: {  	v57 =	vld.idx.msk [tilespmem:v0+s21+$0xC10 ss:$0x1], $0xffff;
	[tilespmem:s15+$0x2730 ss:$0x21] =	vst.msk $0xffff, v52  }
0x20: {  	v58 =	vld.idx.msk [tilespmem:v0+s21+$0xC20 ss:$0x1], $0xffff;
	[tilespmem:s15+$0x2940 ss:$0x21] =	vst.msk $0xffff, v53  }
0x21: {  	v59 =	vld.idx.msk [tilespmem:v0+s21+$0xC30 ss:$0x1], $0xffff;
	[tilespmem:s15+$0x2B50 ss:$0x21] =	vst.msk $0xffff, v54  }
0x22: {  	v60 =	vld.idx.msk [tilespmem:v0+s21+$0xC40 ss:$0x1], $0xffff;
	[tilespmem:s15+$0x2D60 ss:$0x21] =	vst.msk $0xffff, v55  }
0x23: {  	v61 =	vld.idx.msk [tilespmem:v0+s21+$0xC50 ss:$0x1], $0xffff;
	[tilespmem:s15+$0x2F70 ss:$0x21] =	vst.msk $0xffff, v56  }
0x24: {  	v62 =	vld.idx.msk [tilespmem:v0+s21+$0xC60 ss:$0x1], $0xffff;
	[tilespmem:s15+$0x3390 ss:$0x21] =	vst.msk $0xffff, v57  }
0x25: {  	v63 =	vld.idx.msk [tilespmem:v0+s21+$0xC70 ss:$0x1], $0xffff;
	[tilespmem:s15+$0x35A0 ss:$0x21] =	vst.msk $0xffff, v58  }
0x26: {  	v32 =	vld [tilespmem:s24+$0xC00];
	[tilespmem:s15+$0x37B0 ss:$0x21] =	vst.msk $0xffff, v59  }
0x27: {  	v33 =	vld [tilespmem:s24+$0x0];
	[tilespmem:s15+$0x39C0 ss:$0x21] =	vst.msk $0xffff, v60  }
0x28: {  	v34 =	vld [tilespmem:s24+$0x10];
	[tilespmem:s15+$0x3BD0 ss:$0x21] =	vst.msk $0xffff, v61  }
0x29: {  	s13 =	sshll.u32 s13, $0x7;
	s26 =	sshll.u32 s12, $0x3;
	v35 =	vld [tilespmem:s24+$0x20];
	[tilespmem:s15+$0x3DE0 ss:$0x21] =	vst.msk $0xffff, v62  }
0x2a: {  	s27 =	sand.u32 $0xFFFFFC00, s13;
	s16 =	sand.u32 $0xFFFFFC00, s26;
	v36 =	vld [tilespmem:s24+$0x30];
	[tilespmem:s15+$0x3FF0 ss:$0x21] =	vst.msk $0xffff, v63  }
0x2b: {  	s13 =	sand.u32 $0x380, s13;
	s16 =	sadd.s32 s16, s27;
	v37 =	vld [tilespmem:s24+$0x40];
	[tilespmem:s15+$0x3180 ss:$0x21] =	vst.msk $0xffff, v32  }
0x2c: {  	s13 =	sor.u32 s13, s16;
	v38 =	vld [tilespmem:s24+$0x50];
	[tilespmem:s15+$0x0 ss:$0x21] =	vst.msk $0xffff, v33  }
0x2d: {  	v39 =	vld [tilespmem:s24+$0x60];
	s13 =	sshrl.u32 s13, $0x7;
	[tilespmem:s15+$0x210 ss:$0x21] =	vst.msk $0xffff, v34  }
0x2e: {  	v40 =	vld [tilespmem:s24+$0x70];
	s28 =	smulhi.u32 $0x14F8B59, s13;
	[tilespmem:s15+$0x420 ss:$0x21] =	vst.msk $0xffff, v35  }
0x2f: {  	v41 =	vld [tilespmem:s24+$0x400];
	[tilespmem:s15+$0x630 ss:$0x21] =	vst.msk $0xffff, v36  }
0x30: {  	v42 =	vld [tilespmem:s24+$0x800];
	s16 =	sshrl.u32 s28, $0xD;
	[tilespmem:s15+$0x840 ss:$0x21] =	vst.msk $0xffff, v37  }
0x31: {  	s16 =	smul.u32 $0x186A00, s16;
	[tilespmem:s15+$0xA50 ss:$0x21] =	vst.msk $0xffff, v38  }
0x32: {  	s29 =	sshrl.u32 s12, $0x3;
	[tilespmem:s15+$0xC60 ss:$0x21] =	vst.msk $0xffff, v39  }
0x33: {  	s31 =	sand.u32 $0x7, s12;
	s30 =	sand.u32 $0xF, s29;
	[tilespmem:s15+$0xE70 ss:$0x21] =	vst.msk $0xffff, v40;
	s13 =	ssub.s32 s13, s16  }
0x34: {  	s12 =	sshll.u32 s31, $0x12;
	[tilespmem:s15+$0x1080 ss:$0x21] =	vst.msk $0xffff, v41;
	s16 =	sadd.s32 s6, s30;
	s13 =	sshll.u32 s13, $0x4  }
0x35: {  	s12 =	sor.u32 $0x20, s12;
	[tilespmem:s15+$0x2100 ss:$0x21] =	vst.msk $0xffff, v42;
	s13 =	sadd.s32 s13, s16  }
0x36: {  	[hbm4b:s13+s12] =	stream.strided.scatter [tilespmem:s14], [sflag:$0x2], $0x4000, s8, s12, $0x10;
	[tilespmem:$0x10400] =	vst v63  }
.LBB1_5:
0x37: {  	s14 =	sadd.s32 $0x4000, s9  }
0x38: {  	s12 =	sadd.s32 $0x20, s10;
	s16 =	smov.u32 s10;
	p2 =	sgt.s32 s14, $0x1869FF  }
0x39: {  	s16 =	smov.u32 @p2 s12  }
0x3a: {  	s14 =	smov.u32 @p2 s2;
	p2 =	sgt.s32 s16, $0x17  }
0x3b: {  	s16 =	simm.s32 @p2 $0x0;
	p2 =	sne.s32 s11, s7  }
.Ltmp1:
0x3c: {  	p1 =	slt.u32 s11, $0x2;
	(pc) =	sbr.rel @!p2 .LBB1_6-.Ltmp1, $4  }
0x3d: {  	s15 =	simm.s32 @!p1 $0x2  }
0x3e: {  	s13 =	smov.u32 s9;
	p0 =	por !p0, !p0;
	_ =	swait.ge @!p1 [sflag:s15], $0x4000  }
0x3f: {  	s12 =	smov.u32 s10;
	[sflag:s15] =	ssyncset.done @!p1 $0x0;
	s9 =	smov.u32 s14  }
0x40: {  	s11 =	sadd.s32 $0x1, s11;
	[sflag:s15] =	ssyncadd.s32 @!p1 $0xFFFFC000;
	s10 =	smov.u32 s16  }
.LBB1_1:
0x41: {  	p1 =	sge.u32 s11, s5  }
0x42: {  	s14 =	sshrl.u32 @!p1 s10, $0x3  }
0x43: {  	s20 =	smov.u32 s9;
	s15 =	sshll.u32 @!p1 s9, $0x3;
	s14 =	smul.u32 @!p1 $0xC35000, s14  }
0x44: {  	s31 =	sadd.s32 $0xFFFFFFFF, s11;
	s16 =	sshll.u32 @!p1 s10, $0x7;
	s15 =	sand.u32 @!p1 $0xFFFFFC00, s15  }
0x45: {  	s17 =	sand.u32 @!p1 $0x7F, s9;
	s14 =	sadd.s32 @!p1 s14, s15;
	s15 =	sand.u32 @!p1 $0x380, s16  }
0x46: {  	p2 =	sgt.s32 @!p1 s10, $0xFFFFFFF8;
	s19 =	sshra.s32 @!p1 s10, $0x1F;
	s14 =	sor.u32 @!p1 s15, s14  }
0x47: {  	s21 =	sshra.s32 @!p1 s9, $0x1F;
	p2 =	por !p2, p1;
	s15 =	sshrl.u32 @!p1 s14, $0x9  }
0x48: {  	s14 =	sor.u32 @!p1 s17, s14;
	s17 =	smov.u32 s10;
	s15 =	smulhi.u32 @!p1 $0xA7C5AD, s15  }
0x49: {  	s19 =	sand.u32 @!p1 s19, s10;
	s17 =	simm.s32 @p2 $0xFFFFFFF8;
	p2 =	sgt.s32 @!p1 s9, $0x186800  }
0x4a: {  	s21 =	sand.u32 @!p1 s21, s9;
	p2 =	por !p2, p1;
	s15 =	sshrl.u32 @!p1 s15, $0x3  }
0x4b: {  	s16 =	sxor.u32 @!p1 $0xFFFFFFFF, s11;
	s20 =	simm.s32 @p2 $0x186800;
	s18 =	smul.u32 @!p1 $0xAAB, s15  }
0x4c: {  	s16 =	sshll.u32 @!p1 s16, $0xE;
	s17 =	ssub.s32 @!p1 s17, s19;
	s19 =	ssub.s32 @!p1 s20, s21  }
0x4d: {  	s20 =	sadd.s32 @!p1 $0x8, s17;
	s17 =	ssub.s32 @!p1 $0x18, s17;
	s18 =	sshrl.u32 @!p1 s18, $0x10  }
0x4e: {  	s21 =	sadd.s32 @!p1 $0xFFE79800, s19;
	p2 =	sgt.s32 @!p1 s20, $0x1F;
	s18 =	smul.u32 @!p1 $0x18, s18  }
0x4f: {  	s19 =	ssub.s32 @!p1 $0x186A00, s19;
	p3 =	sgt.s32 @!p1 s21, $0x1FF;
	p2 =	por !p2, p1  }
0x50: {  	p3 =	por !p3, p1;
	s18 =	ssub.s32 @!p1 s15, s18;
	s15 =	smul.u32 @!p1 $0x186A00, s15  }
0x51: {  	s16 =	sand.u32 @!p1 $0x4000, s16;
	s17 =	simm.s32 @!p2 $0x0;
	s19 =	simm.s32 @!p3 $0x0  }
0x52: {  	s17 =	smul.u32 @!p1 s17, s19;
	s14 =	ssub.s32 @!p1 s14, s15;
	s15 =	sand.u32 @!p1 $0xFFFF, s18  }
0x53: {  	s15 =	smul.u32 @!p1 $0x30D40, s15;
	s18 =	sshrl.u32 @!p1 s14, $0x3;
	s14 =	sand.u32 @!p1 $0x7, s14  }
0x54: {  	s17 =	sand.u32 @!p1 $0x3FFFFFFF, s17;
	s18 =	sadd.s32 @!p1 s3, s18;
	s14 =	sshll.u32 @!p1 s14, $0x12  }
0x55: {  	s15 =	sadd.s32 @!p1 s15, s18;
	s14 =	sor.u32 @!p1 $0x1000, s14;
	s18 =	simm.s32 @!p1 $0xC35000  }
0x56: {  	[tilespmem:s16], [sflag:$0x1] =	stream.strided.gather @!p1 [hbm4b:s15+s14], s17, s18, s14, $0x38;
	[tilespmem:$0x10400] =	vst v63  }
0x57: {  	p1 =	sge.u32 s31, s5  }
.Ltmp2:
0x58: {  	_ = 	snop;
	(pc) =	sbr.rel @p1 .LBB1_5-.Ltmp2, $1  }
0x59: {  	_ =	sdelay $0x3  }
0x5a: {  	p1 =	sgt.s32 s12, $0xFFFFFFF8  }
0x5b: {  	s14 =	smov.u32 s12;
	s15 =	sshra.s32 s12, $0x1F;
	s16 =	smov.u32 s13  }
0x5c: {  	s17 =	sshra.s32 s13, $0x1F;
	s14 =	simm.s32 @!p1 $0xFFFFFFF8;
	p1 =	sgt.s32 s13, $0x186800  }
0x5d: {  	s15 =	sand.u32 s15, s12;
	s24 =	sand.u32 s17, s13;
	s16 =	simm.s32 @!p1 $0x186800  }
0x5e: {  	s14 =	ssub.s32 s14, s15;
	s15 =	ssub.s32 s16, s24  }
0x5f: {  	s25 =	sadd.s32 $0x8, s14;
	s17 =	ssub.s32 $0x18, s14;
	s16 =	sadd.s32 $0xFFE79800, s15  }
0x60: {  	p1 =	sgt.s32 s25, $0x1F;
	s15 =	ssub.s32 $0x186A00, s15;
	p2 =	sgt.s32 s16, $0x1FF  }
0x61: {  	s26 =	sand.u32 $0x1, s11;
	s17 =	simm.s32 @p1 $0x0;
	s15 =	simm.s32 @p2 $0x0  }
0x62: {  	s27 =	smul.u32 s17, s15;
	s15 =	sshll.u32 s26, $0xE  }
0x63: {  	v0 =	vmov s15  }
0x64: {  	s18 =	simm.s32 $0x0;
	s16 =	sand.u32 $0x3FFFFFFF, s27  }
0x65: {  	s29 =	sand.u32 $0x3000, s18;
	_ =	swait.ge [sflag:s4], s16  }
0x66: {  	s19 =	sand.u32 $0x380, s18;
	s28 =	ssub.s32 $0x0, s16;
	[sflag:s4] =	ssyncset.done $0x0  }
0x67: {  	s16 =	sor.u32 s19, s29;
	[sflag:s4] =	ssyncadd.s32 s28  }
0x68: {  	v1 =	vld.idx.msk [tilespmem:v0+s16+$0x410 ss:$0x1], $0xffff  }
0x69: {  	s19 =	simm.s32 $0x1;
	v2 =	vld.idx.msk [tilespmem:v0+s16+$0x420 ss:$0x1], $0xffff  }
0x6a: {  	s19 =	simm.s32 @!p0 $0x0;
	v3 =	vld.idx.msk [tilespmem:v0+s16+$0x430 ss:$0x1], $0xffff  }
0x6b: {  	s30 =	sand.u32 $0x3200, s16;
	s31 =	smul.u32 $0x10800, s19;
	v10 =	vld.idx.msk [tilespmem:v0+s16+$0x820 ss:$0x1], $0xffff  }
0x6c: {  	s18 =	sand.u32 $0x180, s18;
	s17 =	sadd.s32 s30, s15;
	v11 =	vld.idx.msk [tilespmem:v0+s16+$0x830 ss:$0x1], $0xffff  }
0x6d: {  	s20 =	sadd.s32 s18, s17;
	v12 =	vld.idx.msk [tilespmem:v0+s16+$0x840 ss:$0x1], $0xffff;
	s17 =	sshrl.u32 s31, $0x2  }
0x6e: {  	v13 =	vld.idx.msk [tilespmem:v0+s16+$0x850 ss:$0x1], $0xffff;
	s17 =	sor.u32 $0x8000, s17  }
0x6f: {  	v4 =	vld [tilespmem:s20+$0xC00];
	s18 =	sadd.s32 $0x0, s17  }
0x70: {  	v5 =	vld [tilespmem:s20+$0x0];
	[tilespmem:s18+$0x1290 ss:$0x21] =	vst.msk $0xffff, v1  }
0x71: {  	v6 =	vld [tilespmem:s20+$0x10];
	[tilespmem:s18+$0x14A0 ss:$0x21] =	vst.msk $0xffff, v2  }
0x72: {  	v7 =	vld [tilespmem:s20+$0x20];
	[tilespmem:s18+$0x16B0 ss:$0x21] =	vst.msk $0xffff, v3  }
0x73: {  	v8 =	vld [tilespmem:s20+$0x30];
	[tilespmem:s18+$0x2520 ss:$0x21] =	vst.msk $0xffff, v10  }
0x74: {  	v9 =	vld [tilespmem:s20+$0x40];
	[tilespmem:s18+$0x2730 ss:$0x21] =	vst.msk $0xffff, v11  }
0x75: {  	v3 =	vld.idx.msk [tilespmem:v0+s16+$0xC10 ss:$0x1], $0xffff;
	[tilespmem:s18+$0x2940 ss:$0x21] =	vst.msk $0xffff, v12  }
0x76: {  	v1 =	vld.idx.msk [tilespmem:v0+s16+$0xC20 ss:$0x1], $0xffff;
	[tilespmem:s18+$0x2B50 ss:$0x21] =	vst.msk $0xffff, v13  }
0x77: {  	v2 =	vld.idx.msk [tilespmem:v0+s16+$0xC30 ss:$0x1], $0xffff;
	[tilespmem:s18+$0x3180 ss:$0x21] =	vst.msk $0xffff, v4  }
0x78: {  	[tilespmem:s18+$0x0 ss:$0x21] =	vst.msk $0xffff, v5;
	v4 =	vld [tilespmem:s20+$0x50]  }
0x79: {  	[tilespmem:s18+$0x210 ss:$0x21] =	vst.msk $0xffff, v6;
	v6 =	vld [tilespmem:s20+$0x70]  }
0x7a: {  	v5 =	vld [tilespmem:s20+$0x60];
	[tilespmem:s18+$0x420 ss:$0x21] =	vst.msk $0xffff, v7  }
0x7b: {  	[tilespmem:s18+$0x630 ss:$0x21] =	vst.msk $0xffff, v8;
	v7 =	vld [tilespmem:s20+$0x400]  }
0x7c: {  	[tilespmem:s18+$0x840 ss:$0x21] =	vst.msk $0xffff, v9;
	v8 =	vld [tilespmem:s20+$0x800]  }
0x7d: {  	v9 =	vld.idx.msk [tilespmem:v0+s16+$0x470 ss:$0x1], $0xffff;
	[tilespmem:s18+$0xA50 ss:$0x21] =	vst.msk $0xffff, v4  }
0x7e: {  	[tilespmem:s18+$0xE70 ss:$0x21] =	vst.msk $0xffff, v6;
	v6 =	vld.idx.msk [tilespmem:v0+s16+$0x460 ss:$0x1], $0xffff  }
0x7f: {  	v4 =	vld.idx.msk [tilespmem:v0+s16+$0x440 ss:$0x1], $0xffff;
	[tilespmem:s18+$0xC60 ss:$0x21] =	vst.msk $0xffff, v5  }
0x80: {  	v5 =	vld.idx.msk [tilespmem:v0+s16+$0x450 ss:$0x1], $0xffff;
	[tilespmem:s18+$0x1080 ss:$0x21] =	vst.msk $0xffff, v7  }
0x81: {  	[tilespmem:s18+$0x2100 ss:$0x21] =	vst.msk $0xffff, v8;
	v8 =	vld.idx.msk [tilespmem:v0+s16+$0x810 ss:$0x1], $0xffff  }
0x82: {  	v7 =	vld.idx.msk [tilespmem:v0+s16+$0x860 ss:$0x1], $0xffff;
	[tilespmem:s18+$0x1EF0 ss:$0x21] =	vst.msk $0xffff, v9  }
0x83: {  	s14 =	smul.u32 $0x10800, s26;
	[tilespmem:s18+$0x1CE0 ss:$0x21] =	vst.msk $0xffff, v6;
	v6 =	vld.idx.msk [tilespmem:v0+s16+$0x870 ss:$0x1], $0xffff  }
0x84: {  	s21 =	simm.s32 $0x200;
	s22 =	simm.s32 $0x8;
	[tilespmem:s18+$0x18C0 ss:$0x21] =	vst.msk $0xffff, v4;
	v4 =	vld.idx.msk [tilespmem:v0+s16+$0xC40 ss:$0x1], $0xffff  }
0x85: {  	s23 =	sand.u32 $0x3000, s21;
	s14 =	sshrl.u32 s14, $0x2;
	s20 =	simm.s32 $0x80;
	[tilespmem:s18+$0x1AD0 ss:$0x21] =	vst.msk $0xffff, v5;
	v5 =	vld.idx.msk [tilespmem:v0+s16+$0xC50 ss:$0x1], $0xffff  }
0x86: {  	s14 =	sor.u32 $0x8000, s14;
	s19 =	simm.s32 $0x4;
	s24 =	sand.u32 $0x380, s20;
	[tilespmem:s18+$0x2310 ss:$0x21] =	vst.msk $0xffff, v8;
	v8 =	vld.idx.msk [tilespmem:v0+s16+$0xC60 ss:$0x1], $0xffff  }
.LBB1_3:
0x87: {  	p1 =	sne.s32 s22, $0x7C;
	[tilespmem:s18+$0x2D60 ss:$0x21] =	vst.msk $0xffff, v7;
	v7 =	vld.idx.msk [tilespmem:v0+s16+$0xC70 ss:$0x1], $0xffff;
	s16 =	sor.u32 s24, s23  }
0x88: {  	s23 =	sand.u32 $0x3200, s16;
	v9 =	vld.idx.msk [tilespmem:v0+s16+$0x410 ss:$0x1], $0xffff;
	[tilespmem:s18+$0x2F70 ss:$0x21] =	vst.msk $0xffff, v6  }
0x89: {  	s24 =	sand.u32 $0x180, s20;
	s23 =	sadd.s32 s23, s15;
	v6 =	vld.idx.msk [tilespmem:v0+s16+$0x420 ss:$0x1], $0xffff;
	[tilespmem:s18+$0x3390 ss:$0x21] =	vst.msk $0xffff, v3  }
0x8a: {  	s23 =	sadd.s32 s24, s23;
	v3 =	vld.idx.msk [tilespmem:v0+s16+$0x430 ss:$0x1], $0xffff;
	[tilespmem:s18+$0x35A0 ss:$0x21] =	vst.msk $0xffff, v1  }
0x8b: {  	v1 =	vld [tilespmem:s23+$0xC00];
	[tilespmem:s18+$0x37B0 ss:$0x21] =	vst.msk $0xffff, v2  }
0x8c: {  	v2 =	vld [tilespmem:s23+$0x0];
	[tilespmem:s18+$0x39C0 ss:$0x21] =	vst.msk $0xffff, v4  }
0x8d: {  	v4 =	vld [tilespmem:s23+$0x10];
	[tilespmem:s18+$0x3BD0 ss:$0x21] =	vst.msk $0xffff, v5  }
0x8e: {  	s24 =	sshra.s32 s19, $0x2;
	s19 =	smov.u32 s22;
	v5 =	vld [tilespmem:s23+$0x20];
	[tilespmem:s18+$0x3DE0 ss:$0x21] =	vst.msk $0xffff, v8  }
0x8f: {  	v8 =	vld [tilespmem:s23+$0x30];
	[tilespmem:s18+$0x3FF0 ss:$0x21] =	vst.msk $0xffff, v7;
	s18 =	sadd.s32 s24, s17  }
0x90: {  	v7 =	vld [tilespmem:s23+$0x40];
	[tilespmem:s18+$0x3180 ss:$0x21] =	vst.msk $0xffff, v1  }
0x91: {  	[tilespmem:s18+$0x0 ss:$0x21] =	vst.msk $0xffff, v2;
	v1 =	vld [tilespmem:s23+$0x50]  }
0x92: {  	[tilespmem:s18+$0x210 ss:$0x21] =	vst.msk $0xffff, v4;
	v2 =	vld [tilespmem:s23+$0x60]  }
0x93: {  	[tilespmem:s18+$0x420 ss:$0x21] =	vst.msk $0xffff, v5;
	v4 =	vld [tilespmem:s23+$0x70]  }
0x94: {  	[tilespmem:s18+$0x630 ss:$0x21] =	vst.msk $0xffff, v8;
	v5 =	vld [tilespmem:s23+$0x400]  }
0x95: {  	[tilespmem:s18+$0x840 ss:$0x21] =	vst.msk $0xffff, v7;
	v7 =	vld [tilespmem:s23+$0x800]  }
0x96: {  	[tilespmem:s18+$0xA50 ss:$0x21] =	vst.msk $0xffff, v1;
	v1 =	vld.idx.msk [tilespmem:v0+s16+$0x440 ss:$0x1], $0xffff  }
0x97: {  	[tilespmem:s18+$0xC60 ss:$0x21] =	vst.msk $0xffff, v2;
	v2 =	vld.idx.msk [tilespmem:v0+s16+$0x450 ss:$0x1], $0xffff  }
0x98: {  	[tilespmem:s18+$0xE70 ss:$0x21] =	vst.msk $0xffff, v4;
	v4 =	vld.idx.msk [tilespmem:v0+s16+$0x460 ss:$0x1], $0xffff  }
0x99: {  	[tilespmem:s18+$0x1080 ss:$0x21] =	vst.msk $0xffff, v5;
	v5 =	vld.idx.msk [tilespmem:v0+s16+$0x470 ss:$0x1], $0xffff  }
0x9a: {  	[tilespmem:s18+$0x2100 ss:$0x21] =	vst.msk $0xffff, v7;
	v8 =	vld.idx.msk [tilespmem:v0+s16+$0x810 ss:$0x1], $0xffff  }
0x9b: {  	[tilespmem:s18+$0x1290 ss:$0x21] =	vst.msk $0xffff, v9;
	v9 =	vld.idx.msk [tilespmem:v0+s16+$0x820 ss:$0x1], $0xffff  }
0x9c: {  	[tilespmem:s18+$0x14A0 ss:$0x21] =	vst.msk $0xffff, v6;
	v10 =	vld.idx.msk [tilespmem:v0+s16+$0x830 ss:$0x1], $0xffff  }
0x9d: {  	[tilespmem:s18+$0x16B0 ss:$0x21] =	vst.msk $0xffff, v3;
	v11 =	vld.idx.msk [tilespmem:v0+s16+$0x840 ss:$0x1], $0xffff  }
0x9e: {  	[tilespmem:s18+$0x18C0 ss:$0x21] =	vst.msk $0xffff, v1;
	v12 =	vld.idx.msk [tilespmem:v0+s16+$0x850 ss:$0x1], $0xffff  }
0x9f: {  	[tilespmem:s18+$0x1AD0 ss:$0x21] =	vst.msk $0xffff, v2;
	v7 =	vld.idx.msk [tilespmem:v0+s16+$0x860 ss:$0x1], $0xffff  }
0xa0: {  	[tilespmem:s18+$0x1CE0 ss:$0x21] =	vst.msk $0xffff, v4;
	v6 =	vld.idx.msk [tilespmem:v0+s16+$0x870 ss:$0x1], $0xffff  }
0xa1: {  	[tilespmem:s18+$0x1EF0 ss:$0x21] =	vst.msk $0xffff, v5;
	v3 =	vld.idx.msk [tilespmem:v0+s16+$0xC10 ss:$0x1], $0xffff  }
.Ltmp3:
0xa2: {  	[tilespmem:s18+$0x2310 ss:$0x21] =	vst.msk $0xffff, v8;
	v1 =	vld.idx.msk [tilespmem:v0+s16+$0xC20 ss:$0x1], $0xffff;
	(pc) =	sbr.rel @p1 .LBB1_3-.Ltmp3, $4  }
0xa3: {  	[tilespmem:s18+$0x2520 ss:$0x21] =	vst.msk $0xffff, v9;
	v2 =	vld.idx.msk [tilespmem:v0+s16+$0xC30 ss:$0x1], $0xffff  }
0xa4: {  	[tilespmem:s18+$0x2730 ss:$0x21] =	vst.msk $0xffff, v10;
	v4 =	vld.idx.msk [tilespmem:v0+s16+$0xC40 ss:$0x1], $0xffff  }
0xa5: {  	s20 =	sadd.s32 $0x80, s20;
	s21 =	sadd.s32 $0x200, s21;
	[tilespmem:s18+$0x2940 ss:$0x21] =	vst.msk $0xffff, v11;
	v5 =	vld.idx.msk [tilespmem:v0+s16+$0xC50 ss:$0x1], $0xffff  }
0xa6: {  	s22 =	sadd.s32 $0x4, s22;
	s24 =	sand.u32 $0x380, s20;
	s23 =	sand.u32 $0x3000, s21;
	[tilespmem:s18+$0x2B50 ss:$0x21] =	vst.msk $0xffff, v12;
	v8 =	vld.idx.msk [tilespmem:v0+s16+$0xC60 ss:$0x1], $0xffff  }
.Ltmp4:
0xa7: {  	_ = 	snop;
	(pc) =	sbr.rel .LBB1_4-.Ltmp4, $1  }
0xa8: {  	_ =	sdelay $0x3  }
.LBB1_6:
0xa9: {  	_ =	sfence.sel $0x180000  }
0xaa: {  	s2 =	simm.s32 $0x1;
	[bflag:$0x0] =	sbarrier.arrive $0xFFFF  }
0xab: {  	s31 =	simm.s32 $0x2;
	[sflag:s2] =	ssyncpa.u1 $0x1  }
0xac: {  	[sflag:s31] =	ssyncpa.u1 $0x1  }
0xad: {  	p0 =	sne.s32 s0, $0x0;
	_ =	strace $0x9000004A  }
0xae: {  	s0 =	sadd.s32 @!p0 $0x100000, s1;
	[bflag:$0x2] =	sbarrier.arrive $0xFFFF  }
0xaf: {  	[sflag:s0] =	ssyncadd.tile.s32 @!p0 $0x1;
	_ =	shalt  }
.Lfunc_end1:
_tile_overlayer_lowered:
.L_overlay_start_2:
0xb0: {  	(tag) =	ssettag $0x2  }
0xb1: {  	s0 =	rddreg [dreg:$0x0];
	s2 =	stileid.u32  }
0xb2: {  	s1 =	rddreg [dreg:$0x1];
	p0 =	sne.s32 s2, $0x0  }
0xb3: {  	s3 =	rddreg [dreg:$0x2];
	[bflag:$0x3] =	sbarrier.arrive $0xFFFF;
	s2 =	simm.s32 @!p0 $0x1C01  }
0xb4: {  	[timem:s3], [sflag:s2] =	dma.local @!p0 [hbm:s0], s1  }
0xb5: {  	s0 =	simm.s32 @!p0 $0x1  }
0xb6: {  	_ =	swait.ge @!p0 [sflag:s0], s1  }
0xb7: {  	s1 =	ssub.s32 @!p0 $0x0, s1;
	[sflag:s0] =	ssyncset.done @!p0 $0x0  }
0xb8: {  	[sflag:s0] =	ssyncadd.s32 @!p0 s1  }
0xb9: {  	[bflag:$0x3] =	sbarrier.arrive $0xFFFF  }
0xba: {  	_ =	shalt  }

</sc_bundles>
